<compile_context>
chip_gen: v7x
topology: tpu7x:2x2x1
jax: 0.10.2.dev20260603
libtpu: 0.0.44.dev20260713+nightly
codegen_flags: <defaults>
</compile_context>

<pallas_src>
import functools

import jax
import jax.numpy as jnp
import numpy as np
from jax import lax
from jax.experimental import pallas as pl
from jax.experimental.pallas import tpu as pltpu
from jax.experimental.pallas import tpu_sc as plsc

_B = 16384
_L = 200
_H = 64
_BT = _B * _L
_NP = _BT // 2
_PPR = _L // 2
_NW = 32
_PPW = _NP // _NW
_PCHUNK = 200
_NIDX = 100
_NCH = _PPW // _PCHUNK
_SROWS = 16
_CPS = _SROWS * _NIDX // _PCHUNK
_NSUP = _NCH // _CPS
_PRB = _PPW // _NIDX

_TCBLK = 2048


def _tc_body(x_ref, s_ref, o_ref):
    y = x_ref[...].astype(jnp.float32)
    p = jnp.dot(y, s_ref[...], preferred_element_type=jnp.float32)
    o_ref[...] = p.astype(jnp.int32)


_tc_pidx = pl.pallas_call(
    _tc_body,
    grid=(_B // _TCBLK,),
    in_specs=[
        pl.BlockSpec((_TCBLK, _L), lambda i: (i, 0)),
        pl.BlockSpec((_L, _PPR), lambda i: (0, 0)),
    ],
    out_specs=pl.BlockSpec((_TCBLK, _PPR), lambda i: (i, 0)),
    out_shape=jax.ShapeDtypeStruct((_B, _PPR), jnp.int32),
)


def _build_sc():
    mesh = plsc.VectorSubcoreMesh(core_axis_name="c", subcore_axis_name="s")

    @functools.partial(
        pl.kernel,
        mesh=mesh,
        out_type=jax.ShapeDtypeStruct((_NP, 2 * _H), jnp.float32),
        scratch_types=[
            pltpu.VMEM_SHARED((100, 2 * _H), jnp.float32),
            pltpu.VMEM((_SROWS, _NIDX), jnp.int32),
            pltpu.VMEM((_SROWS, _NIDX), jnp.int32),
            pltpu.VMEM((_PCHUNK, 2 * _H), jnp.float32),
            pltpu.VMEM((_PCHUNK, 2 * _H), jnp.float32),
            pltpu.SemaphoreType.DMA,
            pltpu.SemaphoreType.DMA,
            pltpu.SemaphoreType.DMA,
            pltpu.SemaphoreType.DMA,
        ],
    )
    def k(tab2_hbm, pidx_hbm, out_hbm,
          tab_sh, psup0, psup1, rows0, rows1, sg0, sg1, so0, so1):
        P = (psup0, psup1)
        rows = (rows0, rows1)
        sg = (sg0, sg1)
        so = (so0, so1)
        cid = lax.axis_index("c")
        sid = lax.axis_index("s")
        wid = sid * 2 + cid
        pair_base = wid * _PPW
        prow_base = wid * _PRB

        @pl.when(sid == 0)
        def _stage_table():
            pltpu.sync_copy(tab2_hbm, tab_sh)

        plsc.subcore_barrier()

        def load_sup(t, pb):
            pltpu.sync_copy(
                pidx_hbm.at[pl.ds(prow_base + t * _SROWS, _SROWS)], P[pb]
            )

        def start_gather(b, pb, lrow):
            for j in range(2):
                pltpu.async_copy(
                    tab_sh.at[P[pb].at[lrow + j]],
                    rows[b].at[pl.ds(j * _NIDX, _NIDX)],
                    sg[b],
                )

        def wait_rows(b, sem):
            pltpu.make_async_copy(
                out_hbm.at[pl.ds(0, _PCHUNK)], rows[b], sem
            ).wait()

        def start_write(c, b):
            off = pair_base + c * _PCHUNK
            pltpu.async_copy(rows[b], out_hbm.at[pl.ds(off, _PCHUNK)], so[b])

        def step(c, m, nxt):
            b = m % 2
            wait_rows(b, sg[b])
            start_write(c, b)
            if nxt is not None:
                wait_rows(b, so[b])
                start_gather(b, nxt[0], nxt[1])

        load_sup(0, 0)
        start_gather(0, 0, 0)
        start_gather(1, 0, 2)

        def body(s2, carry):
            for half in (0, 1):
                t = 2 * s2 + half
                me = half
                load_sup(t + 1, 1 - me)
                for m in range(_CPS):
                    c = t * _CPS + m
                    if m < _CPS - 2:
                        nxt = (me, 2 * (m + 2))
                    else:
                        nxt = (1 - me, 2 * (m - (_CPS - 2)))
                    step(c, m, nxt)
            return carry

        lax.fori_loop(0, _NSUP // 2 - 1, body, 0)

        t = _NSUP - 2
        load_sup(t + 1, 1)
        for m in range(_CPS):
            c = t * _CPS + m
            if m < _CPS - 2:
                nxt = (0, 2 * (m + 2))
            else:
                nxt = (1, 2 * (m - (_CPS - 2)))
            step(c, m, nxt)
        t = _NSUP - 1
        for m in range(_CPS):
            c = t * _CPS + m
            nxt = (1, 2 * (m + 2)) if m < _CPS - 2 else None
            step(c, m, nxt)

        for b in (0, 1):
            wait_rows(b, so[b])

    return k


_sc_gather = _build_sc()


def _sel_matrix():
    s = np.zeros((_L, _PPR), np.float32)
    q = np.arange(_PPR)
    s[2 * q, q] = 10.0
    s[2 * q + 1, q] = 1.0
    return s


_S = _sel_matrix()


def kernel(x, table):
    tab2 = jnp.concatenate(
        [jnp.repeat(table, 10, axis=0), jnp.tile(table, (10, 1))], axis=1
    )
    pidx = _tc_pidx(x.astype(jnp.int32), jnp.asarray(_S))
    out = _sc_gather(tab2, pidx)
    return out.reshape(_B, _L, _H)

# --- scband reference (transcript-rebuilt; emitter-appended) ---
"""Pipeline reference for scband-embedding-layer-53420803227766 (READ-ONLY COPY).

The authoritative reference and input builder live on the scoring server;
editing this copy changes nothing except your own understanding.
"""

import jax, jax.numpy as jnp
import numpy as np

BATCH_SIZE = 16384
HIST_LEN = 200
HIDDEN_DIM = 64
VOCAB = 10

def setup_inputs(seed: int = 0) -> dict:
    key = jax.random.key(seed)
    k1, k2 = jax.random.split(key)
    x = jax.random.randint(k1, (BATCH_SIZE, HIST_LEN), 0, VOCAB, dtype=jnp.int64 if jax.config.jax_enable_x64 else jnp.int32)
    # embedding table: nn.Embedding default init is N(0, 1)
    table = jax.random.normal(k2, (VOCAB, HIDDEN_DIM), dtype=jnp.float32)
    return {"x": x, "table": table}

def reference(x, table):
    # x = self.embedding(x)
    emb = jnp.take(table, x, axis=0)  # [B, L, H]
    # x = x.view(BATCH_SIZE, -1, HIDDEN_DIM)
    out = emb.reshape(BATCH_SIZE, -1, HIDDEN_DIM)
    return out

if __name__ == "__main__":
    import jax
    _d = setup_inputs()
    print(jax.jit(kernel)(*tuple(_d.values())))

</pallas_src>

<mosaic_0001>
#map = affine_map<(d0, d1) -> (0, 0)>
module attributes {stable_mosaic.version = 14 : i64} {
  func.func @k(%arg0: i32, %arg1: i32, %arg2: memref<100x128xf32, #tpu.memory_space<hbm>>, %arg3: memref<16384x100xi32, #tpu.memory_space<hbm>>, %arg4: memref<1638400x128xf32, #tpu.memory_space<hbm>>, %arg5: memref<100x128xf32, #tpu.memory_space<vmem_shared>>, %arg6: memref<16x100xi32, #tpu.memory_space<vmem>>, %arg7: memref<16x100xi32, #tpu.memory_space<vmem>>, %arg8: memref<200x128xf32, #tpu.memory_space<vmem>>, %arg9: memref<200x128xf32, #tpu.memory_space<vmem>>, %arg10: memref<!tpu.dma_semaphore, #tpu.memory_space<semaphore_mem>>, %arg11: memref<!tpu.dma_semaphore, #tpu.memory_space<semaphore_mem>>, %arg12: memref<!tpu.dma_semaphore, #tpu.memory_space<semaphore_mem>>, %arg13: memref<!tpu.dma_semaphore, #tpu.memory_space<semaphore_mem>>) attributes {dimension_semantics = [#tpu.dimension_semantics<core_parallel>, #tpu.dimension_semantics<subcore_parallel>], iteration_bounds = array<i64: 2, 16>, scalar_prefetch = 0 : i64, scratch_operands = 9 : i64, tpu.core_type = #tpu.core_type<sc_vector_subcore>, window_params = [{transform_indices = #map}, {transform_indices = #map}, {transform_indices = #map}]} {
    %mul3A = arith.constant 2 : i32
    %mul3A_0 = arith.muli %arg1, %mul3A : i32
    %add3A = arith.addi %mul3A_0, %arg0 : i32
    %mul3A_1 = arith.constant 51200 : i32
    %mul3A_2 = arith.muli %add3A, %mul3A_1 : i32
    %mul3A_3 = arith.constant 512 : i32
    %mul3A_4 = arith.muli %add3A, %mul3A_3 : i32
    %eq3A = arith.constant 0 : i32
    %eq3A_5 = arith.cmpi eq, %arg1, %eq3A : i32
    %convert_element_type3A = arith.extui %eq3A_5 : i1 to i32
    %cond3A = arith.constant 0 : i32
    %cond3A_6 = arith.cmpi ne, %convert_element_type3A, %cond3A : i32
    scf.if %cond3A_6 {
      "tpu.region"() ({
        %run_scoped3A = tpu.sem_alloc : memref<!tpu.dma_semaphore, #tpu.memory_space<semaphore_mem>>
        tpu.enqueue_dma source(%arg2 : memref<100x128xf32, #tpu.memory_space<hbm>>) target(%arg5 : memref<100x128xf32, #tpu.memory_space<vmem_shared>>) target_semaphore(%run_scoped3A : memref<!tpu.dma_semaphore, #tpu.memory_space<semaphore_mem>>)
        tpu.wait_dma2 semaphore(%run_scoped3A : memref<!tpu.dma_semaphore, #tpu.memory_space<semaphore_mem>>) src(%arg2 : memref<100x128xf32, #tpu.memory_space<hbm>>) dst(%arg5 : memref<100x128xf32, #tpu.memory_space<vmem_shared>>)
        tpu.yield
      }) : () -> ()
    } else {
    }
    %barrier3A = arith.constant 0 : index
    tpu.barrier barrier_id(%barrier3A)
    %add3A_7 = arith.constant 0 : i32
    %add3A_8 = arith.addi %mul3A_4, %add3A_7 : i32
    "tpu.region"() ({
      %run_scoped3A = tpu.sem_alloc : memref<!tpu.dma_semaphore, #tpu.memory_space<semaphore_mem>>
      %dma_start3A_622 = arith.constant 0 : i32
      %dma_start3A_623 = tpu.memref_slice %arg3[%add3A_8, %dma_start3A_622] : memref<16384x100xi32, #tpu.memory_space<hbm>> -> memref<16x100xi32, #tpu.memory_space<hbm>>
      %dma_start3A_624 = arith.constant 0 : i32
      %dma_start3A_625 = tpu.memref_slice %arg3[%add3A_8, %dma_start3A_624] : memref<16384x100xi32, #tpu.memory_space<hbm>> -> memref<16x100xi32, #tpu.memory_space<hbm>>
      tpu.enqueue_dma source(%dma_start3A_625 : memref<16x100xi32, #tpu.memory_space<hbm>>) target(%arg6 : memref<16x100xi32, #tpu.memory_space<vmem>>) target_semaphore(%run_scoped3A : memref<!tpu.dma_semaphore, #tpu.memory_space<semaphore_mem>>)
      %dma_wait3A_626 = arith.constant 0 : i32
      %dma_wait3A_627 = tpu.memref_slice %arg3[%add3A_8, %dma_wait3A_626] : memref<16384x100xi32, #tpu.memory_space<hbm>> -> memref<16x100xi32, #tpu.memory_space<hbm>>
      %dma_wait3A_628 = arith.constant 0 : i32
      %dma_wait3A_629 = tpu.memref_slice %arg3[%add3A_8, %dma_wait3A_628] : memref<16384x100xi32, #tpu.memory_space<hbm>> -> memref<16x100xi32, #tpu.memory_space<hbm>>
      tpu.wait_dma2 semaphore(%run_scoped3A : memref<!tpu.dma_semaphore, #tpu.memory_space<semaphore_mem>>) src(%dma_wait3A_629 : memref<16x100xi32, #tpu.memory_space<hbm>>) dst(%arg6 : memref<16x100xi32, #tpu.memory_space<vmem>>)
      tpu.yield
    }) : () -> ()
    %dma_start3A = arith.constant 0 : i32
    %dma_start3A_9 = arith.constant 0 : i32
    %dma_start3A_10 = arith.constant 0 : i32
    %dma_start3A_11 = tpu.memref_slice %arg8[%dma_start3A_9, %dma_start3A_10] : memref<200x128xf32, #tpu.memory_space<vmem>> -> memref<100x128xf32, #tpu.memory_space<vmem>>
    %dma_start3A_12 = arith.constant 0 : i32
    %dma_start3A_13 = tpu.memref_slice %arg6[%dma_start3A, %dma_start3A_12] : memref<16x100xi32, #tpu.memory_space<vmem>> -> memref<1x100xi32, #tpu.memory_space<vmem>>
    %dma_start3A_14 = tpu.memref_squeeze %dma_start3A_13 : memref<1x100xi32, #tpu.memory_space<vmem>> -> memref<100xi32, #tpu.memory_space<vmem>>
    %dma_start3A_15 = arith.constant 0 : i32
    %dma_start3A_16 = arith.constant 0 : i32
    %dma_start3A_17 = tpu.memref_slice %arg5[%dma_start3A_15, %dma_start3A_16] : memref<100x128xf32, #tpu.memory_space<vmem_shared>> -> memref<100x128xf32, #tpu.memory_space<vmem_shared>>
    tpu.enqueue_indirect_dma source(%dma_start3A_17 : memref<100x128xf32, #tpu.memory_space<vmem_shared>>) target(%dma_start3A_11 : memref<100x128xf32, #tpu.memory_space<vmem>>) offsets(%dma_start3A_14 : memref<100xi32, #tpu.memory_space<vmem>>) semaphore(%arg10 : memref<!tpu.dma_semaphore, #tpu.memory_space<semaphore_mem>>)
    %dma_start3A_18 = arith.constant 1 : i32
    %dma_start3A_19 = arith.constant 100 : i32
    %dma_start3A_20 = arith.constant 0 : i32
    %dma_start3A_21 = tpu.memref_slice %arg8[%dma_start3A_19, %dma_start3A_20] : memref<200x128xf32, #tpu.memory_space<vmem>> -> memref<100x128xf32, #tpu.memory_space<vmem>>
    %dma_start3A_22 = arith.constant 0 : i32
    %dma_start3A_23 = tpu.memref_slice %arg6[%dma_start3A_18, %dma_start3A_22] : memref<16x100xi32, #tpu.memory_space<vmem>> -> memref<1x100xi32, #tpu.memory_space<vmem>>
    %dma_start3A_24 = tpu.memref_squeeze %dma_start3A_23 : memref<1x100xi32, #tpu.memory_space<vmem>> -> memref<100xi32, #tpu.memory_space<vmem>>
    %dma_start3A_25 = arith.constant 0 : i32
    %dma_start3A_26 = arith.constant 0 : i32
    %dma_start3A_27 = tpu.memref_slice %arg5[%dma_start3A_25, %dma_start3A_26] : memref<100x128xf32, #tpu.memory_space<vmem_shared>> -> memref<100x128xf32, #tpu.memory_space<vmem_shared>>
    tpu.enqueue_indirect_dma source(%dma_start3A_27 : memref<100x128xf32, #tpu.memory_space<vmem_shared>>) target(%dma_start3A_21 : memref<100x128xf32, #tpu.memory_space<vmem>>) offsets(%dma_start3A_24 : memref<100xi32, #tpu.memory_space<vmem>>) semaphore(%arg10 : memref<!tpu.dma_semaphore, #tpu.memory_space<semaphore_mem>>)
    %dma_start3A_28 = arith.constant 2 : i32
    %dma_start3A_29 = arith.constant 0 : i32
    %dma_start3A_30 = arith.constant 0 : i32
    %dma_start3A_31 = tpu.memref_slice %arg9[%dma_start3A_29, %dma_start3A_30] : memref<200x128xf32, #tpu.memory_space<vmem>> -> memref<100x128xf32, #tpu.memory_space<vmem>>
    %dma_start3A_32 = arith.constant 0 : i32
    %dma_start3A_33 = tpu.memref_slice %arg6[%dma_start3A_28, %dma_start3A_32] : memref<16x100xi32, #tpu.memory_space<vmem>> -> memref<1x100xi32, #tpu.memory_space<vmem>>
    %dma_start3A_34 = tpu.memref_squeeze %dma_start3A_33 : memref<1x100xi32, #tpu.memory_space<vmem>> -> memref<100xi32, #tpu.memory_space<vmem>>
    %dma_start3A_35 = arith.constant 0 : i32
    %dma_start3A_36 = arith.constant 0 : i32
    %dma_start3A_37 = tpu.memref_slice %arg5[%dma_start3A_35, %dma_start3A_36] : memref<100x128xf32, #tpu.memory_space<vmem_shared>> -> memref<100x128xf32, #tpu.memory_space<vmem_shared>>
    tpu.enqueue_indirect_dma source(%dma_start3A_37 : memref<100x128xf32, #tpu.memory_space<vmem_shared>>) target(%dma_start3A_31 : memref<100x128xf32, #tpu.memory_space<vmem>>) offsets(%dma_start3A_34 : memref<100xi32, #tpu.memory_space<vmem>>) semaphore(%arg11 : memref<!tpu.dma_semaphore, #tpu.memory_space<semaphore_mem>>)
    %dma_start3A_38 = arith.constant 3 : i32
    %dma_start3A_39 = arith.constant 100 : i32
    %dma_start3A_40 = arith.constant 0 : i32
    %dma_start3A_41 = tpu.memref_slice %arg9[%dma_start3A_39, %dma_start3A_40] : memref<200x128xf32, #tpu.memory_space<vmem>> -> memref<100x128xf32, #tpu.memory_space<vmem>>
    %dma_start3A_42 = arith.constant 0 : i32
    %dma_start3A_43 = tpu.memref_slice %arg6[%dma_start3A_38, %dma_start3A_42] : memref<16x100xi32, #tpu.memory_space<vmem>> -> memref<1x100xi32, #tpu.memory_space<vmem>>
    %dma_start3A_44 = tpu.memref_squeeze %dma_start3A_43 : memref<1x100xi32, #tpu.memory_space<vmem>> -> memref<100xi32, #tpu.memory_space<vmem>>
    %dma_start3A_45 = arith.constant 0 : i32
    %dma_start3A_46 = arith.constant 0 : i32
    %dma_start3A_47 = tpu.memref_slice %arg5[%dma_start3A_45, %dma_start3A_46] : memref<100x128xf32, #tpu.memory_space<vmem_shared>> -> memref<100x128xf32, #tpu.memory_space<vmem_shared>>
    tpu.enqueue_indirect_dma source(%dma_start3A_47 : memref<100x128xf32, #tpu.memory_space<vmem_shared>>) target(%dma_start3A_41 : memref<100x128xf32, #tpu.memory_space<vmem>>) offsets(%dma_start3A_44 : memref<100xi32, #tpu.memory_space<vmem>>) semaphore(%arg11 : memref<!tpu.dma_semaphore, #tpu.memory_space<semaphore_mem>>)
    %scan3A = arith.constant 0 : i32
    %scan3A_48 = arith.constant 0 : i32
    %scan3A_49 = arith.constant 15 : i32
    %scan3A_50 = arith.addi %scan3A_48, %scan3A_49 : i32
    %scan3A_51 = arith.constant 1 : i32
    scf.for %scan3A_622 = %scan3A_48 to %scan3A_50 step %scan3A_51  : i32 {
      %mul3A_623 = arith.constant 2 : i32
      %mul3A_624 = arith.muli %mul3A_623, %scan3A_622 : i32
      %add3A_625 = arith.constant 0 : i32
      %add3A_626 = arith.addi %mul3A_624, %add3A_625 : i32
      %add3A_627 = arith.constant 1 : i32
      %add3A_628 = arith.addi %add3A_626, %add3A_627 : i32
      %mul3A_629 = arith.constant 16 : i32
      %mul3A_630 = arith.muli %add3A_628, %mul3A_629 : i32
      %add3A_631 = arith.addi %mul3A_4, %mul3A_630 : i32
      "tpu.region"() ({
        %run_scoped3A = tpu.sem_alloc : memref<!tpu.dma_semaphore, #tpu.memory_space<semaphore_mem>>
        %dma_start3A_1329 = arith.constant 0 : i32
        %dma_start3A_1330 = tpu.memref_slice %arg3[%add3A_631, %dma_start3A_1329] : memref<16384x100xi32, #tpu.memory_space<hbm>> -> memref<16x100xi32, #tpu.memory_space<hbm>>
        %dma_start3A_1331 = arith.constant 0 : i32
        %dma_start3A_1332 = tpu.memref_slice %arg3[%add3A_631, %dma_start3A_1331] : memref<16384x100xi32, #tpu.memory_space<hbm>> -> memref<16x100xi32, #tpu.memory_space<hbm>>
        tpu.enqueue_dma source(%dma_start3A_1332 : memref<16x100xi32, #tpu.memory_space<hbm>>) target(%arg7 : memref<16x100xi32, #tpu.memory_space<vmem>>) target_semaphore(%run_scoped3A : memref<!tpu.dma_semaphore, #tpu.memory_space<semaphore_mem>>)
        %dma_wait3A_1333 = arith.constant 0 : i32
        %dma_wait3A_1334 = tpu.memref_slice %arg3[%add3A_631, %dma_wait3A_1333] : memref<16384x100xi32, #tpu.memory_space<hbm>> -> memref<16x100xi32, #tpu.memory_space<hbm>>
        %dma_wait3A_1335 = arith.constant 0 : i32
        %dma_wait3A_1336 = tpu.memref_slice %arg3[%add3A_631, %dma_wait3A_1335] : memref<16384x100xi32, #tpu.memory_space<hbm>> -> memref<16x100xi32, #tpu.memory_space<hbm>>
        tpu.wait_dma2 semaphore(%run_scoped3A : memref<!tpu.dma_semaphore, #tpu.memory_space<semaphore_mem>>) src(%dma_wait3A_1336 : memref<16x100xi32, #tpu.memory_space<hbm>>) dst(%arg7 : memref<16x100xi32, #tpu.memory_space<vmem>>)
        tpu.yield
      }) : () -> ()
      %mul3A_632 = arith.constant 8 : i32
      %mul3A_633 = arith.muli %add3A_626, %mul3A_632 : i32
      %add3A_634 = arith.constant 0 : i32
      %add3A_635 = arith.addi %mul3A_633, %add3A_634 : i32
      %dma_wait3A_636 = arith.constant 0 : i32
      %dma_wait3A_637 = arith.constant 0 : i32
      %dma_wait3A_638 = tpu.memref_slice %arg4[%dma_wait3A_636, %dma_wait3A_637] : memref<1638400x128xf32, #tpu.memory_space<hbm>> -> memref<200x128xf32, #tpu.memory_space<hbm>>
      %dma_wait3A_639 = arith.constant 0 : i32
      %dma_wait3A_640 = arith.constant 0 : i32
      %dma_wait3A_641 = tpu.memref_slice %arg4[%dma_wait3A_639, %dma_wait3A_640] : memref<1638400x128xf32, #tpu.memory_space<hbm>> -> memref<200x128xf32, #tpu.memory_space<hbm>>
      tpu.wait_dma2 semaphore(%arg10 : memref<!tpu.dma_semaphore, #tpu.memory_space<semaphore_mem>>) src(%dma_wait3A_641 : memref<200x128xf32, #tpu.memory_space<hbm>>) dst(%arg8 : memref<200x128xf32, #tpu.memory_space<vmem>>)
      %mul3A_642 = arith.constant 200 : i32
      %mul3A_643 = arith.muli %add3A_635, %mul3A_642 : i32
      %add3A_644 = arith.addi %mul3A_2, %mul3A_643 : i32
      %dma_start3A_645 = arith.constant 0 : i32
      %dma_start3A_646 = tpu.memref_slice %arg4[%add3A_644, %dma_start3A_645] : memref<1638400x128xf32, #tpu.memory_space<hbm>> -> memref<200x128xf32, #tpu.memory_space<hbm>>
      %dma_start3A_647 = arith.constant 0 : i32
      %dma_start3A_648 = tpu.memref_slice %arg4[%add3A_644, %dma_start3A_647] : memref<1638400x128xf32, #tpu.memory_space<hbm>> -> memref<200x128xf32, #tpu.memory_space<hbm>>
      tpu.enqueue_dma source(%arg8 : memref<200x128xf32, #tpu.memory_space<vmem>>) target(%dma_start3A_648 : memref<200x128xf32, #tpu.memory_space<hbm>>) target_semaphore(%arg12 : memref<!tpu.dma_semaphore, #tpu.memory_space<semaphore_mem>>)
      %dma_wait3A_649 = arith.constant 0 : i32
      %dma_wait3A_650 = arith.constant 0 : i32
      %dma_wait3A_651 = tpu.memref_slice %arg4[%dma_wait3A_649, %dma_wait3A_650] : memref<1638400x128xf32, #tpu.memory_space<hbm>> -> memref<200x128xf32, #tpu.memory_space<hbm>>
      %dma_wait3A_652 = arith.constant 0 : i32
      %dma_wait3A_653 = arith.constant 0 : i32
      %dma_wait3A_654 = tpu.memref_slice %arg4[%dma_wait3A_652, %dma_wait3A_653] : memref<1638400x128xf32, #tpu.memory_space<hbm>> -> memref<200x128xf32, #tpu.memory_space<hbm>>
      tpu.wait_dma2 semaphore(%arg12 : memref<!tpu.dma_semaphore, #tpu.memory_space<semaphore_mem>>) src(%dma_wait3A_654 : memref<200x128xf32, #tpu.memory_space<hbm>>) dst(%arg8 : memref<200x128xf32, #tpu.memory_space<vmem>>)
      %dma_start3A_655 = arith.constant 4 : i32
      %dma_start3A_656 = arith.constant 0 : i32
      %dma_start3A_657 = arith.constant 0 : i32
      %dma_start3A_658 = tpu.memref_slice %arg8[%dma_start3A_656, %dma_start3A_657] : memref<200x128xf32, #tpu.memory_space<vmem>> -> memref<100x128xf32, #tpu.memory_space<vmem>>
      %dma_start3A_659 = arith.constant 0 : i32
      %dma_start3A_660 = tpu.memref_slice %arg6[%dma_start3A_655, %dma_start3A_659] : memref<16x100xi32, #tpu.memory_space<vmem>> -> memref<1x100xi32, #tpu.memory_space<vmem>>
      %dma_start3A_661 = tpu.memref_squeeze %dma_start3A_660 : memref<1x100xi32, #tpu.memory_space<vmem>> -> memref<100xi32, #tpu.memory_space<vmem>>
      %dma_start3A_662 = arith.constant 0 : i32
      %dma_start3A_663 = arith.constant 0 : i32
      %dma_start3A_664 = tpu.memref_slice %arg5[%dma_start3A_662, %dma_start3A_663] : memref<100x128xf32, #tpu.memory_space<vmem_shared>> -> memref<100x128xf32, #tpu.memory_space<vmem_shared>>
      tpu.enqueue_indirect_dma source(%dma_start3A_664 : memref<100x128xf32, #tpu.memory_space<vmem_shared>>) target(%dma_start3A_658 : memref<100x128xf32, #tpu.memory_space<vmem>>) offsets(%dma_start3A_661 : memref<100xi32, #tpu.memory_space<vmem>>) semaphore(%arg10 : memref<!tpu.dma_semaphore, #tpu.memory_space<semaphore_mem>>)
      %dma_start3A_665 = arith.constant 5 : i32
      %dma_start3A_666 = arith.constant 100 : i32
      %dma_start3A_667 = arith.constant 0 : i32
      %dma_start3A_668 = tpu.memref_slice %arg8[%dma_start3A_666, %dma_start3A_667] : memref<200x128xf32, #tpu.memory_space<vmem>> -> memref<100x128xf32, #tpu.memory_space<vmem>>
      %dma_start3A_669 = arith.constant 0 : i32
      %dma_start3A_670 = tpu.memref_slice %arg6[%dma_start3A_665, %dma_start3A_669] : memref<16x100xi32, #tpu.memory_space<vmem>> -> memref<1x100xi32, #tpu.memory_space<vmem>>
      %dma_start3A_671 = tpu.memref_squeeze %dma_start3A_670 : memref<1x100xi32, #tpu.memory_space<vmem>> -> memref<100xi32, #tpu.memory_space<vmem>>
      %dma_start3A_672 = arith.constant 0 : i32
      %dma_start3A_673 = arith.constant 0 : i32
      %dma_start3A_674 = tpu.memref_slice %arg5[%dma_start3A_672, %dma_start3A_673] : memref<100x128xf32, #tpu.memory_space<vmem_shared>> -> memref<100x128xf32, #tpu.memory_space<vmem_shared>>
      tpu.enqueue_indirect_dma source(%dma_start3A_674 : memref<100x128xf32, #tpu.memory_space<vmem_shared>>) target(%dma_start3A_668 : memref<100x128xf32, #tpu.memory_space<vmem>>) offsets(%dma_start3A_671 : memref<100xi32, #tpu.memory_space<vmem>>) semaphore(%arg10 : memref<!tpu.dma_semaphore, #tpu.memory_space<semaphore_mem>>)
      %mul3A_675 = arith.constant 8 : i32
      %mul3A_676 = arith.muli %add3A_626, %mul3A_675 : i32
      %add3A_677 = arith.constant 1 : i32
      %add3A_678 = arith.addi %mul3A_676, %add3A_677 : i32
      %dma_wait3A_679 = arith.constant 0 : i32
      %dma_wait3A_680 = arith.constant 0 : i32
      %dma_wait3A_681 = tpu.memref_slice %arg4[%dma_wait3A_679, %dma_wait3A_680] : memref<1638400x128xf32, #tpu.memory_space<hbm>> -> memref<200x128xf32, #tpu.memory_space<hbm>>
      %dma_wait3A_682 = arith.constant 0 : i32
      %dma_wait3A_683 = arith.constant 0 : i32
      %dma_wait3A_684 = tpu.memref_slice %arg4[%dma_wait3A_682, %dma_wait3A_683] : memref<1638400x128xf32, #tpu.memory_space<hbm>> -> memref<200x128xf32, #tpu.memory_space<hbm>>
      tpu.wait_dma2 semaphore(%arg11 : memref<!tpu.dma_semaphore, #tpu.memory_space<semaphore_mem>>) src(%dma_wait3A_684 : memref<200x128xf32, #tpu.memory_space<hbm>>) dst(%arg9 : memref<200x128xf32, #tpu.memory_space<vmem>>)
      %mul3A_685 = arith.constant 200 : i32
      %mul3A_686 = arith.muli %add3A_678, %mul3A_685 : i32
      %add3A_687 = arith.addi %mul3A_2, %mul3A_686 : i32
      %dma_start3A_688 = arith.constant 0 : i32
      %dma_start3A_689 = tpu.memref_slice %arg4[%add3A_687, %dma_start3A_688] : memref<1638400x128xf32, #tpu.memory_space<hbm>> -> memref<200x128xf32, #tpu.memory_space<hbm>>
      %dma_start3A_690 = arith.constant 0 : i32
      %dma_start3A_691 = tpu.memref_slice %arg4[%add3A_687, %dma_start3A_690] : memref<1638400x128xf32, #tpu.memory_space<hbm>> -> memref<200x128xf32, #tpu.memory_space<hbm>>
      tpu.enqueue_dma source(%arg9 : memref<200x128xf32, #tpu.memory_space<vmem>>) target(%dma_start3A_691 : memref<200x128xf32, #tpu.memory_space<hbm>>) target_semaphore(%arg13 : memref<!tpu.dma_semaphore, #tpu.memory_space<semaphore_mem>>)
      %dma_wait3A_692 = arith.constant 0 : i32
      %dma_wait3A_693 = arith.constant 0 : i32
      %dma_wait3A_694 = tpu.memref_slice %arg4[%dma_wait3A_692, %dma_wait3A_693] : memref<1638400x128xf32, #tpu.memory_space<hbm>> -> memref<200x128xf32, #tpu.memory_space<hbm>>
      %dma_wait3A_695 = arith.constant 0 : i32
      %dma_wait3A_696 = arith.constant 0 : i32
      %dma_wait3A_697 = tpu.memref_slice %arg4[%dma_wait3A_695, %dma_wait3A_696] : memref<1638400x128xf32, #tpu.memory_space<hbm>> -> memref<200x128xf32, #tpu.memory_space<hbm>>
      tpu.wait_dma2 semaphore(%arg13 : memref<!tpu.dma_semaphore, #tpu.memory_space<semaphore_mem>>) src(%dma_wait3A_697 : memref<200x128xf32, #tpu.memory_space<hbm>>) dst(%arg9 : memref<200x128xf32, #tpu.memory_space<vmem>>)
      %dma_start3A_698 = arith.constant 6 : i32
      %dma_start3A_699 = arith.constant 0 : i32
      %dma_start3A_700 = arith.constant 0 : i32
      %dma_start3A_701 = tpu.memref_slice %arg9[%dma_start3A_699, %dma_start3A_700] : memref<200x128xf32, #tpu.memory_space<vmem>> -> memref<100x128xf32, #tpu.memory_space<vmem>>
      %dma_start3A_702 = arith.constant 0 : i32
      %dma_start3A_703 = tpu.memref_slice %arg6[%dma_start3A_698, %dma_start3A_702] : memref<16x100xi32, #tpu.memory_space<vmem>> -> memref<1x100xi32, #tpu.memory_space<vmem>>
      %dma_start3A_704 = tpu.memref_squeeze %dma_start3A_703 : memref<1x100xi32, #tpu.memory_space<vmem>> -> memref<100xi32, #tpu.memory_space<vmem>>
      %dma_start3A_705 = arith.constant 0 : i32
      %dma_start3A_706 = arith.constant 0 : i32
      %dma_start3A_707 = tpu.memref_slice %arg5[%dma_start3A_705, %dma_start3A_706] : memref<100x128xf32, #tpu.memory_space<vmem_shared>> -> memref<100x128xf32, #tpu.memory_space<vmem_shared>>
      tpu.enqueue_indirect_dma source(%dma_start3A_707 : memref<100x128xf32, #tpu.memory_space<vmem_shared>>) target(%dma_start3A_701 : memref<100x128xf32, #tpu.memory_space<vmem>>) offsets(%dma_start3A_704 : memref<100xi32, #tpu.memory_space<vmem>>) semaphore(%arg11 : memref<!tpu.dma_semaphore, #tpu.memory_space<semaphore_mem>>)
      %dma_start3A_708 = arith.constant 7 : i32
      %dma_start3A_709 = arith.constant 100 : i32
      %dma_start3A_710 = arith.constant 0 : i32
      %dma_start3A_711 = tpu.memref_slice %arg9[%dma_start3A_709, %dma_start3A_710] : memref<200x128xf32, #tpu.memory_space<vmem>> -> memref<100x128xf32, #tpu.memory_space<vmem>>
      %dma_start3A_712 = arith.constant 0 : i32
      %dma_start3A_713 = tpu.memref_slice %arg6[%dma_start3A_708, %dma_start3A_712] : memref<16x100xi32, #tpu.memory_space<vmem>> -> memref<1x100xi32, #tpu.memory_space<vmem>>
      %dma_start3A_714 = tpu.memref_squeeze %dma_start3A_713 : memref<1x100xi32, #tpu.memory_space<vmem>> -> memref<100xi32, #tpu.memory_space<vmem>>
      %dma_start3A_715 = arith.constant 0 : i32
      %dma_start3A_716 = arith.constant 0 : i32
      %dma_start3A_717 = tpu.memref_slice %arg5[%dma_start3A_715, %dma_start3A_716] : memref<100x128xf32, #tpu.memory_space<vmem_shared>> -> memref<100x128xf32, #tpu.memory_space<vmem_shared>>
      tpu.enqueue_indirect_dma source(%dma_start3A_717 : memref<100x128xf32, #tpu.memory_space<vmem_shared>>) target(%dma_start3A_711 : memref<100x128xf32, #tpu.memory_space<vmem>>) offsets(%dma_start3A_714 : memref<100xi32, #tpu.memory_space<vmem>>) semaphore(%arg11 : memref<!tpu.dma_semaphore, #tpu.memory_space<semaphore_mem>>)
      %mul3A_718 = arith.constant 8 : i32
      %mul3A_719 = arith.muli %add3A_626, %mul3A_718 : i32
      %add3A_720 = arith.constant 2 : i32
      %add3A_721 = arith.addi %mul3A_719, %add3A_720 : i32
      %dma_wait3A_722 = arith.constant 0 : i32
      %dma_wait3A_723 = arith.constant 0 : i32
      %dma_wait3A_724 = tpu.memref_slice %arg4[%dma_wait3A_722, %dma_wait3A_723] : memref<1638400x128xf32, #tpu.memory_space<hbm>> -> memref<200x128xf32, #tpu.memory_space<hbm>>
      %dma_wait3A_725 = arith.constant 0 : i32
      %dma_wait3A_726 = arith.constant 0 : i32
      %dma_wait3A_727 = tpu.memref_slice %arg4[%dma_wait3A_725, %dma_wait3A_726] : memref<1638400x128xf32, #tpu.memory_space<hbm>> -> memref<200x128xf32, #tpu.memory_space<hbm>>
      tpu.wait_dma2 semaphore(%arg10 : memref<!tpu.dma_semaphore, #tpu.memory_space<semaphore_mem>>) src(%dma_wait3A_727 : memref<200x128xf32, #tpu.memory_space<hbm>>) dst(%arg8 : memref<200x128xf32, #tpu.memory_space<vmem>>)
      %mul3A_728 = arith.constant 200 : i32
      %mul3A_729 = arith.muli %add3A_721, %mul3A_728 : i32
      %add3A_730 = arith.addi %mul3A_2, %mul3A_729 : i32
      %dma_start3A_731 = arith.constant 0 : i32
      %dma_start3A_732 = tpu.memref_slice %arg4[%add3A_730, %dma_start3A_731] : memref<1638400x128xf32, #tpu.memory_space<hbm>> -> memref<200x128xf32, #tpu.memory_space<hbm>>
      %dma_start3A_733 = arith.constant 0 : i32
      %dma_start3A_734 = tpu.memref_slice %arg4[%add3A_730, %dma_start3A_733] : memref<1638400x128xf32, #tpu.memory_space<hbm>> -> memref<200x128xf32, #tpu.memory_space<hbm>>
      tpu.enqueue_dma source(%arg8 : memref<200x128xf32, #tpu.memory_space<vmem>>) target(%dma_start3A_734 : memref<200x128xf32, #tpu.memory_space<hbm>>) target_semaphore(%arg12 : memref<!tpu.dma_semaphore, #tpu.memory_space<semaphore_mem>>)
      %dma_wait3A_735 = arith.constant 0 : i32
      %dma_wait3A_736 = arith.constant 0 : i32
      %dma_wait3A_737 = tpu.memref_slice %arg4[%dma_wait3A_735, %dma_wait3A_736] : memref<1638400x128xf32, #tpu.memory_space<hbm>> -> memref<200x128xf32, #tpu.memory_space<hbm>>
      %dma_wait3A_738 = arith.constant 0 : i32
      %dma_wait3A_739 = arith.constant 0 : i32
      %dma_wait3A_740 = tpu.memref_slice %arg4[%dma_wait3A_738, %dma_wait3A_739] : memref<1638400x128xf32, #tpu.memory_space<hbm>> -> memref<200x128xf32, #tpu.memory_space<hbm>>
      tpu.wait_dma2 semaphore(%arg12 : memref<!tpu.dma_semaphore, #tpu.memory_space<semaphore_mem>>) src(%dma_wait3A_740 : memref<200x128xf32, #tpu.memory_space<hbm>>) dst(%arg8 : memref<200x128xf32, #tpu.memory_space<vmem>>)
      %dma_start3A_741 = arith.constant 8 : i32
      %dma_start3A_742 = arith.constant 0 : i32
      %dma_start3A_743 = arith.constant 0 : i32
      %dma_start3A_744 = tpu.memref_slice %arg8[%dma_start3A_742, %dma_start3A_743] : memref<200x128xf32, #tpu.memory_space<vmem>> -> memref<100x128xf32, #tpu.memory_space<vmem>>
      %dma_start3A_745 = arith.constant 0 : i32
      %dma_start3A_746 = tpu.memref_slice %arg6[%dma_start3A_741, %dma_start3A_745] : memref<16x100xi32, #tpu.memory_space<vmem>> -> memref<1x100xi32, #tpu.memory_space<vmem>>
      %dma_start3A_747 = tpu.memref_squeeze %dma_start3A_746 : memref<1x100xi32, #tpu.memory_space<vmem>> -> memref<100xi32, #tpu.memory_space<vmem>>
      %dma_start3A_748 = arith.constant 0 : i32
      %dma_start3A_749 = arith.constant 0 : i32
      %dma_start3A_750 = tpu.memref_slice %arg5[%dma_start3A_748, %dma_start3A_749] : memref<100x128xf32, #tpu.memory_space<vmem_shared>> -> memref<100x128xf32, #tpu.memory_space<vmem_shared>>
      tpu.enqueue_indirect_dma source(%dma_start3A_750 : memref<100x128xf32, #tpu.memory_space<vmem_shared>>) target(%dma_start3A_744 : memref<100x128xf32, #tpu.memory_space<vmem>>) offsets(%dma_start3A_747 : memref<100xi32, #tpu.memory_space<vmem>>) semaphore(%arg10 : memref<!tpu.dma_semaphore, #tpu.memory_space<semaphore_mem>>)
      %dma_start3A_751 = arith.constant 9 : i32
      %dma_start3A_752 = arith.constant 100 : i32
      %dma_start3A_753 = arith.constant 0 : i32
      %dma_start3A_754 = tpu.memref_slice %arg8[%dma_start3A_752, %dma_start3A_753] : memref<200x128xf32, #tpu.memory_space<vmem>> -> memref<100x128xf32, #tpu.memory_space<vmem>>
      %dma_start3A_755 = arith.constant 0 : i32
      %dma_start3A_756 = tpu.memref_slice %arg6[%dma_start3A_751, %dma_start3A_755] : memref<16x100xi32, #tpu.memory_space<vmem>> -> memref<1x100xi32, #tpu.memory_space<vmem>>
      %dma_start3A_757 = tpu.memref_squeeze %dma_start3A_756 : memref<1x100xi32, #tpu.memory_space<vmem>> -> memref<100xi32, #tpu.memory_space<vmem>>
      %dma_start3A_758 = arith.constant 0 : i32
      %dma_start3A_759 = arith.constant 0 : i32
      %dma_start3A_760 = tpu.memref_slice %arg5[%dma_start3A_758, %dma_start3A_759] : memref<100x128xf32, #tpu.memory_space<vmem_shared>> -> memref<100x128xf32, #tpu.memory_space<vmem_shared>>
      tpu.enqueue_indirect_dma source(%dma_start3A_760 : memref<100x128xf32, #tpu.memory_space<vmem_shared>>) target(%dma_start3A_754 : memref<100x128xf32, #tpu.memory_space<vmem>>) offsets(%dma_start3A_757 : memref<100xi32, #tpu.memory_space<vmem>>) semaphore(%arg10 : memref<!tpu.dma_semaphore, #tpu.memory_space<semaphore_mem>>)
      %mul3A_761 = arith.constant 8 : i32
      %mul3A_762 = arith.muli %add3A_626, %mul3A_761 : i32
      %add3A_763 = arith.constant 3 : i32
      %add3A_764 = arith.addi %mul3A_762, %add3A_763 : i32
      %dma_wait3A_765 = arith.constant 0 : i32
      %dma_wait3A_766 = arith.constant 0 : i32
      %dma_wait3A_767 = tpu.memref_slice %arg4[%dma_wait3A_765, %dma_wait3A_766] : memref<1638400x128xf32, #tpu.memory_space<hbm>> -> memref<200x128xf32, #tpu.memory_space<hbm>>
      %dma_wait3A_768 = arith.constant 0 : i32
      %dma_wait3A_769 = arith.constant 0 : i32
      %dma_wait3A_770 = tpu.memref_slice %arg4[%dma_wait3A_768, %dma_wait3A_769] : memref<1638400x128xf32, #tpu.memory_space<hbm>> -> memref<200x128xf32, #tpu.memory_space<hbm>>
      tpu.wait_dma2 semaphore(%arg11 : memref<!tpu.dma_semaphore, #tpu.memory_space<semaphore_mem>>) src(%dma_wait3A_770 : memref<200x128xf32, #tpu.memory_space<hbm>>) dst(%arg9 : memref<200x128xf32, #tpu.memory_space<vmem>>)
      %mul3A_771 = arith.constant 200 : i32
      %mul3A_772 = arith.muli %add3A_764, %mul3A_771 : i32
      %add3A_773 = arith.addi %mul3A_2, %mul3A_772 : i32
      %dma_start3A_774 = arith.constant 0 : i32
      %dma_start3A_775 = tpu.memref_slice %arg4[%add3A_773, %dma_start3A_774] : memref<1638400x128xf32, #tpu.memory_space<hbm>> -> memref<200x128xf32, #tpu.memory_space<hbm>>
      %dma_start3A_776 = arith.constant 0 : i32
      %dma_start3A_777 = tpu.memref_slice %arg4[%add3A_773, %dma_start3A_776] : memref<1638400x128xf32, #tpu.memory_space<hbm>> -> memref<200x128xf32, #tpu.memory_space<hbm>>
      tpu.enqueue_dma source(%arg9 : memref<200x128xf32, #tpu.memory_space<vmem>>) target(%dma_start3A_777 : memref<200x128xf32, #tpu.memory_space<hbm>>) target_semaphore(%arg13 : memref<!tpu.dma_semaphore, #tpu.memory_space<semaphore_mem>>)
      %dma_wait3A_778 = arith.constant 0 : i32
      %dma_wait3A_779 = arith.constant 0 : i32
      %dma_wait3A_780 = tpu.memref_slice %arg4[%dma_wait3A_778, %dma_wait3A_779] : memref<1638400x128xf32, #tpu.memory_space<hbm>> -> memref<200x128xf32, #tpu.memory_space<hbm>>
      %dma_wait3A_781 = arith.constant 0 : i32
      %dma_wait3A_782 = arith.constant 0 : i32
      %dma_wait3A_783 = tpu.memref_slice %arg4[%dma_wait3A_781, %dma_wait3A_782] : memref<1638400x128xf32, #tpu.memory_space<hbm>> -> memref<200x128xf32, #tpu.memory_space<hbm>>
      tpu.wait_dma2 semaphore(%arg13 : memref<!tpu.dma_semaphore, #tpu.memory_space<semaphore_mem>>) src(%dma_wait3A_783 : memref<200x128xf32, #tpu.memory_space<hbm>>) dst(%arg9 : memref<200x128xf32, #tpu.memory_space<vmem>>)
      %dma_start3A_784 = arith.constant 10 : i32
      %dma_start3A_785 = arith.constant 0 : i32
      %dma_start3A_786 = arith.constant 0 : i32
      %dma_start3A_787 = tpu.memref_slice %arg9[%dma_start3A_785, %dma_start3A_786] : memref<200x128xf32, #tpu.memory_space<vmem>> -> memref<100x128xf32, #tpu.memory_space<vmem>>
      %dma_start3A_788 = arith.constant 0 : i32
      %dma_start3A_789 = tpu.memref_slice %arg6[%dma_start3A_784, %dma_start3A_788] : memref<16x100xi32, #tpu.memory_space<vmem>> -> memref<1x100xi32, #tpu.memory_space<vmem>>
      %dma_start3A_790 = tpu.memref_squeeze %dma_start3A_789 : memref<1x100xi32, #tpu.memory_space<vmem>> -> memref<100xi32, #tpu.memory_space<vmem>>
      %dma_start3A_791 = arith.constant 0 : i32
      %dma_start3A_792 = arith.constant 0 : i32
      %dma_start3A_793 = tpu.memref_slice %arg5[%dma_start3A_791, %dma_start3A_792] : memref<100x128xf32, #tpu.memory_space<vmem_shared>> -> memref<100x128xf32, #tpu.memory_space<vmem_shared>>
      tpu.enqueue_indirect_dma source(%dma_start3A_793 : memref<100x128xf32, #tpu.memory_space<vmem_shared>>) target(%dma_start3A_787 : memref<100x128xf32, #tpu.memory_space<vmem>>) offsets(%dma_start3A_790 : memref<100xi32, #tpu.memory_space<vmem>>) semaphore(%arg11 : memref<!tpu.dma_semaphore, #tpu.memory_space<semaphore_mem>>)
      %dma_start3A_794 = arith.constant 11 : i32
      %dma_start3A_795 = arith.constant 100 : i32
      %dma_start3A_796 = arith.constant 0 : i32
      %dma_start3A_797 = tpu.memref_slice %arg9[%dma_start3A_795, %dma_start3A_796] : memref<200x128xf32, #tpu.memory_space<vmem>> -> memref<100x128xf32, #tpu.memory_space<vmem>>
      %dma_start3A_798 = arith.constant 0 : i32
      %dma_start3A_799 = tpu.memref_slice %arg6[%dma_start3A_794, %dma_start3A_798] : memref<16x100xi32, #tpu.memory_space<vmem>> -> memref<1x100xi32, #tpu.memory_space<vmem>>
      %dma_start3A_800 = tpu.memref_squeeze %dma_start3A_799 : memref<1x100xi32, #tpu.memory_space<vmem>> -> memref<100xi32, #tpu.memory_space<vmem>>
      %dma_start3A_801 = arith.constant 0 : i32
      %dma_start3A_802 = arith.constant 0 : i32
      %dma_start3A_803 = tpu.memref_slice %arg5[%dma_start3A_801, %dma_start3A_802] : memref<100x128xf32, #tpu.memory_space<vmem_shared>> -> memref<100x128xf32, #tpu.memory_space<vmem_shared>>
      tpu.enqueue_indirect_dma source(%dma_start3A_803 : memref<100x128xf32, #tpu.memory_space<vmem_shared>>) target(%dma_start3A_797 : memref<100x128xf32, #tpu.memory_space<vmem>>) offsets(%dma_start3A_800 : memref<100xi32, #tpu.memory_space<vmem>>) semaphore(%arg11 : memref<!tpu.dma_semaphore, #tpu.memory_space<semaphore_mem>>)
      %mul3A_804 = arith.constant 8 : i32
      %mul3A_805 = arith.muli %add3A_626, %mul3A_804 : i32
      %add3A_806 = arith.constant 4 : i32
      %add3A_807 = arith.addi %mul3A_805, %add3A_806 : i32
      %dma_wait3A_808 = arith.constant 0 : i32
      %dma_wait3A_809 = arith.constant 0 : i32
      %dma_wait3A_810 = tpu.memref_slice %arg4[%dma_wait3A_808, %dma_wait3A_809] : memref<1638400x128xf32, #tpu.memory_space<hbm>> -> memref<200x128xf32, #tpu.memory_space<hbm>>
      %dma_wait3A_811 = arith.constant 0 : i32
      %dma_wait3A_812 = arith.constant 0 : i32
      %dma_wait3A_813 = tpu.memref_slice %arg4[%dma_wait3A_811, %dma_wait3A_812] : memref<1638400x128xf32, #tpu.memory_space<hbm>> -> memref<200x128xf32, #tpu.memory_space<hbm>>
      tpu.wait_dma2 semaphore(%arg10 : memref<!tpu.dma_semaphore, #tpu.memory_space<semaphore_mem>>) src(%dma_wait3A_813 : memref<200x128xf32, #tpu.memory_space<hbm>>) dst(%arg8 : memref<200x128xf32, #tpu.memory_space<vmem>>)
      %mul3A_814 = arith.constant 200 : i32
      %mul3A_815 = arith.muli %add3A_807, %mul3A_814 : i32
      %add3A_816 = arith.addi %mul3A_2, %mul3A_815 : i32
      %dma_start3A_817 = arith.constant 0 : i32
      %dma_start3A_818 = tpu.memref_slice %arg4[%add3A_816, %dma_start3A_817] : memref<1638400x128xf32, #tpu.memory_space<hbm>> -> memref<200x128xf32, #tpu.memory_space<hbm>>
      %dma_start3A_819 = arith.constant 0 : i32
      %dma_start3A_820 = tpu.memref_slice %arg4[%add3A_816, %dma_start3A_819] : memref<1638400x128xf32, #tpu.memory_space<hbm>> -> memref<200x128xf32, #tpu.memory_space<hbm>>
      tpu.enqueue_dma source(%arg8 : memref<200x128xf32, #tpu.memory_space<vmem>>) target(%dma_start3A_820 : memref<200x128xf32, #tpu.memory_space<hbm>>) target_semaphore(%arg12 : memref<!tpu.dma_semaphore, #tpu.memory_space<semaphore_mem>>)
      %dma_wait3A_821 = arith.constant 0 : i32
      %dma_wait3A_822 = arith.constant 0 : i32
      %dma_wait3A_823 = tpu.memref_slice %arg4[%dma_wait3A_821, %dma_wait3A_822] : memref<1638400x128xf32, #tpu.memory_space<hbm>> -> memref<200x128xf32, #tpu.memory_space<hbm>>
      %dma_wait3A_824 = arith.constant 0 : i32
      %dma_wait3A_825 = arith.constant 0 : i32
      %dma_wait3A_826 = tpu.memref_slice %arg4[%dma_wait3A_824, %dma_wait3A_825] : memref<1638400x128xf32, #tpu.memory_space<hbm>> -> memref<200x128xf32, #tpu.memory_space<hbm>>
      tpu.wait_dma2 semaphore(%arg12 : memref<!tpu.dma_semaphore, #tpu.memory_space<semaphore_mem>>) src(%dma_wait3A_826 : memref<200x128xf32, #tpu.memory_space<hbm>>) dst(%arg8 : memref<200x128xf32, #tpu.memory_space<vmem>>)
      %dma_start3A_827 = arith.constant 12 : i32
      %dma_start3A_828 = arith.constant 0 : i32
      %dma_start3A_829 = arith.constant 0 : i32
      %dma_start3A_830 = tpu.memref_slice %arg8[%dma_start3A_828, %dma_start3A_829] : memref<200x128xf32, #tpu.memory_space<vmem>> -> memref<100x128xf32, #tpu.memory_space<vmem>>
      %dma_start3A_831 = arith.constant 0 : i32
      %dma_start3A_832 = tpu.memref_slice %arg6[%dma_start3A_827, %dma_start3A_831] : memref<16x100xi32, #tpu.memory_space<vmem>> -> memref<1x100xi32, #tpu.memory_space<vmem>>
      %dma_start3A_833 = tpu.memref_squeeze %dma_start3A_832 : memref<1x100xi32, #tpu.memory_space<vmem>> -> memref<100xi32, #tpu.memory_space<vmem>>
      %dma_start3A_834 = arith.constant 0 : i32
      %dma_start3A_835 = arith.constant 0 : i32
      %dma_start3A_836 = tpu.memref_slice %arg5[%dma_start3A_834, %dma_start3A_835] : memref<100x128xf32, #tpu.memory_space<vmem_shared>> -> memref<100x128xf32, #tpu.memory_space<vmem_shared>>
      tpu.enqueue_indirect_dma source(%dma_start3A_836 : memref<100x128xf32, #tpu.memory_space<vmem_shared>>) target(%dma_start3A_830 : memref<100x128xf32, #tpu.memory_space<vmem>>) offsets(%dma_start3A_833 : memref<100xi32, #tpu.memory_space<vmem>>) semaphore(%arg10 : memref<!tpu.dma_semaphore, #tpu.memory_space<semaphore_mem>>)
      %dma_start3A_837 = arith.constant 13 : i32
      %dma_start3A_838 = arith.constant 100 : i32
      %dma_start3A_839 = arith.constant 0 : i32
      %dma_start3A_840 = tpu.memref_slice %arg8[%dma_start3A_838, %dma_start3A_839] : memref<200x128xf32, #tpu.memory_space<vmem>> -> memref<100x128xf32, #tpu.memory_space<vmem>>
      %dma_start3A_841 = arith.constant 0 : i32
      %dma_start3A_842 = tpu.memref_slice %arg6[%dma_start3A_837, %dma_start3A_841] : memref<16x100xi32, #tpu.memory_space<vmem>> -> memref<1x100xi32, #tpu.memory_space<vmem>>
      %dma_start3A_843 = tpu.memref_squeeze %dma_start3A_842 : memref<1x100xi32, #tpu.memory_space<vmem>> -> memref<100xi32, #tpu.memory_space<vmem>>
      %dma_start3A_844 = arith.constant 0 : i32
      %dma_start3A_845 = arith.constant 0 : i32
      %dma_start3A_846 = tpu.memref_slice %arg5[%dma_start3A_844, %dma_start3A_845] : memref<100x128xf32, #tpu.memory_space<vmem_shared>> -> memref<100x128xf32, #tpu.memory_space<vmem_shared>>
      tpu.enqueue_indirect_dma source(%dma_start3A_846 : memref<100x128xf32, #tpu.memory_space<vmem_shared>>) target(%dma_start3A_840 : memref<100x128xf32, #tpu.memory_space<vmem>>) offsets(%dma_start3A_843 : memref<100xi32, #tpu.memory_space<vmem>>) semaphore(%arg10 : memref<!tpu.dma_semaphore, #tpu.memory_space<semaphore_mem>>)
      %mul3A_847 = arith.constant 8 : i32
      %mul3A_848 = arith.muli %add3A_626, %mul3A_847 : i32
      %add3A_849 = arith.constant 5 : i32
      %add3A_850 = arith.addi %mul3A_848, %add3A_849 : i32
      %dma_wait3A_851 = arith.constant 0 : i32
      %dma_wait3A_852 = arith.constant 0 : i32
      %dma_wait3A_853 = tpu.memref_slice %arg4[%dma_wait3A_851, %dma_wait3A_852] : memref<1638400x128xf32, #tpu.memory_space<hbm>> -> memref<200x128xf32, #tpu.memory_space<hbm>>
      %dma_wait3A_854 = arith.constant 0 : i32
      %dma_wait3A_855 = arith.constant 0 : i32
      %dma_wait3A_856 = tpu.memref_slice %arg4[%dma_wait3A_854, %dma_wait3A_855] : memref<1638400x128xf32, #tpu.memory_space<hbm>> -> memref<200x128xf32, #tpu.memory_space<hbm>>
      tpu.wait_dma2 semaphore(%arg11 : memref<!tpu.dma_semaphore, #tpu.memory_space<semaphore_mem>>) src(%dma_wait3A_856 : memref<200x128xf32, #tpu.memory_space<hbm>>) dst(%arg9 : memref<200x128xf32, #tpu.memory_space<vmem>>)
      %mul3A_857 = arith.constant 200 : i32
      %mul3A_858 = arith.muli %add3A_850, %mul3A_857 : i32
      %add3A_859 = arith.addi %mul3A_2, %mul3A_858 : i32
      %dma_start3A_860 = arith.constant 0 : i32
      %dma_start3A_861 = tpu.memref_slice %arg4[%add3A_859, %dma_start3A_860] : memref<1638400x128xf32, #tpu.memory_space<hbm>> -> memref<200x128xf32, #tpu.memory_space<hbm>>
      %dma_start3A_862 = arith.constant 0 : i32
      %dma_start3A_863 = tpu.memref_slice %arg4[%add3A_859, %dma_start3A_862] : memref<1638400x128xf32, #tpu.memory_space<hbm>> -> memref<200x128xf32, #tpu.memory_space<hbm>>
      tpu.enqueue_dma source(%arg9 : memref<200x128xf32, #tpu.memory_space<vmem>>) target(%dma_start3A_863 : memref<200x128xf32, #tpu.memory_space<hbm>>) target_semaphore(%arg13 : memref<!tpu.dma_semaphore, #tpu.memory_space<semaphore_mem>>)
      %dma_wait3A_864 = arith.constant 0 : i32
      %dma_wait3A_865 = arith.constant 0 : i32
      %dma_wait3A_866 = tpu.memref_slice %arg4[%dma_wait3A_864, %dma_wait3A_865] : memref<1638400x128xf32, #tpu.memory_space<hbm>> -> memref<200x128xf32, #tpu.memory_space<hbm>>
      %dma_wait3A_867 = arith.constant 0 : i32
      %dma_wait3A_868 = arith.constant 0 : i32
      %dma_wait3A_869 = tpu.memref_slice %arg4[%dma_wait3A_867, %dma_wait3A_868] : memref<1638400x128xf32, #tpu.memory_space<hbm>> -> memref<200x128xf32, #tpu.memory_space<hbm>>
      tpu.wait_dma2 semaphore(%arg13 : memref<!tpu.dma_semaphore, #tpu.memory_space<semaphore_mem>>) src(%dma_wait3A_869 : memref<200x128xf32, #tpu.memory_space<hbm>>) dst(%arg9 : memref<200x128xf32, #tpu.memory_space<vmem>>)
      %dma_start3A_870 = arith.constant 14 : i32
      %dma_start3A_871 = arith.constant 0 : i32
      %dma_start3A_872 = arith.constant 0 : i32
      %dma_start3A_873 = tpu.memref_slice %arg9[%dma_start3A_871, %dma_start3A_872] : memref<200x128xf32, #tpu.memory_space<vmem>> -> memref<100x128xf32, #tpu.memory_space<vmem>>
      %dma_start3A_874 = arith.constant 0 : i32
      %dma_start3A_875 = tpu.memref_slice %arg6[%dma_start3A_870, %dma_start3A_874] : memref<16x100xi32, #tpu.memory_space<vmem>> -> memref<1x100xi32, #tpu.memory_space<vmem>>
      %dma_start3A_876 = tpu.memref_squeeze %dma_start3A_875 : memref<1x100xi32, #tpu.memory_space<vmem>> -> memref<100xi32, #tpu.memory_space<vmem>>
      %dma_start3A_877 = arith.constant 0 : i32
      %dma_start3A_878 = arith.constant 0 : i32
      %dma_start3A_879 = tpu.memref_slice %arg5[%dma_start3A_877, %dma_start3A_878] : memref<100x128xf32, #tpu.memory_space<vmem_shared>> -> memref<100x128xf32, #tpu.memory_space<vmem_shared>>
      tpu.enqueue_indirect_dma source(%dma_start3A_879 : memref<100x128xf32, #tpu.memory_space<vmem_shared>>) target(%dma_start3A_873 : memref<100x128xf32, #tpu.memory_space<vmem>>) offsets(%dma_start3A_876 : memref<100xi32, #tpu.memory_space<vmem>>) semaphore(%arg11 : memref<!tpu.dma_semaphore, #tpu.memory_space<semaphore_mem>>)
      %dma_start3A_880 = arith.constant 15 : i32
      %dma_start3A_881 = arith.constant 100 : i32
      %dma_start3A_882 = arith.constant 0 : i32
      %dma_start3A_883 = tpu.memref_slice %arg9[%dma_start3A_881, %dma_start3A_882] : memref<200x128xf32, #tpu.memory_space<vmem>> -> memref<100x128xf32, #tpu.memory_space<vmem>>
      %dma_start3A_884 = arith.constant 0 : i32
      %dma_start3A_885 = tpu.memref_slice %arg6[%dma_start3A_880, %dma_start3A_884] : memref<16x100xi32, #tpu.memory_space<vmem>> -> memref<1x100xi32, #tpu.memory_space<vmem>>
      %dma_start3A_886 = tpu.memref_squeeze %dma_start3A_885 : memref<1x100xi32, #tpu.memory_space<vmem>> -> memref<100xi32, #tpu.memory_space<vmem>>
      %dma_start3A_887 = arith.constant 0 : i32
      %dma_start3A_888 = arith.constant 0 : i32
      %dma_start3A_889 = tpu.memref_slice %arg5[%dma_start3A_887, %dma_start3A_888] : memref<100x128xf32, #tpu.memory_space<vmem_shared>> -> memref<100x128xf32, #tpu.memory_space<vmem_shared>>
      tpu.enqueue_indirect_dma source(%dma_start3A_889 : memref<100x128xf32, #tpu.memory_space<vmem_shared>>) target(%dma_start3A_883 : memref<100x128xf32, #tpu.memory_space<vmem>>) offsets(%dma_start3A_886 : memref<100xi32, #tpu.memory_space<vmem>>) semaphore(%arg11 : memref<!tpu.dma_semaphore, #tpu.memory_space<semaphore_mem>>)
      %mul3A_890 = arith.constant 8 : i32
      %mul3A_891 = arith.muli %add3A_626, %mul3A_890 : i32
      %add3A_892 = arith.constant 6 : i32
      %add3A_893 = arith.addi %mul3A_891, %add3A_892 : i32
      %dma_wait3A_894 = arith.constant 0 : i32
      %dma_wait3A_895 = arith.constant 0 : i32
      %dma_wait3A_896 = tpu.memref_slice %arg4[%dma_wait3A_894, %dma_wait3A_895] : memref<1638400x128xf32, #tpu.memory_space<hbm>> -> memref<200x128xf32, #tpu.memory_space<hbm>>
      %dma_wait3A_897 = arith.constant 0 : i32
      %dma_wait3A_898 = arith.constant 0 : i32
      %dma_wait3A_899 = tpu.memref_slice %arg4[%dma_wait3A_897, %dma_wait3A_898] : memref<1638400x128xf32, #tpu.memory_space<hbm>> -> memref<200x128xf32, #tpu.memory_space<hbm>>
      tpu.wait_dma2 semaphore(%arg10 : memref<!tpu.dma_semaphore, #tpu.memory_space<semaphore_mem>>) src(%dma_wait3A_899 : memref<200x128xf32, #tpu.memory_space<hbm>>) dst(%arg8 : memref<200x128xf32, #tpu.memory_space<vmem>>)
      %mul3A_900 = arith.constant 200 : i32
      %mul3A_901 = arith.muli %add3A_893, %mul3A_900 : i32
      %add3A_902 = arith.addi %mul3A_2, %mul3A_901 : i32
      %dma_start3A_903 = arith.constant 0 : i32
      %dma_start3A_904 = tpu.memref_slice %arg4[%add3A_902, %dma_start3A_903] : memref<1638400x128xf32, #tpu.memory_space<hbm>> -> memref<200x128xf32, #tpu.memory_space<hbm>>
      %dma_start3A_905 = arith.constant 0 : i32
      %dma_start3A_906 = tpu.memref_slice %arg4[%add3A_902, %dma_start3A_905] : memref<1638400x128xf32, #tpu.memory_space<hbm>> -> memref<200x128xf32, #tpu.memory_space<hbm>>
      tpu.enqueue_dma source(%arg8 : memref<200x128xf32, #tpu.memory_space<vmem>>) target(%dma_start3A_906 : memref<200x128xf32, #tpu.memory_space<hbm>>) target_semaphore(%arg12 : memref<!tpu.dma_semaphore, #tpu.memory_space<semaphore_mem>>)
      %dma_wait3A_907 = arith.constant 0 : i32
      %dma_wait3A_908 = arith.constant 0 : i32
      %dma_wait3A_909 = tpu.memref_slice %arg4[%dma_wait3A_907, %dma_wait3A_908] : memref<1638400x128xf32, #tpu.memory_space<hbm>> -> memref<200x128xf32, #tpu.memory_space<hbm>>
      %dma_wait3A_910 = arith.constant 0 : i32
      %dma_wait3A_911 = arith.constant 0 : i32
      %dma_wait3A_912 = tpu.memref_slice %arg4[%dma_wait3A_910, %dma_wait3A_911] : memref<1638400x128xf32, #tpu.memory_space<hbm>> -> memref<200x128xf32, #tpu.memory_space<hbm>>
      tpu.wait_dma2 semaphore(%arg12 : memref<!tpu.dma_semaphore, #tpu.memory_space<semaphore_mem>>) src(%dma_wait3A_912 : memref<200x128xf32, #tpu.memory_space<hbm>>) dst(%arg8 : memref<200x128xf32, #tpu.memory_space<vmem>>)
      %dma_start3A_913 = arith.constant 0 : i32
      %dma_start3A_914 = arith.constant 0 : i32
      %dma_start3A_915 = arith.constant 0 : i32
      %dma_start3A_916 = tpu.memref_slice %arg8[%dma_start3A_914, %dma_start3A_915] : memref<200x128xf32, #tpu.memory_space<vmem>> -> memref<100x128xf32, #tpu.memory_space<vmem>>
      %dma_start3A_917 = arith.constant 0 : i32
      %dma_start3A_918 = tpu.memref_slice %arg7[%dma_start3A_913, %dma_start3A_917] : memref<16x100xi32, #tpu.memory_space<vmem>> -> memref<1x100xi32, #tpu.memory_space<vmem>>
      %dma_start3A_919 = tpu.memref_squeeze %dma_start3A_918 : memref<1x100xi32, #tpu.memory_space<vmem>> -> memref<100xi32, #tpu.memory_space<vmem>>
      %dma_start3A_920 = arith.constant 0 : i32
      %dma_start3A_921 = arith.constant 0 : i32
      %dma_start3A_922 = tpu.memref_slice %arg5[%dma_start3A_920, %dma_start3A_921] : memref<100x128xf32, #tpu.memory_space<vmem_shared>> -> memref<100x128xf32, #tpu.memory_space<vmem_shared>>
      tpu.enqueue_indirect_dma source(%dma_start3A_922 : memref<100x128xf32, #tpu.memory_space<vmem_shared>>) target(%dma_start3A_916 : memref<100x128xf32, #tpu.memory_space<vmem>>) offsets(%dma_start3A_919 : memref<100xi32, #tpu.memory_space<vmem>>) semaphore(%arg10 : memref<!tpu.dma_semaphore, #tpu.memory_space<semaphore_mem>>)
      %dma_start3A_923 = arith.constant 1 : i32
      %dma_start3A_924 = arith.constant 100 : i32
      %dma_start3A_925 = arith.constant 0 : i32
      %dma_start3A_926 = tpu.memref_slice %arg8[%dma_start3A_924, %dma_start3A_925] : memref<200x128xf32, #tpu.memory_space<vmem>> -> memref<100x128xf32, #tpu.memory_space<vmem>>
      %dma_start3A_927 = arith.constant 0 : i32
      %dma_start3A_928 = tpu.memref_slice %arg7[%dma_start3A_923, %dma_start3A_927] : memref<16x100xi32, #tpu.memory_space<vmem>> -> memref<1x100xi32, #tpu.memory_space<vmem>>
      %dma_start3A_929 = tpu.memref_squeeze %dma_start3A_928 : memref<1x100xi32, #tpu.memory_space<vmem>> -> memref<100xi32, #tpu.memory_space<vmem>>
      %dma_start3A_930 = arith.constant 0 : i32
      %dma_start3A_931 = arith.constant 0 : i32
      %dma_start3A_932 = tpu.memref_slice %arg5[%dma_start3A_930, %dma_start3A_931] : memref<100x128xf32, #tpu.memory_space<vmem_shared>> -> memref<100x128xf32, #tpu.memory_space<vmem_shared>>
      tpu.enqueue_indirect_dma source(%dma_start3A_932 : memref<100x128xf32, #tpu.memory_space<vmem_shared>>) target(%dma_start3A_926 : memref<100x128xf32, #tpu.memory_space<vmem>>) offsets(%dma_start3A_929 : memref<100xi32, #tpu.memory_space<vmem>>) semaphore(%arg10 : memref<!tpu.dma_semaphore, #tpu.memory_space<semaphore_mem>>)
      %mul3A_933 = arith.constant 8 : i32
      %mul3A_934 = arith.muli %add3A_626, %mul3A_933 : i32
      %add3A_935 = arith.constant 7 : i32
      %add3A_936 = arith.addi %mul3A_934, %add3A_935 : i32
      %dma_wait3A_937 = arith.constant 0 : i32
      %dma_wait3A_938 = arith.constant 0 : i32
      %dma_wait3A_939 = tpu.memref_slice %arg4[%dma_wait3A_937, %dma_wait3A_938] : memref<1638400x128xf32, #tpu.memory_space<hbm>> -> memref<200x128xf32, #tpu.memory_space<hbm>>
      %dma_wait3A_940 = arith.constant 0 : i32
      %dma_wait3A_941 = arith.constant 0 : i32
      %dma_wait3A_942 = tpu.memref_slice %arg4[%dma_wait3A_940, %dma_wait3A_941] : memref<1638400x128xf32, #tpu.memory_space<hbm>> -> memref<200x128xf32, #tpu.memory_space<hbm>>
      tpu.wait_dma2 semaphore(%arg11 : memref<!tpu.dma_semaphore, #tpu.memory_space<semaphore_mem>>) src(%dma_wait3A_942 : memref<200x128xf32, #tpu.memory_space<hbm>>) dst(%arg9 : memref<200x128xf32, #tpu.memory_space<vmem>>)
      %mul3A_943 = arith.constant 200 : i32
      %mul3A_944 = arith.muli %add3A_936, %mul3A_943 : i32
      %add3A_945 = arith.addi %mul3A_2, %mul3A_944 : i32
      %dma_start3A_946 = arith.constant 0 : i32
      %dma_start3A_947 = tpu.memref_slice %arg4[%add3A_945, %dma_start3A_946] : memref<1638400x128xf32, #tpu.memory_space<hbm>> -> memref<200x128xf32, #tpu.memory_space<hbm>>
      %dma_start3A_948 = arith.constant 0 : i32
      %dma_start3A_949 = tpu.memref_slice %arg4[%add3A_945, %dma_start3A_948] : memref<1638400x128xf32, #tpu.memory_space<hbm>> -> memref<200x128xf32, #tpu.memory_space<hbm>>
      tpu.enqueue_dma source(%arg9 : memref<200x128xf32, #tpu.memory_space<vmem>>) target(%dma_start3A_949 : memref<200x128xf32, #tpu.memory_space<hbm>>) target_semaphore(%arg13 : memref<!tpu.dma_semaphore, #tpu.memory_space<semaphore_mem>>)
      %dma_wait3A_950 = arith.constant 0 : i32
      %dma_wait3A_951 = arith.constant 0 : i32
      %dma_wait3A_952 = tpu.memref_slice %arg4[%dma_wait3A_950, %dma_wait3A_951] : memref<1638400x128xf32, #tpu.memory_space<hbm>> -> memref<200x128xf32, #tpu.memory_space<hbm>>
      %dma_wait3A_953 = arith.constant 0 : i32
      %dma_wait3A_954 = arith.constant 0 : i32
      %dma_wait3A_955 = tpu.memref_slice %arg4[%dma_wait3A_953, %dma_wait3A_954] : memref<1638400x128xf32, #tpu.memory_space<hbm>> -> memref<200x128xf32, #tpu.memory_space<hbm>>
      tpu.wait_dma2 semaphore(%arg13 : memref<!tpu.dma_semaphore, #tpu.memory_space<semaphore_mem>>) src(%dma_wait3A_955 : memref<200x128xf32, #tpu.memory_space<hbm>>) dst(%arg9 : memref<200x128xf32, #tpu.memory_space<vmem>>)
      %dma_start3A_956 = arith.constant 2 : i32
      %dma_start3A_957 = arith.constant 0 : i32
      %dma_start3A_958 = arith.constant 0 : i32
      %dma_start3A_959 = tpu.memref_slice %arg9[%dma_start3A_957, %dma_start3A_958] : memref<200x128xf32, #tpu.memory_space<vmem>> -> memref<100x128xf32, #tpu.memory_space<vmem>>
      %dma_start3A_960 = arith.constant 0 : i32
      %dma_start3A_961 = tpu.memref_slice %arg7[%dma_start3A_956, %dma_start3A_960] : memref<16x100xi32, #tpu.memory_space<vmem>> -> memref<1x100xi32, #tpu.memory_space<vmem>>
      %dma_start3A_962 = tpu.memref_squeeze %dma_start3A_961 : memref<1x100xi32, #tpu.memory_space<vmem>> -> memref<100xi32, #tpu.memory_space<vmem>>
      %dma_start3A_963 = arith.constant 0 : i32
      %dma_start3A_964 = arith.constant 0 : i32
      %dma_start3A_965 = tpu.memref_slice %arg5[%dma_start3A_963, %dma_start3A_964] : memref<100x128xf32, #tpu.memory_space<vmem_shared>> -> memref<100x128xf32, #tpu.memory_space<vmem_shared>>
      tpu.enqueue_indirect_dma source(%dma_start3A_965 : memref<100x128xf32, #tpu.memory_space<vmem_shared>>) target(%dma_start3A_959 : memref<100x128xf32, #tpu.memory_space<vmem>>) offsets(%dma_start3A_962 : memref<100xi32, #tpu.memory_space<vmem>>) semaphore(%arg11 : memref<!tpu.dma_semaphore, #tpu.memory_space<semaphore_mem>>)
      %dma_start3A_966 = arith.constant 3 : i32
      %dma_start3A_967 = arith.constant 100 : i32
      %dma_start3A_968 = arith.constant 0 : i32
      %dma_start3A_969 = tpu.memref_slice %arg9[%dma_start3A_967, %dma_start3A_968] : memref<200x128xf32, #tpu.memory_space<vmem>> -> memref<100x128xf32, #tpu.memory_space<vmem>>
      %dma_start3A_970 = arith.constant 0 : i32
      %dma_start3A_971 = tpu.memref_slice %arg7[%dma_start3A_966, %dma_start3A_970] : memref<16x100xi32, #tpu.memory_space<vmem>> -> memref<1x100xi32, #tpu.memory_space<vmem>>
      %dma_start3A_972 = tpu.memref_squeeze %dma_start3A_971 : memref<1x100xi32, #tpu.memory_space<vmem>> -> memref<100xi32, #tpu.memory_space<vmem>>
      %dma_start3A_973 = arith.constant 0 : i32
      %dma_start3A_974 = arith.constant 0 : i32
      %dma_start3A_975 = tpu.memref_slice %arg5[%dma_start3A_973, %dma_start3A_974] : memref<100x128xf32, #tpu.memory_space<vmem_shared>> -> memref<100x128xf32, #tpu.memory_space<vmem_shared>>
      tpu.enqueue_indirect_dma source(%dma_start3A_975 : memref<100x128xf32, #tpu.memory_space<vmem_shared>>) target(%dma_start3A_969 : memref<100x128xf32, #tpu.memory_space<vmem>>) offsets(%dma_start3A_972 : memref<100xi32, #tpu.memory_space<vmem>>) semaphore(%arg11 : memref<!tpu.dma_semaphore, #tpu.memory_space<semaphore_mem>>)
      %mul3A_976 = arith.constant 2 : i32
      %mul3A_977 = arith.muli %mul3A_976, %scan3A_622 : i32
      %add3A_978 = arith.constant 1 : i32
      %add3A_979 = arith.addi %mul3A_977, %add3A_978 : i32
      %add3A_980 = arith.constant 1 : i32
      %add3A_981 = arith.addi %add3A_979, %add3A_980 : i32
      %mul3A_982 = arith.constant 16 : i32
      %mul3A_983 = arith.muli %add3A_981, %mul3A_982 : i32
      %add3A_984 = arith.addi %mul3A_4, %mul3A_983 : i32
      "tpu.region"() ({
        %run_scoped3A = tpu.sem_alloc : memref<!tpu.dma_semaphore, #tpu.memory_space<semaphore_mem>>
        %dma_start3A_1329 = arith.constant 0 : i32
        %dma_start3A_1330 = tpu.memref_slice %arg3[%add3A_984, %dma_start3A_1329] : memref<16384x100xi32, #tpu.memory_space<hbm>> -> memref<16x100xi32, #tpu.memory_space<hbm>>
        %dma_start3A_1331 = arith.constant 0 : i32
        %dma_start3A_1332 = tpu.memref_slice %arg3[%add3A_984, %dma_start3A_1331] : memref<16384x100xi32, #tpu.memory_space<hbm>> -> memref<16x100xi32, #tpu.memory_space<hbm>>
        tpu.enqueue_dma source(%dma_start3A_1332 : memref<16x100xi32, #tpu.memory_space<hbm>>) target(%arg6 : memref<16x100xi32, #tpu.memory_space<vmem>>) target_semaphore(%run_scoped3A : memref<!tpu.dma_semaphore, #tpu.memory_space<semaphore_mem>>)
        %dma_wait3A_1333 = arith.constant 0 : i32
        %dma_wait3A_1334 = tpu.memref_slice %arg3[%add3A_984, %dma_wait3A_1333] : memref<16384x100xi32, #tpu.memory_space<hbm>> -> memref<16x100xi32, #tpu.memory_space<hbm>>
        %dma_wait3A_1335 = arith.constant 0 : i32
        %dma_wait3A_1336 = tpu.memref_slice %arg3[%add3A_984, %dma_wait3A_1335] : memref<16384x100xi32, #tpu.memory_space<hbm>> -> memref<16x100xi32, #tpu.memory_space<hbm>>
        tpu.wait_dma2 semaphore(%run_scoped3A : memref<!tpu.dma_semaphore, #tpu.memory_space<semaphore_mem>>) src(%dma_wait3A_1336 : memref<16x100xi32, #tpu.memory_space<hbm>>) dst(%arg6 : memref<16x100xi32, #tpu.memory_space<vmem>>)
        tpu.yield
      }) : () -> ()
      %mul3A_985 = arith.constant 8 : i32
      %mul3A_986 = arith.muli %add3A_979, %mul3A_985 : i32
      %add3A_987 = arith.constant 0 : i32
      %add3A_988 = arith.addi %mul3A_986, %add3A_987 : i32
      %dma_wait3A_989 = arith.constant 0 : i32
      %dma_wait3A_990 = arith.constant 0 : i32
      %dma_wait3A_991 = tpu.memref_slice %arg4[%dma_wait3A_989, %dma_wait3A_990] : memref<1638400x128xf32, #tpu.memory_space<hbm>> -> memref<200x128xf32, #tpu.memory_space<hbm>>
      %dma_wait3A_992 = arith.constant 0 : i32
      %dma_wait3A_993 = arith.constant 0 : i32
      %dma_wait3A_994 = tpu.memref_slice %arg4[%dma_wait3A_992, %dma_wait3A_993] : memref<1638400x128xf32, #tpu.memory_space<hbm>> -> memref<200x128xf32, #tpu.memory_space<hbm>>
      tpu.wait_dma2 semaphore(%arg10 : memref<!tpu.dma_semaphore, #tpu.memory_space<semaphore_mem>>) src(%dma_wait3A_994 : memref<200x128xf32, #tpu.memory_space<hbm>>) dst(%arg8 : memref<200x128xf32, #tpu.memory_space<vmem>>)
      %mul3A_995 = arith.constant 200 : i32
      %mul3A_996 = arith.muli %add3A_988, %mul3A_995 : i32
      %add3A_997 = arith.addi %mul3A_2, %mul3A_996 : i32
      %dma_start3A_998 = arith.constant 0 : i32
      %dma_start3A_999 = tpu.memref_slice %arg4[%add3A_997, %dma_start3A_998] : memref<1638400x128xf32, #tpu.memory_space<hbm>> -> memref<200x128xf32, #tpu.memory_space<hbm>>
      %dma_start3A_1000 = arith.constant 0 : i32
      %dma_start3A_1001 = tpu.memref_slice %arg4[%add3A_997, %dma_start3A_1000] : memref<1638400x128xf32, #tpu.memory_space<hbm>> -> memref<200x128xf32, #tpu.memory_space<hbm>>
      tpu.enqueue_dma source(%arg8 : memref<200x128xf32, #tpu.memory_space<vmem>>) target(%dma_start3A_1001 : memref<200x128xf32, #tpu.memory_space<hbm>>) target_semaphore(%arg12 : memref<!tpu.dma_semaphore, #tpu.memory_space<semaphore_mem>>)
      %dma_wait3A_1002 = arith.constant 0 : i32
      %dma_wait3A_1003 = arith.constant 0 : i32
      %dma_wait3A_1004 = tpu.memref_slice %arg4[%dma_wait3A_1002, %dma_wait3A_1003] : memref<1638400x128xf32, #tpu.memory_space<hbm>> -> memref<200x128xf32, #tpu.memory_space<hbm>>
      %dma_wait3A_1005 = arith.constant 0 : i32
      %dma_wait3A_1006 = arith.constant 0 : i32
      %dma_wait3A_1007 = tpu.memref_slice %arg4[%dma_wait3A_1005, %dma_wait3A_1006] : memref<1638400x128xf32, #tpu.memory_space<hbm>> -> memref<200x128xf32, #tpu.memory_space<hbm>>
      tpu.wait_dma2 semaphore(%arg12 : memref<!tpu.dma_semaphore, #tpu.memory_space<semaphore_mem>>) src(%dma_wait3A_1007 : memref<200x128xf32, #tpu.memory_space<hbm>>) dst(%arg8 : memref<200x128xf32, #tpu.memory_space<vmem>>)
      %dma_start3A_1008 = arith.constant 4 : i32
      %dma_start3A_1009 = arith.constant 0 : i32
      %dma_start3A_1010 = arith.constant 0 : i32
      %dma_start3A_1011 = tpu.memref_slice %arg8[%dma_start3A_1009, %dma_start3A_1010] : memref<200x128xf32, #tpu.memory_space<vmem>> -> memref<100x128xf32, #tpu.memory_space<vmem>>
      %dma_start3A_1012 = arith.constant 0 : i32
      %dma_start3A_1013 = tpu.memref_slice %arg7[%dma_start3A_1008, %dma_start3A_1012] : memref<16x100xi32, #tpu.memory_space<vmem>> -> memref<1x100xi32, #tpu.memory_space<vmem>>
      %dma_start3A_1014 = tpu.memref_squeeze %dma_start3A_1013 : memref<1x100xi32, #tpu.memory_space<vmem>> -> memref<100xi32, #tpu.memory_space<vmem>>
      %dma_start3A_1015 = arith.constant 0 : i32
      %dma_start3A_1016 = arith.constant 0 : i32
      %dma_start3A_1017 = tpu.memref_slice %arg5[%dma_start3A_1015, %dma_start3A_1016] : memref<100x128xf32, #tpu.memory_space<vmem_shared>> -> memref<100x128xf32, #tpu.memory_space<vmem_shared>>
      tpu.enqueue_indirect_dma source(%dma_start3A_1017 : memref<100x128xf32, #tpu.memory_space<vmem_shared>>) target(%dma_start3A_1011 : memref<100x128xf32, #tpu.memory_space<vmem>>) offsets(%dma_start3A_1014 : memref<100xi32, #tpu.memory_space<vmem>>) semaphore(%arg10 : memref<!tpu.dma_semaphore, #tpu.memory_space<semaphore_mem>>)
      %dma_start3A_1018 = arith.constant 5 : i32
      %dma_start3A_1019 = arith.constant 100 : i32
      %dma_start3A_1020 = arith.constant 0 : i32
      %dma_start3A_1021 = tpu.memref_slice %arg8[%dma_start3A_1019, %dma_start3A_1020] : memref<200x128xf32, #tpu.memory_space<vmem>> -> memref<100x128xf32, #tpu.memory_space<vmem>>
      %dma_start3A_1022 = arith.constant 0 : i32
      %dma_start3A_1023 = tpu.memref_slice %arg7[%dma_start3A_1018, %dma_start3A_1022] : memref<16x100xi32, #tpu.memory_space<vmem>> -> memref<1x100xi32, #tpu.memory_space<vmem>>
      %dma_start3A_1024 = tpu.memref_squeeze %dma_start3A_1023 : memref<1x100xi32, #tpu.memory_space<vmem>> -> memref<100xi32, #tpu.memory_space<vmem>>
      %dma_start3A_1025 = arith.constant 0 : i32
      %dma_start3A_1026 = arith.constant 0 : i32
      %dma_start3A_1027 = tpu.memref_slice %arg5[%dma_start3A_1025, %dma_start3A_1026] : memref<100x128xf32, #tpu.memory_space<vmem_shared>> -> memref<100x128xf32, #tpu.memory_space<vmem_shared>>
      tpu.enqueue_indirect_dma source(%dma_start3A_1027 : memref<100x128xf32, #tpu.memory_space<vmem_shared>>) target(%dma_start3A_1021 : memref<100x128xf32, #tpu.memory_space<vmem>>) offsets(%dma_start3A_1024 : memref<100xi32, #tpu.memory_space<vmem>>) semaphore(%arg10 : memref<!tpu.dma_semaphore, #tpu.memory_space<semaphore_mem>>)
      %mul3A_1028 = arith.constant 8 : i32
      %mul3A_1029 = arith.muli %add3A_979, %mul3A_1028 : i32
      %add3A_1030 = arith.constant 1 : i32
      %add3A_1031 = arith.addi %mul3A_1029, %add3A_1030 : i32
      %dma_wait3A_1032 = arith.constant 0 : i32
      %dma_wait3A_1033 = arith.constant 0 : i32
      %dma_wait3A_1034 = tpu.memref_slice %arg4[%dma_wait3A_1032, %dma_wait3A_1033] : memref<1638400x128xf32, #tpu.memory_space<hbm>> -> memref<200x128xf32, #tpu.memory_space<hbm>>
      %dma_wait3A_1035 = arith.constant 0 : i32
      %dma_wait3A_1036 = arith.constant 0 : i32
      %dma_wait3A_1037 = tpu.memref_slice %arg4[%dma_wait3A_1035, %dma_wait3A_1036] : memref<1638400x128xf32, #tpu.memory_space<hbm>> -> memref<200x128xf32, #tpu.memory_space<hbm>>
      tpu.wait_dma2 semaphore(%arg11 : memref<!tpu.dma_semaphore, #tpu.memory_space<semaphore_mem>>) src(%dma_wait3A_1037 : memref<200x128xf32, #tpu.memory_space<hbm>>) dst(%arg9 : memref<200x128xf32, #tpu.memory_space<vmem>>)
      %mul3A_1038 = arith.constant 200 : i32
      %mul3A_1039 = arith.muli %add3A_1031, %mul3A_1038 : i32
      %add3A_1040 = arith.addi %mul3A_2, %mul3A_1039 : i32
      %dma_start3A_1041 = arith.constant 0 : i32
      %dma_start3A_1042 = tpu.memref_slice %arg4[%add3A_1040, %dma_start3A_1041] : memref<1638400x128xf32, #tpu.memory_space<hbm>> -> memref<200x128xf32, #tpu.memory_space<hbm>>
      %dma_start3A_1043 = arith.constant 0 : i32
      %dma_start3A_1044 = tpu.memref_slice %arg4[%add3A_1040, %dma_start3A_1043] : memref<1638400x128xf32, #tpu.memory_space<hbm>> -> memref<200x128xf32, #tpu.memory_space<hbm>>
      tpu.enqueue_dma source(%arg9 : memref<200x128xf32, #tpu.memory_space<vmem>>) target(%dma_start3A_1044 : memref<200x128xf32, #tpu.memory_space<hbm>>) target_semaphore(%arg13 : memref<!tpu.dma_semaphore, #tpu.memory_space<semaphore_mem>>)
      %dma_wait3A_1045 = arith.constant 0 : i32
      %dma_wait3A_1046 = arith.constant 0 : i32
      %dma_wait3A_1047 = tpu.memref_slice %arg4[%dma_wait3A_1045, %dma_wait3A_1046] : memref<1638400x128xf32, #tpu.memory_space<hbm>> -> memref<200x128xf32, #tpu.memory_space<hbm>>
      %dma_wait3A_1048 = arith.constant 0 : i32
      %dma_wait3A_1049 = arith.constant 0 : i32
      %dma_wait3A_1050 = tpu.memref_slice %arg4[%dma_wait3A_1048, %dma_wait3A_1049] : memref<1638400x128xf32, #tpu.memory_space<hbm>> -> memref<200x128xf32, #tpu.memory_space<hbm>>
      tpu.wait_dma2 semaphore(%arg13 : memref<!tpu.dma_semaphore, #tpu.memory_space<semaphore_mem>>) src(%dma_wait3A_1050 : memref<200x128xf32, #tpu.memory_space<hbm>>) dst(%arg9 : memref<200x128xf32, #tpu.memory_space<vmem>>)
      %dma_start3A_1051 = arith.constant 6 : i32
      %dma_start3A_1052 = arith.constant 0 : i32
      %dma_start3A_1053 = arith.constant 0 : i32
      %dma_start3A_1054 = tpu.memref_slice %arg9[%dma_start3A_1052, %dma_start3A_1053] : memref<200x128xf32, #tpu.memory_space<vmem>> -> memref<100x128xf32, #tpu.memory_space<vmem>>
      %dma_start3A_1055 = arith.constant 0 : i32
      %dma_start3A_1056 = tpu.memref_slice %arg7[%dma_start3A_1051, %dma_start3A_1055] : memref<16x100xi32, #tpu.memory_space<vmem>> -> memref<1x100xi32, #tpu.memory_space<vmem>>
      %dma_start3A_1057 = tpu.memref_squeeze %dma_start3A_1056 : memref<1x100xi32, #tpu.memory_space<vmem>> -> memref<100xi32, #tpu.memory_space<vmem>>
      %dma_start3A_1058 = arith.constant 0 : i32
      %dma_start3A_1059 = arith.constant 0 : i32
      %dma_start3A_1060 = tpu.memref_slice %arg5[%dma_start3A_1058, %dma_start3A_1059] : memref<100x128xf32, #tpu.memory_space<vmem_shared>> -> memref<100x128xf32, #tpu.memory_space<vmem_shared>>
      tpu.enqueue_indirect_dma source(%dma_start3A_1060 : memref<100x128xf32, #tpu.memory_space<vmem_shared>>) target(%dma_start3A_1054 : memref<100x128xf32, #tpu.memory_space<vmem>>) offsets(%dma_start3A_1057 : memref<100xi32, #tpu.memory_space<vmem>>) semaphore(%arg11 : memref<!tpu.dma_semaphore, #tpu.memory_space<semaphore_mem>>)
      %dma_start3A_1061 = arith.constant 7 : i32
      %dma_start3A_1062 = arith.constant 100 : i32
      %dma_start3A_1063 = arith.constant 0 : i32
      %dma_start3A_1064 = tpu.memref_slice %arg9[%dma_start3A_1062, %dma_start3A_1063] : memref<200x128xf32, #tpu.memory_space<vmem>> -> memref<100x128xf32, #tpu.memory_space<vmem>>
      %dma_start3A_1065 = arith.constant 0 : i32
      %dma_start3A_1066 = tpu.memref_slice %arg7[%dma_start3A_1061, %dma_start3A_1065] : memref<16x100xi32, #tpu.memory_space<vmem>> -> memref<1x100xi32, #tpu.memory_space<vmem>>
      %dma_start3A_1067 = tpu.memref_squeeze %dma_start3A_1066 : memref<1x100xi32, #tpu.memory_space<vmem>> -> memref<100xi32, #tpu.memory_space<vmem>>
      %dma_start3A_1068 = arith.constant 0 : i32
      %dma_start3A_1069 = arith.constant 0 : i32
      %dma_start3A_1070 = tpu.memref_slice %arg5[%dma_start3A_1068, %dma_start3A_1069] : memref<100x128xf32, #tpu.memory_space<vmem_shared>> -> memref<100x128xf32, #tpu.memory_space<vmem_shared>>
      tpu.enqueue_indirect_dma source(%dma_start3A_1070 : memref<100x128xf32, #tpu.memory_space<vmem_shared>>) target(%dma_start3A_1064 : memref<100x128xf32, #tpu.memory_space<vmem>>) offsets(%dma_start3A_1067 : memref<100xi32, #tpu.memory_space<vmem>>) semaphore(%arg11 : memref<!tpu.dma_semaphore, #tpu.memory_space<semaphore_mem>>)
      %mul3A_1071 = arith.constant 8 : i32
      %mul3A_1072 = arith.muli %add3A_979, %mul3A_1071 : i32
      %add3A_1073 = arith.constant 2 : i32
      %add3A_1074 = arith.addi %mul3A_1072, %add3A_1073 : i32
      %dma_wait3A_1075 = arith.constant 0 : i32
      %dma_wait3A_1076 = arith.constant 0 : i32
      %dma_wait3A_1077 = tpu.memref_slice %arg4[%dma_wait3A_1075, %dma_wait3A_1076] : memref<1638400x128xf32, #tpu.memory_space<hbm>> -> memref<200x128xf32, #tpu.memory_space<hbm>>
      %dma_wait3A_1078 = arith.constant 0 : i32
      %dma_wait3A_1079 = arith.constant 0 : i32
      %dma_wait3A_1080 = tpu.memref_slice %arg4[%dma_wait3A_1078, %dma_wait3A_1079] : memref<1638400x128xf32, #tpu.memory_space<hbm>> -> memref<200x128xf32, #tpu.memory_space<hbm>>
      tpu.wait_dma2 semaphore(%arg10 : memref<!tpu.dma_semaphore, #tpu.memory_space<semaphore_mem>>) src(%dma_wait3A_1080 : memref<200x128xf32, #tpu.memory_space<hbm>>) dst(%arg8 : memref<200x128xf32, #tpu.memory_space<vmem>>)
      %mul3A_1081 = arith.constant 200 : i32
      %mul3A_1082 = arith.muli %add3A_1074, %mul3A_1081 : i32
      %add3A_1083 = arith.addi %mul3A_2, %mul3A_1082 : i32
      %dma_start3A_1084 = arith.constant 0 : i32
      %dma_start3A_1085 = tpu.memref_slice %arg4[%add3A_1083, %dma_start3A_1084] : memref<1638400x128xf32, #tpu.memory_space<hbm>> -> memref<200x128xf32, #tpu.memory_space<hbm>>
      %dma_start3A_1086 = arith.constant 0 : i32
      %dma_start3A_1087 = tpu.memref_slice %arg4[%add3A_1083, %dma_start3A_1086] : memref<1638400x128xf32, #tpu.memory_space<hbm>> -> memref<200x128xf32, #tpu.memory_space<hbm>>
      tpu.enqueue_dma source(%arg8 : memref<200x128xf32, #tpu.memory_space<vmem>>) target(%dma_start3A_1087 : memref<200x128xf32, #tpu.memory_space<hbm>>) target_semaphore(%arg12 : memref<!tpu.dma_semaphore, #tpu.memory_space<semaphore_mem>>)
      %dma_wait3A_1088 = arith.constant 0 : i32
      %dma_wait3A_1089 = arith.constant 0 : i32
      %dma_wait3A_1090 = tpu.memref_slice %arg4[%dma_wait3A_1088, %dma_wait3A_1089] : memref<1638400x128xf32, #tpu.memory_space<hbm>> -> memref<200x128xf32, #tpu.memory_space<hbm>>
      %dma_wait3A_1091 = arith.constant 0 : i32
      %dma_wait3A_1092 = arith.constant 0 : i32
      %dma_wait3A_1093 = tpu.memref_slice %arg4[%dma_wait3A_1091, %dma_wait3A_1092] : memref<1638400x128xf32, #tpu.memory_space<hbm>> -> memref<200x128xf32, #tpu.memory_space<hbm>>
      tpu.wait_dma2 semaphore(%arg12 : memref<!tpu.dma_semaphore, #tpu.memory_space<semaphore_mem>>) src(%dma_wait3A_1093 : memref<200x128xf32, #tpu.memory_space<hbm>>) dst(%arg8 : memref<200x128xf32, #tpu.memory_space<vmem>>)
      %dma_start3A_1094 = arith.constant 8 : i32
      %dma_start3A_1095 = arith.constant 0 : i32
      %dma_start3A_1096 = arith.constant 0 : i32
      %dma_start3A_1097 = tpu.memref_slice %arg8[%dma_start3A_1095, %dma_start3A_1096] : memref<200x128xf32, #tpu.memory_space<vmem>> -> memref<100x128xf32, #tpu.memory_space<vmem>>
      %dma_start3A_1098 = arith.constant 0 : i32
      %dma_start3A_1099 = tpu.memref_slice %arg7[%dma_start3A_1094, %dma_start3A_1098] : memref<16x100xi32, #tpu.memory_space<vmem>> -> memref<1x100xi32, #tpu.memory_space<vmem>>
      %dma_start3A_1100 = tpu.memref_squeeze %dma_start3A_1099 : memref<1x100xi32, #tpu.memory_space<vmem>> -> memref<100xi32, #tpu.memory_space<vmem>>
      %dma_start3A_1101 = arith.constant 0 : i32
      %dma_start3A_1102 = arith.constant 0 : i32
      %dma_start3A_1103 = tpu.memref_slice %arg5[%dma_start3A_1101, %dma_start3A_1102] : memref<100x128xf32, #tpu.memory_space<vmem_shared>> -> memref<100x128xf32, #tpu.memory_space<vmem_shared>>
      tpu.enqueue_indirect_dma source(%dma_start3A_1103 : memref<100x128xf32, #tpu.memory_space<vmem_shared>>) target(%dma_start3A_1097 : memref<100x128xf32, #tpu.memory_space<vmem>>) offsets(%dma_start3A_1100 : memref<100xi32, #tpu.memory_space<vmem>>) semaphore(%arg10 : memref<!tpu.dma_semaphore, #tpu.memory_space<semaphore_mem>>)
      %dma_start3A_1104 = arith.constant 9 : i32
      %dma_start3A_1105 = arith.constant 100 : i32
      %dma_start3A_1106 = arith.constant 0 : i32
      %dma_start3A_1107 = tpu.memref_slice %arg8[%dma_start3A_1105, %dma_start3A_1106] : memref<200x128xf32, #tpu.memory_space<vmem>> -> memref<100x128xf32, #tpu.memory_space<vmem>>
      %dma_start3A_1108 = arith.constant 0 : i32
      %dma_start3A_1109 = tpu.memref_slice %arg7[%dma_start3A_1104, %dma_start3A_1108] : memref<16x100xi32, #tpu.memory_space<vmem>> -> memref<1x100xi32, #tpu.memory_space<vmem>>
      %dma_start3A_1110 = tpu.memref_squeeze %dma_start3A_1109 : memref<1x100xi32, #tpu.memory_space<vmem>> -> memref<100xi32, #tpu.memory_space<vmem>>
      %dma_start3A_1111 = arith.constant 0 : i32
      %dma_start3A_1112 = arith.constant 0 : i32
      %dma_start3A_1113 = tpu.memref_slice %arg5[%dma_start3A_1111, %dma_start3A_1112] : memref<100x128xf32, #tpu.memory_space<vmem_shared>> -> memref<100x128xf32, #tpu.memory_space<vmem_shared>>
      tpu.enqueue_indirect_dma source(%dma_start3A_1113 : memref<100x128xf32, #tpu.memory_space<vmem_shared>>) target(%dma_start3A_1107 : memref<100x128xf32, #tpu.memory_space<vmem>>) offsets(%dma_start3A_1110 : memref<100xi32, #tpu.memory_space<vmem>>) semaphore(%arg10 : memref<!tpu.dma_semaphore, #tpu.memory_space<semaphore_mem>>)
      %mul3A_1114 = arith.constant 8 : i32
      %mul3A_1115 = arith.muli %add3A_979, %mul3A_1114 : i32
      %add3A_1116 = arith.constant 3 : i32
      %add3A_1117 = arith.addi %mul3A_1115, %add3A_1116 : i32
      %dma_wait3A_1118 = arith.constant 0 : i32
      %dma_wait3A_1119 = arith.constant 0 : i32
      %dma_wait3A_1120 = tpu.memref_slice %arg4[%dma_wait3A_1118, %dma_wait3A_1119] : memref<1638400x128xf32, #tpu.memory_space<hbm>> -> memref<200x128xf32, #tpu.memory_space<hbm>>
      %dma_wait3A_1121 = arith.constant 0 : i32
      %dma_wait3A_1122 = arith.constant 0 : i32
      %dma_wait3A_1123 = tpu.memref_slice %arg4[%dma_wait3A_1121, %dma_wait3A_1122] : memref<1638400x128xf32, #tpu.memory_space<hbm>> -> memref<200x128xf32, #tpu.memory_space<hbm>>
      tpu.wait_dma2 semaphore(%arg11 : memref<!tpu.dma_semaphore, #tpu.memory_space<semaphore_mem>>) src(%dma_wait3A_1123 : memref<200x128xf32, #tpu.memory_space<hbm>>) dst(%arg9 : memref<200x128xf32, #tpu.memory_space<vmem>>)
      %mul3A_1124 = arith.constant 200 : i32
      %mul3A_1125 = arith.muli %add3A_1117, %mul3A_1124 : i32
      %add3A_1126 = arith.addi %mul3A_2, %mul3A_1125 : i32
      %dma_start3A_1127 = arith.constant 0 : i32
      %dma_start3A_1128 = tpu.memref_slice %arg4[%add3A_1126, %dma_start3A_1127] : memref<1638400x128xf32, #tpu.memory_space<hbm>> -> memref<200x128xf32, #tpu.memory_space<hbm>>
      %dma_start3A_1129 = arith.constant 0 : i32
      %dma_start3A_1130 = tpu.memref_slice %arg4[%add3A_1126, %dma_start3A_1129] : memref<1638400x128xf32, #tpu.memory_space<hbm>> -> memref<200x128xf32, #tpu.memory_space<hbm>>
      tpu.enqueue_dma source(%arg9 : memref<200x128xf32, #tpu.memory_space<vmem>>) target(%dma_start3A_1130 : memref<200x128xf32, #tpu.memory_space<hbm>>) target_semaphore(%arg13 : memref<!tpu.dma_semaphore, #tpu.memory_space<semaphore_mem>>)
      %dma_wait3A_1131 = arith.constant 0 : i32
      %dma_wait3A_1132 = arith.constant 0 : i32
      %dma_wait3A_1133 = tpu.memref_slice %arg4[%dma_wait3A_1131, %dma_wait3A_1132] : memref<1638400x128xf32, #tpu.memory_space<hbm>> -> memref<200x128xf32, #tpu.memory_space<hbm>>
      %dma_wait3A_1134 = arith.constant 0 : i32
      %dma_wait3A_1135 = arith.constant 0 : i32
      %dma_wait3A_1136 = tpu.memref_slice %arg4[%dma_wait3A_1134, %dma_wait3A_1135] : memref<1638400x128xf32, #tpu.memory_space<hbm>> -> memref<200x128xf32, #tpu.memory_space<hbm>>
      tpu.wait_dma2 semaphore(%arg13 : memref<!tpu.dma_semaphore, #tpu.memory_space<semaphore_mem>>) src(%dma_wait3A_1136 : memref<200x128xf32, #tpu.memory_space<hbm>>) dst(%arg9 : memref<200x128xf32, #tpu.memory_space<vmem>>)
      %dma_start3A_1137 = arith.constant 10 : i32
      %dma_start3A_1138 = arith.constant 0 : i32
      %dma_start3A_1139 = arith.constant 0 : i32
      %dma_start3A_1140 = tpu.memref_slice %arg9[%dma_start3A_1138, %dma_start3A_1139] : memref<200x128xf32, #tpu.memory_space<vmem>> -> memref<100x128xf32, #tpu.memory_space<vmem>>
      %dma_start3A_1141 = arith.constant 0 : i32
      %dma_start3A_1142 = tpu.memref_slice %arg7[%dma_start3A_1137, %dma_start3A_1141] : memref<16x100xi32, #tpu.memory_space<vmem>> -> memref<1x100xi32, #tpu.memory_space<vmem>>
      %dma_start3A_1143 = tpu.memref_squeeze %dma_start3A_1142 : memref<1x100xi32, #tpu.memory_space<vmem>> -> memref<100xi32, #tpu.memory_space<vmem>>
      %dma_start3A_1144 = arith.constant 0 : i32
      %dma_start3A_1145 = arith.constant 0 : i32
      %dma_start3A_1146 = tpu.memref_slice %arg5[%dma_start3A_1144, %dma_start3A_1145] : memref<100x128xf32, #tpu.memory_space<vmem_shared>> -> memref<100x128xf32, #tpu.memory_space<vmem_shared>>
      tpu.enqueue_indirect_dma source(%dma_start3A_1146 : memref<100x128xf32, #tpu.memory_space<vmem_shared>>) target(%dma_start3A_1140 : memref<100x128xf32, #tpu.memory_space<vmem>>) offsets(%dma_start3A_1143 : memref<100xi32, #tpu.memory_space<vmem>>) semaphore(%arg11 : memref<!tpu.dma_semaphore, #tpu.memory_space<semaphore_mem>>)
      %dma_start3A_1147 = arith.constant 11 : i32
      %dma_start3A_1148 = arith.constant 100 : i32
      %dma_start3A_1149 = arith.constant 0 : i32
      %dma_start3A_1150 = tpu.memref_slice %arg9[%dma_start3A_1148, %dma_start3A_1149] : memref<200x128xf32, #tpu.memory_space<vmem>> -> memref<100x128xf32, #tpu.memory_space<vmem>>
      %dma_start3A_1151 = arith.constant 0 : i32
      %dma_start3A_1152 = tpu.memref_slice %arg7[%dma_start3A_1147, %dma_start3A_1151] : memref<16x100xi32, #tpu.memory_space<vmem>> -> memref<1x100xi32, #tpu.memory_space<vmem>>
      %dma_start3A_1153 = tpu.memref_squeeze %dma_start3A_1152 : memref<1x100xi32, #tpu.memory_space<vmem>> -> memref<100xi32, #tpu.memory_space<vmem>>
      %dma_start3A_1154 = arith.constant 0 : i32
      %dma_start3A_1155 = arith.constant 0 : i32
      %dma_start3A_1156 = tpu.memref_slice %arg5[%dma_start3A_1154, %dma_start3A_1155] : memref<100x128xf32, #tpu.memory_space<vmem_shared>> -> memref<100x128xf32, #tpu.memory_space<vmem_shared>>
      tpu.enqueue_indirect_dma source(%dma_start3A_1156 : memref<100x128xf32, #tpu.memory_space<vmem_shared>>) target(%dma_start3A_1150 : memref<100x128xf32, #tpu.memory_space<vmem>>) offsets(%dma_start3A_1153 : memref<100xi32, #tpu.memory_space<vmem>>) semaphore(%arg11 : memref<!tpu.dma_semaphore, #tpu.memory_space<semaphore_mem>>)
      %mul3A_1157 = arith.constant 8 : i32
      %mul3A_1158 = arith.muli %add3A_979, %mul3A_1157 : i32
      %add3A_1159 = arith.constant 4 : i32
      %add3A_1160 = arith.addi %mul3A_1158, %add3A_1159 : i32
      %dma_wait3A_1161 = arith.constant 0 : i32
      %dma_wait3A_1162 = arith.constant 0 : i32
      %dma_wait3A_1163 = tpu.memref_slice %arg4[%dma_wait3A_1161, %dma_wait3A_1162] : memref<1638400x128xf32, #tpu.memory_space<hbm>> -> memref<200x128xf32, #tpu.memory_space<hbm>>
      %dma_wait3A_1164 = arith.constant 0 : i32
      %dma_wait3A_1165 = arith.constant 0 : i32
      %dma_wait3A_1166 = tpu.memref_slice %arg4[%dma_wait3A_1164, %dma_wait3A_1165] : memref<1638400x128xf32, #tpu.memory_space<hbm>> -> memref<200x128xf32, #tpu.memory_space<hbm>>
      tpu.wait_dma2 semaphore(%arg10 : memref<!tpu.dma_semaphore, #tpu.memory_space<semaphore_mem>>) src(%dma_wait3A_1166 : memref<200x128xf32, #tpu.memory_space<hbm>>) dst(%arg8 : memref<200x128xf32, #tpu.memory_space<vmem>>)
      %mul3A_1167 = arith.constant 200 : i32
      %mul3A_1168 = arith.muli %add3A_1160, %mul3A_1167 : i32
      %add3A_1169 = arith.addi %mul3A_2, %mul3A_1168 : i32
      %dma_start3A_1170 = arith.constant 0 : i32
      %dma_start3A_1171 = tpu.memref_slice %arg4[%add3A_1169, %dma_start3A_1170] : memref<1638400x128xf32, #tpu.memory_space<hbm>> -> memref<200x128xf32, #tpu.memory_space<hbm>>
      %dma_start3A_1172 = arith.constant 0 : i32
      %dma_start3A_1173 = tpu.memref_slice %arg4[%add3A_1169, %dma_start3A_1172] : memref<1638400x128xf32, #tpu.memory_space<hbm>> -> memref<200x128xf32, #tpu.memory_space<hbm>>
      tpu.enqueue_dma source(%arg8 : memref<200x128xf32, #tpu.memory_space<vmem>>) target(%dma_start3A_1173 : memref<200x128xf32, #tpu.memory_space<hbm>>) target_semaphore(%arg12 : memref<!tpu.dma_semaphore, #tpu.memory_space<semaphore_mem>>)
      %dma_wait3A_1174 = arith.constant 0 : i32
      %dma_wait3A_1175 = arith.constant 0 : i32
      %dma_wait3A_1176 = tpu.memref_slice %arg4[%dma_wait3A_1174, %dma_wait3A_1175] : memref<1638400x128xf32, #tpu.memory_space<hbm>> -> memref<200x128xf32, #tpu.memory_space<hbm>>
      %dma_wait3A_1177 = arith.constant 0 : i32
      %dma_wait3A_1178 = arith.constant 0 : i32
      %dma_wait3A_1179 = tpu.memref_slice %arg4[%dma_wait3A_1177, %dma_wait3A_1178] : memref<1638400x128xf32, #tpu.memory_space<hbm>> -> memref<200x128xf32, #tpu.memory_space<hbm>>
      tpu.wait_dma2 semaphore(%arg12 : memref<!tpu.dma_semaphore, #tpu.memory_space<semaphore_mem>>) src(%dma_wait3A_1179 : memref<200x128xf32, #tpu.memory_space<hbm>>) dst(%arg8 : memref<200x128xf32, #tpu.memory_space<vmem>>)
      %dma_start3A_1180 = arith.constant 12 : i32
      %dma_start3A_1181 = arith.constant 0 : i32
      %dma_start3A_1182 = arith.constant 0 : i32
      %dma_start3A_1183 = tpu.memref_slice %arg8[%dma_start3A_1181, %dma_start3A_1182] : memref<200x128xf32, #tpu.memory_space<vmem>> -> memref<100x128xf32, #tpu.memory_space<vmem>>
      %dma_start3A_1184 = arith.constant 0 : i32
      %dma_start3A_1185 = tpu.memref_slice %arg7[%dma_start3A_1180, %dma_start3A_1184] : memref<16x100xi32, #tpu.memory_space<vmem>> -> memref<1x100xi32, #tpu.memory_space<vmem>>
      %dma_start3A_1186 = tpu.memref_squeeze %dma_start3A_1185 : memref<1x100xi32, #tpu.memory_space<vmem>> -> memref<100xi32, #tpu.memory_space<vmem>>
      %dma_start3A_1187 = arith.constant 0 : i32
      %dma_start3A_1188 = arith.constant 0 : i32
      %dma_start3A_1189 = tpu.memref_slice %arg5[%dma_start3A_1187, %dma_start3A_1188] : memref<100x128xf32, #tpu.memory_space<vmem_shared>> -> memref<100x128xf32, #tpu.memory_space<vmem_shared>>
      tpu.enqueue_indirect_dma source(%dma_start3A_1189 : memref<100x128xf32, #tpu.memory_space<vmem_shared>>) target(%dma_start3A_1183 : memref<100x128xf32, #tpu.memory_space<vmem>>) offsets(%dma_start3A_1186 : memref<100xi32, #tpu.memory_space<vmem>>) semaphore(%arg10 : memref<!tpu.dma_semaphore, #tpu.memory_space<semaphore_mem>>)
      %dma_start3A_1190 = arith.constant 13 : i32
      %dma_start3A_1191 = arith.constant 100 : i32
      %dma_start3A_1192 = arith.constant 0 : i32
      %dma_start3A_1193 = tpu.memref_slice %arg8[%dma_start3A_1191, %dma_start3A_1192] : memref<200x128xf32, #tpu.memory_space<vmem>> -> memref<100x128xf32, #tpu.memory_space<vmem>>
      %dma_start3A_1194 = arith.constant 0 : i32
      %dma_start3A_1195 = tpu.memref_slice %arg7[%dma_start3A_1190, %dma_start3A_1194] : memref<16x100xi32, #tpu.memory_space<vmem>> -> memref<1x100xi32, #tpu.memory_space<vmem>>
      %dma_start3A_1196 = tpu.memref_squeeze %dma_start3A_1195 : memref<1x100xi32, #tpu.memory_space<vmem>> -> memref<100xi32, #tpu.memory_space<vmem>>
      %dma_start3A_1197 = arith.constant 0 : i32
      %dma_start3A_1198 = arith.constant 0 : i32
      %dma_start3A_1199 = tpu.memref_slice %arg5[%dma_start3A_1197, %dma_start3A_1198] : memref<100x128xf32, #tpu.memory_space<vmem_shared>> -> memref<100x128xf32, #tpu.memory_space<vmem_shared>>
      tpu.enqueue_indirect_dma source(%dma_start3A_1199 : memref<100x128xf32, #tpu.memory_space<vmem_shared>>) target(%dma_start3A_1193 : memref<100x128xf32, #tpu.memory_space<vmem>>) offsets(%dma_start3A_1196 : memref<100xi32, #tpu.memory_space<vmem>>) semaphore(%arg10 : memref<!tpu.dma_semaphore, #tpu.memory_space<semaphore_mem>>)
      %mul3A_1200 = arith.constant 8 : i32
      %mul3A_1201 = arith.muli %add3A_979, %mul3A_1200 : i32
      %add3A_1202 = arith.constant 5 : i32
      %add3A_1203 = arith.addi %mul3A_1201, %add3A_1202 : i32
      %dma_wait3A_1204 = arith.constant 0 : i32
      %dma_wait3A_1205 = arith.constant 0 : i32
      %dma_wait3A_1206 = tpu.memref_slice %arg4[%dma_wait3A_1204, %dma_wait3A_1205] : memref<1638400x128xf32, #tpu.memory_space<hbm>> -> memref<200x128xf32, #tpu.memory_space<hbm>>
      %dma_wait3A_1207 = arith.constant 0 : i32
      %dma_wait3A_1208 = arith.constant 0 : i32
      %dma_wait3A_1209 = tpu.memref_slice %arg4[%dma_wait3A_1207, %dma_wait3A_1208] : memref<1638400x128xf32, #tpu.memory_space<hbm>> -> memref<200x128xf32, #tpu.memory_space<hbm>>
      tpu.wait_dma2 semaphore(%arg11 : memref<!tpu.dma_semaphore, #tpu.memory_space<semaphore_mem>>) src(%dma_wait3A_1209 : memref<200x128xf32, #tpu.memory_space<hbm>>) dst(%arg9 : memref<200x128xf32, #tpu.memory_space<vmem>>)
      %mul3A_1210 = arith.constant 200 : i32
      %mul3A_1211 = arith.muli %add3A_1203, %mul3A_1210 : i32
      %add3A_1212 = arith.addi %mul3A_2, %mul3A_1211 : i32
      %dma_start3A_1213 = arith.constant 0 : i32
      %dma_start3A_1214 = tpu.memref_slice %arg4[%add3A_1212, %dma_start3A_1213] : memref<1638400x128xf32, #tpu.memory_space<hbm>> -> memref<200x128xf32, #tpu.memory_space<hbm>>
      %dma_start3A_1215 = arith.constant 0 : i32
      %dma_start3A_1216 = tpu.memref_slice %arg4[%add3A_1212, %dma_start3A_1215] : memref<1638400x128xf32, #tpu.memory_space<hbm>> -> memref<200x128xf32, #tpu.memory_space<hbm>>
      tpu.enqueue_dma source(%arg9 : memref<200x128xf32, #tpu.memory_space<vmem>>) target(%dma_start3A_1216 : memref<200x128xf32, #tpu.memory_space<hbm>>) target_semaphore(%arg13 : memref<!tpu.dma_semaphore, #tpu.memory_space<semaphore_mem>>)
      %dma_wait3A_1217 = arith.constant 0 : i32
      %dma_wait3A_1218 = arith.constant 0 : i32
      %dma_wait3A_1219 = tpu.memref_slice %arg4[%dma_wait3A_1217, %dma_wait3A_1218] : memref<1638400x128xf32, #tpu.memory_space<hbm>> -> memref<200x128xf32, #tpu.memory_space<hbm>>
      %dma_wait3A_1220 = arith.constant 0 : i32
      %dma_wait3A_1221 = arith.constant 0 : i32
      %dma_wait3A_1222 = tpu.memref_slice %arg4[%dma_wait3A_1220, %dma_wait3A_1221] : memref<1638400x128xf32, #tpu.memory_space<hbm>> -> memref<200x128xf32, #tpu.memory_space<hbm>>
      tpu.wait_dma2 semaphore(%arg13 : memref<!tpu.dma_semaphore, #tpu.memory_space<semaphore_mem>>) src(%dma_wait3A_1222 : memref<200x128xf32, #tpu.memory_space<hbm>>) dst(%arg9 : memref<200x128xf32, #tpu.memory_space<vmem>>)
      %dma_start3A_1223 = arith.constant 14 : i32
      %dma_start3A_1224 = arith.constant 0 : i32
      %dma_start3A_1225 = arith.constant 0 : i32
      %dma_start3A_1226 = tpu.memref_slice %arg9[%dma_start3A_1224, %dma_start3A_1225] : memref<200x128xf32, #tpu.memory_space<vmem>> -> memref<100x128xf32, #tpu.memory_space<vmem>>
      %dma_start3A_1227 = arith.constant 0 : i32
      %dma_start3A_1228 = tpu.memref_slice %arg7[%dma_start3A_1223, %dma_start3A_1227] : memref<16x100xi32, #tpu.memory_space<vmem>> -> memref<1x100xi32, #tpu.memory_space<vmem>>
      %dma_start3A_1229 = tpu.memref_squeeze %dma_start3A_1228 : memref<1x100xi32, #tpu.memory_space<vmem>> -> memref<100xi32, #tpu.memory_space<vmem>>
      %dma_start3A_1230 = arith.constant 0 : i32
      %dma_start3A_1231 = arith.constant 0 : i32
      %dma_start3A_1232 = tpu.memref_slice %arg5[%dma_start3A_1230, %dma_start3A_1231] : memref<100x128xf32, #tpu.memory_space<vmem_shared>> -> memref<100x128xf32, #tpu.memory_space<vmem_shared>>
      tpu.enqueue_indirect_dma source(%dma_start3A_1232 : memref<100x128xf32, #tpu.memory_space<vmem_shared>>) target(%dma_start3A_1226 : memref<100x128xf32, #tpu.memory_space<vmem>>) offsets(%dma_start3A_1229 : memref<100xi32, #tpu.memory_space<vmem>>) semaphore(%arg11 : memref<!tpu.dma_semaphore, #tpu.memory_space<semaphore_mem>>)
      %dma_start3A_1233 = arith.constant 15 : i32
      %dma_start3A_1234 = arith.constant 100 : i32
      %dma_start3A_1235 = arith.constant 0 : i32
      %dma_start3A_1236 = tpu.memref_slice %arg9[%dma_start3A_1234, %dma_start3A_1235] : memref<200x128xf32, #tpu.memory_space<vmem>> -> memref<100x128xf32, #tpu.memory_space<vmem>>
      %dma_start3A_1237 = arith.constant 0 : i32
      %dma_start3A_1238 = tpu.memref_slice %arg7[%dma_start3A_1233, %dma_start3A_1237] : memref<16x100xi32, #tpu.memory_space<vmem>> -> memref<1x100xi32, #tpu.memory_space<vmem>>
      %dma_start3A_1239 = tpu.memref_squeeze %dma_start3A_1238 : memref<1x100xi32, #tpu.memory_space<vmem>> -> memref<100xi32, #tpu.memory_space<vmem>>
      %dma_start3A_1240 = arith.constant 0 : i32
      %dma_start3A_1241 = arith.constant 0 : i32
      %dma_start3A_1242 = tpu.memref_slice %arg5[%dma_start3A_1240, %dma_start3A_1241] : memref<100x128xf32, #tpu.memory_space<vmem_shared>> -> memref<100x128xf32, #tpu.memory_space<vmem_shared>>
      tpu.enqueue_indirect_dma source(%dma_start3A_1242 : memref<100x128xf32, #tpu.memory_space<vmem_shared>>) target(%dma_start3A_1236 : memref<100x128xf32, #tpu.memory_space<vmem>>) offsets(%dma_start3A_1239 : memref<100xi32, #tpu.memory_space<vmem>>) semaphore(%arg11 : memref<!tpu.dma_semaphore, #tpu.memory_space<semaphore_mem>>)
      %mul3A_1243 = arith.constant 8 : i32
      %mul3A_1244 = arith.muli %add3A_979, %mul3A_1243 : i32
      %add3A_1245 = arith.constant 6 : i32
      %add3A_1246 = arith.addi %mul3A_1244, %add3A_1245 : i32
      %dma_wait3A_1247 = arith.constant 0 : i32
      %dma_wait3A_1248 = arith.constant 0 : i32
      %dma_wait3A_1249 = tpu.memref_slice %arg4[%dma_wait3A_1247, %dma_wait3A_1248] : memref<1638400x128xf32, #tpu.memory_space<hbm>> -> memref<200x128xf32, #tpu.memory_space<hbm>>
      %dma_wait3A_1250 = arith.constant 0 : i32
      %dma_wait3A_1251 = arith.constant 0 : i32
      %dma_wait3A_1252 = tpu.memref_slice %arg4[%dma_wait3A_1250, %dma_wait3A_1251] : memref<1638400x128xf32, #tpu.memory_space<hbm>> -> memref<200x128xf32, #tpu.memory_space<hbm>>
      tpu.wait_dma2 semaphore(%arg10 : memref<!tpu.dma_semaphore, #tpu.memory_space<semaphore_mem>>) src(%dma_wait3A_1252 : memref<200x128xf32, #tpu.memory_space<hbm>>) dst(%arg8 : memref<200x128xf32, #tpu.memory_space<vmem>>)
      %mul3A_1253 = arith.constant 200 : i32
      %mul3A_1254 = arith.muli %add3A_1246, %mul3A_1253 : i32
      %add3A_1255 = arith.addi %mul3A_2, %mul3A_1254 : i32
      %dma_start3A_1256 = arith.constant 0 : i32
      %dma_start3A_1257 = tpu.memref_slice %arg4[%add3A_1255, %dma_start3A_1256] : memref<1638400x128xf32, #tpu.memory_space<hbm>> -> memref<200x128xf32, #tpu.memory_space<hbm>>
      %dma_start3A_1258 = arith.constant 0 : i32
      %dma_start3A_1259 = tpu.memref_slice %arg4[%add3A_1255, %dma_start3A_1258] : memref<1638400x128xf32, #tpu.memory_space<hbm>> -> memref<200x128xf32, #tpu.memory_space<hbm>>
      tpu.enqueue_dma source(%arg8 : memref<200x128xf32, #tpu.memory_space<vmem>>) target(%dma_start3A_1259 : memref<200x128xf32, #tpu.memory_space<hbm>>) target_semaphore(%arg12 : memref<!tpu.dma_semaphore, #tpu.memory_space<semaphore_mem>>)
      %dma_wait3A_1260 = arith.constant 0 : i32
      %dma_wait3A_1261 = arith.constant 0 : i32
      %dma_wait3A_1262 = tpu.memref_slice %arg4[%dma_wait3A_1260, %dma_wait3A_1261] : memref<1638400x128xf32, #tpu.memory_space<hbm>> -> memref<200x128xf32, #tpu.memory_space<hbm>>
      %dma_wait3A_1263 = arith.constant 0 : i32
      %dma_wait3A_1264 = arith.constant 0 : i32
      %dma_wait3A_1265 = tpu.memref_slice %arg4[%dma_wait3A_1263, %dma_wait3A_1264] : memref<1638400x128xf32, #tpu.memory_space<hbm>> -> memref<200x128xf32, #tpu.memory_space<hbm>>
      tpu.wait_dma2 semaphore(%arg12 : memref<!tpu.dma_semaphore, #tpu.memory_space<semaphore_mem>>) src(%dma_wait3A_1265 : memref<200x128xf32, #tpu.memory_space<hbm>>) dst(%arg8 : memref<200x128xf32, #tpu.memory_space<vmem>>)
      %dma_start3A_1266 = arith.constant 0 : i32
      %dma_start3A_1267 = arith.constant 0 : i32
      %dma_start3A_1268 = arith.constant 0 : i32
      %dma_start3A_1269 = tpu.memref_slice %arg8[%dma_start3A_1267, %dma_start3A_1268] : memref<200x128xf32, #tpu.memory_space<vmem>> -> memref<100x128xf32, #tpu.memory_space<vmem>>
      %dma_start3A_1270 = arith.constant 0 : i32
      %dma_start3A_1271 = tpu.memref_slice %arg6[%dma_start3A_1266, %dma_start3A_1270] : memref<16x100xi32, #tpu.memory_space<vmem>> -> memref<1x100xi32, #tpu.memory_space<vmem>>
      %dma_start3A_1272 = tpu.memref_squeeze %dma_start3A_1271 : memref<1x100xi32, #tpu.memory_space<vmem>> -> memref<100xi32, #tpu.memory_space<vmem>>
      %dma_start3A_1273 = arith.constant 0 : i32
      %dma_start3A_1274 = arith.constant 0 : i32
      %dma_start3A_1275 = tpu.memref_slice %arg5[%dma_start3A_1273, %dma_start3A_1274] : memref<100x128xf32, #tpu.memory_space<vmem_shared>> -> memref<100x128xf32, #tpu.memory_space<vmem_shared>>
      tpu.enqueue_indirect_dma source(%dma_start3A_1275 : memref<100x128xf32, #tpu.memory_space<vmem_shared>>) target(%dma_start3A_1269 : memref<100x128xf32, #tpu.memory_space<vmem>>) offsets(%dma_start3A_1272 : memref<100xi32, #tpu.memory_space<vmem>>) semaphore(%arg10 : memref<!tpu.dma_semaphore, #tpu.memory_space<semaphore_mem>>)
      %dma_start3A_1276 = arith.constant 1 : i32
      %dma_start3A_1277 = arith.constant 100 : i32
      %dma_start3A_1278 = arith.constant 0 : i32
      %dma_start3A_1279 = tpu.memref_slice %arg8[%dma_start3A_1277, %dma_start3A_1278] : memref<200x128xf32, #tpu.memory_space<vmem>> -> memref<100x128xf32, #tpu.memory_space<vmem>>
      %dma_start3A_1280 = arith.constant 0 : i32
      %dma_start3A_1281 = tpu.memref_slice %arg6[%dma_start3A_1276, %dma_start3A_1280] : memref<16x100xi32, #tpu.memory_space<vmem>> -> memref<1x100xi32, #tpu.memory_space<vmem>>
      %dma_start3A_1282 = tpu.memref_squeeze %dma_start3A_1281 : memref<1x100xi32, #tpu.memory_space<vmem>> -> memref<100xi32, #tpu.memory_space<vmem>>
      %dma_start3A_1283 = arith.constant 0 : i32
      %dma_start3A_1284 = arith.constant 0 : i32
      %dma_start3A_1285 = tpu.memref_slice %arg5[%dma_start3A_1283, %dma_start3A_1284] : memref<100x128xf32, #tpu.memory_space<vmem_shared>> -> memref<100x128xf32, #tpu.memory_space<vmem_shared>>
      tpu.enqueue_indirect_dma source(%dma_start3A_1285 : memref<100x128xf32, #tpu.memory_space<vmem_shared>>) target(%dma_start3A_1279 : memref<100x128xf32, #tpu.memory_space<vmem>>) offsets(%dma_start3A_1282 : memref<100xi32, #tpu.memory_space<vmem>>) semaphore(%arg10 : memref<!tpu.dma_semaphore, #tpu.memory_space<semaphore_mem>>)
      %mul3A_1286 = arith.constant 8 : i32
      %mul3A_1287 = arith.muli %add3A_979, %mul3A_1286 : i32
      %add3A_1288 = arith.constant 7 : i32
      %add3A_1289 = arith.addi %mul3A_1287, %add3A_1288 : i32
      %dma_wait3A_1290 = arith.constant 0 : i32
      %dma_wait3A_1291 = arith.constant 0 : i32
      %dma_wait3A_1292 = tpu.memref_slice %arg4[%dma_wait3A_1290, %dma_wait3A_1291] : memref<1638400x128xf32, #tpu.memory_space<hbm>> -> memref<200x128xf32, #tpu.memory_space<hbm>>
      %dma_wait3A_1293 = arith.constant 0 : i32
      %dma_wait3A_1294 = arith.constant 0 : i32
      %dma_wait3A_1295 = tpu.memref_slice %arg4[%dma_wait3A_1293, %dma_wait3A_1294] : memref<1638400x128xf32, #tpu.memory_space<hbm>> -> memref<200x128xf32, #tpu.memory_space<hbm>>
      tpu.wait_dma2 semaphore(%arg11 : memref<!tpu.dma_semaphore, #tpu.memory_space<semaphore_mem>>) src(%dma_wait3A_1295 : memref<200x128xf32, #tpu.memory_space<hbm>>) dst(%arg9 : memref<200x128xf32, #tpu.memory_space<vmem>>)
      %mul3A_1296 = arith.constant 200 : i32
      %mul3A_1297 = arith.muli %add3A_1289, %mul3A_1296 : i32
      %add3A_1298 = arith.addi %mul3A_2, %mul3A_1297 : i32
      %dma_start3A_1299 = arith.constant 0 : i32
      %dma_start3A_1300 = tpu.memref_slice %arg4[%add3A_1298, %dma_start3A_1299] : memref<1638400x128xf32, #tpu.memory_space<hbm>> -> memref<200x128xf32, #tpu.memory_space<hbm>>
      %dma_start3A_1301 = arith.constant 0 : i32
      %dma_start3A_1302 = tpu.memref_slice %arg4[%add3A_1298, %dma_start3A_1301] : memref<1638400x128xf32, #tpu.memory_space<hbm>> -> memref<200x128xf32, #tpu.memory_space<hbm>>
      tpu.enqueue_dma source(%arg9 : memref<200x128xf32, #tpu.memory_space<vmem>>) target(%dma_start3A_1302 : memref<200x128xf32, #tpu.memory_space<hbm>>) target_semaphore(%arg13 : memref<!tpu.dma_semaphore, #tpu.memory_space<semaphore_mem>>)
      %dma_wait3A_1303 = arith.constant 0 : i32
      %dma_wait3A_1304 = arith.constant 0 : i32
      %dma_wait3A_1305 = tpu.memref_slice %arg4[%dma_wait3A_1303, %dma_wait3A_1304] : memref<1638400x128xf32, #tpu.memory_space<hbm>> -> memref<200x128xf32, #tpu.memory_space<hbm>>
      %dma_wait3A_1306 = arith.constant 0 : i32
      %dma_wait3A_1307 = arith.constant 0 : i32
      %dma_wait3A_1308 = tpu.memref_slice %arg4[%dma_wait3A_1306, %dma_wait3A_1307] : memref<1638400x128xf32, #tpu.memory_space<hbm>> -> memref<200x128xf32, #tpu.memory_space<hbm>>
      tpu.wait_dma2 semaphore(%arg13 : memref<!tpu.dma_semaphore, #tpu.memory_space<semaphore_mem>>) src(%dma_wait3A_1308 : memref<200x128xf32, #tpu.memory_space<hbm>>) dst(%arg9 : memref<200x128xf32, #tpu.memory_space<vmem>>)
      %dma_start3A_1309 = arith.constant 2 : i32
      %dma_start3A_1310 = arith.constant 0 : i32
      %dma_start3A_1311 = arith.constant 0 : i32
      %dma_start3A_1312 = tpu.memref_slice %arg9[%dma_start3A_1310, %dma_start3A_1311] : memref<200x128xf32, #tpu.memory_space<vmem>> -> memref<100x128xf32, #tpu.memory_space<vmem>>
      %dma_start3A_1313 = arith.constant 0 : i32
      %dma_start3A_1314 = tpu.memref_slice %arg6[%dma_start3A_1309, %dma_start3A_1313] : memref<16x100xi32, #tpu.memory_space<vmem>> -> memref<1x100xi32, #tpu.memory_space<vmem>>
      %dma_start3A_1315 = tpu.memref_squeeze %dma_start3A_1314 : memref<1x100xi32, #tpu.memory_space<vmem>> -> memref<100xi32, #tpu.memory_space<vmem>>
      %dma_start3A_1316 = arith.constant 0 : i32
      %dma_start3A_1317 = arith.constant 0 : i32
      %dma_start3A_1318 = tpu.memref_slice %arg5[%dma_start3A_1316, %dma_start3A_1317] : memref<100x128xf32, #tpu.memory_space<vmem_shared>> -> memref<100x128xf32, #tpu.memory_space<vmem_shared>>
      tpu.enqueue_indirect_dma source(%dma_start3A_1318 : memref<100x128xf32, #tpu.memory_space<vmem_shared>>) target(%dma_start3A_1312 : memref<100x128xf32, #tpu.memory_space<vmem>>) offsets(%dma_start3A_1315 : memref<100xi32, #tpu.memory_space<vmem>>) semaphore(%arg11 : memref<!tpu.dma_semaphore, #tpu.memory_space<semaphore_mem>>)
      %dma_start3A_1319 = arith.constant 3 : i32
      %dma_start3A_1320 = arith.constant 100 : i32
      %dma_start3A_1321 = arith.constant 0 : i32
      %dma_start3A_1322 = tpu.memref_slice %arg9[%dma_start3A_1320, %dma_start3A_1321] : memref<200x128xf32, #tpu.memory_space<vmem>> -> memref<100x128xf32, #tpu.memory_space<vmem>>
      %dma_start3A_1323 = arith.constant 0 : i32
      %dma_start3A_1324 = tpu.memref_slice %arg6[%dma_start3A_1319, %dma_start3A_1323] : memref<16x100xi32, #tpu.memory_space<vmem>> -> memref<1x100xi32, #tpu.memory_space<vmem>>
      %dma_start3A_1325 = tpu.memref_squeeze %dma_start3A_1324 : memref<1x100xi32, #tpu.memory_space<vmem>> -> memref<100xi32, #tpu.memory_space<vmem>>
      %dma_start3A_1326 = arith.constant 0 : i32
      %dma_start3A_1327 = arith.constant 0 : i32
      %dma_start3A_1328 = tpu.memref_slice %arg5[%dma_start3A_1326, %dma_start3A_1327] : memref<100x128xf32, #tpu.memory_space<vmem_shared>> -> memref<100x128xf32, #tpu.memory_space<vmem_shared>>
      tpu.enqueue_indirect_dma source(%dma_start3A_1328 : memref<100x128xf32, #tpu.memory_space<vmem_shared>>) target(%dma_start3A_1322 : memref<100x128xf32, #tpu.memory_space<vmem>>) offsets(%dma_start3A_1325 : memref<100xi32, #tpu.memory_space<vmem>>) semaphore(%arg11 : memref<!tpu.dma_semaphore, #tpu.memory_space<semaphore_mem>>)
    }
    %scan3A_52 = arith.constant 15 : i32
    %add3A_53 = arith.constant 496 : i32
    %add3A_54 = arith.addi %mul3A_4, %add3A_53 : i32
    "tpu.region"() ({
      %run_scoped3A = tpu.sem_alloc : memref<!tpu.dma_semaphore, #tpu.memory_space<semaphore_mem>>
      %dma_start3A_622 = arith.constant 0 : i32
      %dma_start3A_623 = tpu.memref_slice %arg3[%add3A_54, %dma_start3A_622] : memref<16384x100xi32, #tpu.memory_space<hbm>> -> memref<16x100xi32, #tpu.memory_space<hbm>>
      %dma_start3A_624 = arith.constant 0 : i32
      %dma_start3A_625 = tpu.memref_slice %arg3[%add3A_54, %dma_start3A_624] : memref<16384x100xi32, #tpu.memory_space<hbm>> -> memref<16x100xi32, #tpu.memory_space<hbm>>
      tpu.enqueue_dma source(%dma_start3A_625 : memref<16x100xi32, #tpu.memory_space<hbm>>) target(%arg7 : memref<16x100xi32, #tpu.memory_space<vmem>>) target_semaphore(%run_scoped3A : memref<!tpu.dma_semaphore, #tpu.memory_space<semaphore_mem>>)
      %dma_wait3A_626 = arith.constant 0 : i32
      %dma_wait3A_627 = tpu.memref_slice %arg3[%add3A_54, %dma_wait3A_626] : memref<16384x100xi32, #tpu.memory_space<hbm>> -> memref<16x100xi32, #tpu.memory_space<hbm>>
      %dma_wait3A_628 = arith.constant 0 : i32
      %dma_wait3A_629 = tpu.memref_slice %arg3[%add3A_54, %dma_wait3A_628] : memref<16384x100xi32, #tpu.memory_space<hbm>> -> memref<16x100xi32, #tpu.memory_space<hbm>>
      tpu.wait_dma2 semaphore(%run_scoped3A : memref<!tpu.dma_semaphore, #tpu.memory_space<semaphore_mem>>) src(%dma_wait3A_629 : memref<16x100xi32, #tpu.memory_space<hbm>>) dst(%arg7 : memref<16x100xi32, #tpu.memory_space<vmem>>)
      tpu.yield
    }) : () -> ()
    %dma_wait3A = arith.constant 0 : i32
    %dma_wait3A_55 = arith.constant 0 : i32
    %dma_wait3A_56 = tpu.memref_slice %arg4[%dma_wait3A, %dma_wait3A_55] : memref<1638400x128xf32, #tpu.memory_space<hbm>> -> memref<200x128xf32, #tpu.memory_space<hbm>>
    %dma_wait3A_57 = arith.constant 0 : i32
    %dma_wait3A_58 = arith.constant 0 : i32
    %dma_wait3A_59 = tpu.memref_slice %arg4[%dma_wait3A_57, %dma_wait3A_58] : memref<1638400x128xf32, #tpu.memory_space<hbm>> -> memref<200x128xf32, #tpu.memory_space<hbm>>
    tpu.wait_dma2 semaphore(%arg10 : memref<!tpu.dma_semaphore, #tpu.memory_space<semaphore_mem>>) src(%dma_wait3A_59 : memref<200x128xf32, #tpu.memory_space<hbm>>) dst(%arg8 : memref<200x128xf32, #tpu.memory_space<vmem>>)
    %add3A_60 = arith.constant 48000 : i32
    %add3A_61 = arith.addi %mul3A_2, %add3A_60 : i32
    %dma_start3A_62 = arith.constant 0 : i32
    %dma_start3A_63 = tpu.memref_slice %arg4[%add3A_61, %dma_start3A_62] : memref<1638400x128xf32, #tpu.memory_space<hbm>> -> memref<200x128xf32, #tpu.memory_space<hbm>>
    %dma_start3A_64 = arith.constant 0 : i32
    %dma_start3A_65 = tpu.memref_slice %arg4[%add3A_61, %dma_start3A_64] : memref<1638400x128xf32, #tpu.memory_space<hbm>> -> memref<200x128xf32, #tpu.memory_space<hbm>>
    tpu.enqueue_dma source(%arg8 : memref<200x128xf32, #tpu.memory_space<vmem>>) target(%dma_start3A_65 : memref<200x128xf32, #tpu.memory_space<hbm>>) target_semaphore(%arg12 : memref<!tpu.dma_semaphore, #tpu.memory_space<semaphore_mem>>)
    %dma_wait3A_66 = arith.constant 0 : i32
    %dma_wait3A_67 = arith.constant 0 : i32
    %dma_wait3A_68 = tpu.memref_slice %arg4[%dma_wait3A_66, %dma_wait3A_67] : memref<1638400x128xf32, #tpu.memory_space<hbm>> -> memref<200x128xf32, #tpu.memory_space<hbm>>
    %dma_wait3A_69 = arith.constant 0 : i32
    %dma_wait3A_70 = arith.constant 0 : i32
    %dma_wait3A_71 = tpu.memref_slice %arg4[%dma_wait3A_69, %dma_wait3A_70] : memref<1638400x128xf32, #tpu.memory_space<hbm>> -> memref<200x128xf32, #tpu.memory_space<hbm>>
    tpu.wait_dma2 semaphore(%arg12 : memref<!tpu.dma_semaphore, #tpu.memory_space<semaphore_mem>>) src(%dma_wait3A_71 : memref<200x128xf32, #tpu.memory_space<hbm>>) dst(%arg8 : memref<200x128xf32, #tpu.memory_space<vmem>>)
    %dma_start3A_72 = arith.constant 4 : i32
    %dma_start3A_73 = arith.constant 0 : i32
    %dma_start3A_74 = arith.constant 0 : i32
    %dma_start3A_75 = tpu.memref_slice %arg8[%dma_start3A_73, %dma_start3A_74] : memref<200x128xf32, #tpu.memory_space<vmem>> -> memref<100x128xf32, #tpu.memory_space<vmem>>
    %dma_start3A_76 = arith.constant 0 : i32
    %dma_start3A_77 = tpu.memref_slice %arg6[%dma_start3A_72, %dma_start3A_76] : memref<16x100xi32, #tpu.memory_space<vmem>> -> memref<1x100xi32, #tpu.memory_space<vmem>>
    %dma_start3A_78 = tpu.memref_squeeze %dma_start3A_77 : memref<1x100xi32, #tpu.memory_space<vmem>> -> memref<100xi32, #tpu.memory_space<vmem>>
    %dma_start3A_79 = arith.constant 0 : i32
    %dma_start3A_80 = arith.constant 0 : i32
    %dma_start3A_81 = tpu.memref_slice %arg5[%dma_start3A_79, %dma_start3A_80] : memref<100x128xf32, #tpu.memory_space<vmem_shared>> -> memref<100x128xf32, #tpu.memory_space<vmem_shared>>
    tpu.enqueue_indirect_dma source(%dma_start3A_81 : memref<100x128xf32, #tpu.memory_space<vmem_shared>>) target(%dma_start3A_75 : memref<100x128xf32, #tpu.memory_space<vmem>>) offsets(%dma_start3A_78 : memref<100xi32, #tpu.memory_space<vmem>>) semaphore(%arg10 : memref<!tpu.dma_semaphore, #tpu.memory_space<semaphore_mem>>)
    %dma_start3A_82 = arith.constant 5 : i32
    %dma_start3A_83 = arith.constant 100 : i32
    %dma_start3A_84 = arith.constant 0 : i32
    %dma_start3A_85 = tpu.memref_slice %arg8[%dma_start3A_83, %dma_start3A_84] : memref<200x128xf32, #tpu.memory_space<vmem>> -> memref<100x128xf32, #tpu.memory_space<vmem>>
    %dma_start3A_86 = arith.constant 0 : i32
    %dma_start3A_87 = tpu.memref_slice %arg6[%dma_start3A_82, %dma_start3A_86] : memref<16x100xi32, #tpu.memory_space<vmem>> -> memref<1x100xi32, #tpu.memory_space<vmem>>
    %dma_start3A_88 = tpu.memref_squeeze %dma_start3A_87 : memref<1x100xi32, #tpu.memory_space<vmem>> -> memref<100xi32, #tpu.memory_space<vmem>>
    %dma_start3A_89 = arith.constant 0 : i32
    %dma_start3A_90 = arith.constant 0 : i32
    %dma_start3A_91 = tpu.memref_slice %arg5[%dma_start3A_89, %dma_start3A_90] : memref<100x128xf32, #tpu.memory_space<vmem_shared>> -> memref<100x128xf32, #tpu.memory_space<vmem_shared>>
    tpu.enqueue_indirect_dma source(%dma_start3A_91 : memref<100x128xf32, #tpu.memory_space<vmem_shared>>) target(%dma_start3A_85 : memref<100x128xf32, #tpu.memory_space<vmem>>) offsets(%dma_start3A_88 : memref<100xi32, #tpu.memory_space<vmem>>) semaphore(%arg10 : memref<!tpu.dma_semaphore, #tpu.memory_space<semaphore_mem>>)
    %dma_wait3A_92 = arith.constant 0 : i32
    %dma_wait3A_93 = arith.constant 0 : i32
    %dma_wait3A_94 = tpu.memref_slice %arg4[%dma_wait3A_92, %dma_wait3A_93] : memref<1638400x128xf32, #tpu.memory_space<hbm>> -> memref<200x128xf32, #tpu.memory_space<hbm>>
    %dma_wait3A_95 = arith.constant 0 : i32
    %dma_wait3A_96 = arith.constant 0 : i32
    %dma_wait3A_97 = tpu.memref_slice %arg4[%dma_wait3A_95, %dma_wait3A_96] : memref<1638400x128xf32, #tpu.memory_space<hbm>> -> memref<200x128xf32, #tpu.memory_space<hbm>>
    tpu.wait_dma2 semaphore(%arg11 : memref<!tpu.dma_semaphore, #tpu.memory_space<semaphore_mem>>) src(%dma_wait3A_97 : memref<200x128xf32, #tpu.memory_space<hbm>>) dst(%arg9 : memref<200x128xf32, #tpu.memory_space<vmem>>)
    %add3A_98 = arith.constant 48200 : i32
    %add3A_99 = arith.addi %mul3A_2, %add3A_98 : i32
    %dma_start3A_100 = arith.constant 0 : i32
    %dma_start3A_101 = tpu.memref_slice %arg4[%add3A_99, %dma_start3A_100] : memref<1638400x128xf32, #tpu.memory_space<hbm>> -> memref<200x128xf32, #tpu.memory_space<hbm>>
    %dma_start3A_102 = arith.constant 0 : i32
    %dma_start3A_103 = tpu.memref_slice %arg4[%add3A_99, %dma_start3A_102] : memref<1638400x128xf32, #tpu.memory_space<hbm>> -> memref<200x128xf32, #tpu.memory_space<hbm>>
    tpu.enqueue_dma source(%arg9 : memref<200x128xf32, #tpu.memory_space<vmem>>) target(%dma_start3A_103 : memref<200x128xf32, #tpu.memory_space<hbm>>) target_semaphore(%arg13 : memref<!tpu.dma_semaphore, #tpu.memory_space<semaphore_mem>>)
    %dma_wait3A_104 = arith.constant 0 : i32
    %dma_wait3A_105 = arith.constant 0 : i32
    %dma_wait3A_106 = tpu.memref_slice %arg4[%dma_wait3A_104, %dma_wait3A_105] : memref<1638400x128xf32, #tpu.memory_space<hbm>> -> memref<200x128xf32, #tpu.memory_space<hbm>>
    %dma_wait3A_107 = arith.constant 0 : i32
    %dma_wait3A_108 = arith.constant 0 : i32
    %dma_wait3A_109 = tpu.memref_slice %arg4[%dma_wait3A_107, %dma_wait3A_108] : memref<1638400x128xf32, #tpu.memory_space<hbm>> -> memref<200x128xf32, #tpu.memory_space<hbm>>
    tpu.wait_dma2 semaphore(%arg13 : memref<!tpu.dma_semaphore, #tpu.memory_space<semaphore_mem>>) src(%dma_wait3A_109 : memref<200x128xf32, #tpu.memory_space<hbm>>) dst(%arg9 : memref<200x128xf32, #tpu.memory_space<vmem>>)
    %dma_start3A_110 = arith.constant 6 : i32
    %dma_start3A_111 = arith.constant 0 : i32
    %dma_start3A_112 = arith.constant 0 : i32
    %dma_start3A_113 = tpu.memref_slice %arg9[%dma_start3A_111, %dma_start3A_112] : memref<200x128xf32, #tpu.memory_space<vmem>> -> memref<100x128xf32, #tpu.memory_space<vmem>>
    %dma_start3A_114 = arith.constant 0 : i32
    %dma_start3A_115 = tpu.memref_slice %arg6[%dma_start3A_110, %dma_start3A_114] : memref<16x100xi32, #tpu.memory_space<vmem>> -> memref<1x100xi32, #tpu.memory_space<vmem>>
    %dma_start3A_116 = tpu.memref_squeeze %dma_start3A_115 : memref<1x100xi32, #tpu.memory_space<vmem>> -> memref<100xi32, #tpu.memory_space<vmem>>
    %dma_start3A_117 = arith.constant 0 : i32
    %dma_start3A_118 = arith.constant 0 : i32
    %dma_start3A_119 = tpu.memref_slice %arg5[%dma_start3A_117, %dma_start3A_118] : memref<100x128xf32, #tpu.memory_space<vmem_shared>> -> memref<100x128xf32, #tpu.memory_space<vmem_shared>>
    tpu.enqueue_indirect_dma source(%dma_start3A_119 : memref<100x128xf32, #tpu.memory_space<vmem_shared>>) target(%dma_start3A_113 : memref<100x128xf32, #tpu.memory_space<vmem>>) offsets(%dma_start3A_116 : memref<100xi32, #tpu.memory_space<vmem>>) semaphore(%arg11 : memref<!tpu.dma_semaphore, #tpu.memory_space<semaphore_mem>>)
    %dma_start3A_120 = arith.constant 7 : i32
    %dma_start3A_121 = arith.constant 100 : i32
    %dma_start3A_122 = arith.constant 0 : i32
    %dma_start3A_123 = tpu.memref_slice %arg9[%dma_start3A_121, %dma_start3A_122] : memref<200x128xf32, #tpu.memory_space<vmem>> -> memref<100x128xf32, #tpu.memory_space<vmem>>
    %dma_start3A_124 = arith.constant 0 : i32
    %dma_start3A_125 = tpu.memref_slice %arg6[%dma_start3A_120, %dma_start3A_124] : memref<16x100xi32, #tpu.memory_space<vmem>> -> memref<1x100xi32, #tpu.memory_space<vmem>>
    %dma_start3A_126 = tpu.memref_squeeze %dma_start3A_125 : memref<1x100xi32, #tpu.memory_space<vmem>> -> memref<100xi32, #tpu.memory_space<vmem>>
    %dma_start3A_127 = arith.constant 0 : i32
    %dma_start3A_128 = arith.constant 0 : i32
    %dma_start3A_129 = tpu.memref_slice %arg5[%dma_start3A_127, %dma_start3A_128] : memref<100x128xf32, #tpu.memory_space<vmem_shared>> -> memref<100x128xf32, #tpu.memory_space<vmem_shared>>
    tpu.enqueue_indirect_dma source(%dma_start3A_129 : memref<100x128xf32, #tpu.memory_space<vmem_shared>>) target(%dma_start3A_123 : memref<100x128xf32, #tpu.memory_space<vmem>>) offsets(%dma_start3A_126 : memref<100xi32, #tpu.memory_space<vmem>>) semaphore(%arg11 : memref<!tpu.dma_semaphore, #tpu.memory_space<semaphore_mem>>)
    %dma_wait3A_130 = arith.constant 0 : i32
    %dma_wait3A_131 = arith.constant 0 : i32
    %dma_wait3A_132 = tpu.memref_slice %arg4[%dma_wait3A_130, %dma_wait3A_131] : memref<1638400x128xf32, #tpu.memory_space<hbm>> -> memref<200x128xf32, #tpu.memory_space<hbm>>
    %dma_wait3A_133 = arith.constant 0 : i32
    %dma_wait3A_134 = arith.constant 0 : i32
    %dma_wait3A_135 = tpu.memref_slice %arg4[%dma_wait3A_133, %dma_wait3A_134] : memref<1638400x128xf32, #tpu.memory_space<hbm>> -> memref<200x128xf32, #tpu.memory_space<hbm>>
    tpu.wait_dma2 semaphore(%arg10 : memref<!tpu.dma_semaphore, #tpu.memory_space<semaphore_mem>>) src(%dma_wait3A_135 : memref<200x128xf32, #tpu.memory_space<hbm>>) dst(%arg8 : memref<200x128xf32, #tpu.memory_space<vmem>>)
    %add3A_136 = arith.constant 48400 : i32
    %add3A_137 = arith.addi %mul3A_2, %add3A_136 : i32
    %dma_start3A_138 = arith.constant 0 : i32
    %dma_start3A_139 = tpu.memref_slice %arg4[%add3A_137, %dma_start3A_138] : memref<1638400x128xf32, #tpu.memory_space<hbm>> -> memref<200x128xf32, #tpu.memory_space<hbm>>
    %dma_start3A_140 = arith.constant 0 : i32
    %dma_start3A_141 = tpu.memref_slice %arg4[%add3A_137, %dma_start3A_140] : memref<1638400x128xf32, #tpu.memory_space<hbm>> -> memref<200x128xf32, #tpu.memory_space<hbm>>
    tpu.enqueue_dma source(%arg8 : memref<200x128xf32, #tpu.memory_space<vmem>>) target(%dma_start3A_141 : memref<200x128xf32, #tpu.memory_space<hbm>>) target_semaphore(%arg12 : memref<!tpu.dma_semaphore, #tpu.memory_space<semaphore_mem>>)
    %dma_wait3A_142 = arith.constant 0 : i32
    %dma_wait3A_143 = arith.constant 0 : i32
    %dma_wait3A_144 = tpu.memref_slice %arg4[%dma_wait3A_142, %dma_wait3A_143] : memref<1638400x128xf32, #tpu.memory_space<hbm>> -> memref<200x128xf32, #tpu.memory_space<hbm>>
    %dma_wait3A_145 = arith.constant 0 : i32
    %dma_wait3A_146 = arith.constant 0 : i32
    %dma_wait3A_147 = tpu.memref_slice %arg4[%dma_wait3A_145, %dma_wait3A_146] : memref<1638400x128xf32, #tpu.memory_space<hbm>> -> memref<200x128xf32, #tpu.memory_space<hbm>>
    tpu.wait_dma2 semaphore(%arg12 : memref<!tpu.dma_semaphore, #tpu.memory_space<semaphore_mem>>) src(%dma_wait3A_147 : memref<200x128xf32, #tpu.memory_space<hbm>>) dst(%arg8 : memref<200x128xf32, #tpu.memory_space<vmem>>)
    %dma_start3A_148 = arith.constant 8 : i32
    %dma_start3A_149 = arith.constant 0 : i32
    %dma_start3A_150 = arith.constant 0 : i32
    %dma_start3A_151 = tpu.memref_slice %arg8[%dma_start3A_149, %dma_start3A_150] : memref<200x128xf32, #tpu.memory_space<vmem>> -> memref<100x128xf32, #tpu.memory_space<vmem>>
    %dma_start3A_152 = arith.constant 0 : i32
    %dma_start3A_153 = tpu.memref_slice %arg6[%dma_start3A_148, %dma_start3A_152] : memref<16x100xi32, #tpu.memory_space<vmem>> -> memref<1x100xi32, #tpu.memory_space<vmem>>
    %dma_start3A_154 = tpu.memref_squeeze %dma_start3A_153 : memref<1x100xi32, #tpu.memory_space<vmem>> -> memref<100xi32, #tpu.memory_space<vmem>>
    %dma_start3A_155 = arith.constant 0 : i32
    %dma_start3A_156 = arith.constant 0 : i32
    %dma_start3A_157 = tpu.memref_slice %arg5[%dma_start3A_155, %dma_start3A_156] : memref<100x128xf32, #tpu.memory_space<vmem_shared>> -> memref<100x128xf32, #tpu.memory_space<vmem_shared>>
    tpu.enqueue_indirect_dma source(%dma_start3A_157 : memref<100x128xf32, #tpu.memory_space<vmem_shared>>) target(%dma_start3A_151 : memref<100x128xf32, #tpu.memory_space<vmem>>) offsets(%dma_start3A_154 : memref<100xi32, #tpu.memory_space<vmem>>) semaphore(%arg10 : memref<!tpu.dma_semaphore, #tpu.memory_space<semaphore_mem>>)
    %dma_start3A_158 = arith.constant 9 : i32
    %dma_start3A_159 = arith.constant 100 : i32
    %dma_start3A_160 = arith.constant 0 : i32
    %dma_start3A_161 = tpu.memref_slice %arg8[%dma_start3A_159, %dma_start3A_160] : memref<200x128xf32, #tpu.memory_space<vmem>> -> memref<100x128xf32, #tpu.memory_space<vmem>>
    %dma_start3A_162 = arith.constant 0 : i32
    %dma_start3A_163 = tpu.memref_slice %arg6[%dma_start3A_158, %dma_start3A_162] : memref<16x100xi32, #tpu.memory_space<vmem>> -> memref<1x100xi32, #tpu.memory_space<vmem>>
    %dma_start3A_164 = tpu.memref_squeeze %dma_start3A_163 : memref<1x100xi32, #tpu.memory_space<vmem>> -> memref<100xi32, #tpu.memory_space<vmem>>
    %dma_start3A_165 = arith.constant 0 : i32
    %dma_start3A_166 = arith.constant 0 : i32
    %dma_start3A_167 = tpu.memref_slice %arg5[%dma_start3A_165, %dma_start3A_166] : memref<100x128xf32, #tpu.memory_space<vmem_shared>> -> memref<100x128xf32, #tpu.memory_space<vmem_shared>>
    tpu.enqueue_indirect_dma source(%dma_start3A_167 : memref<100x128xf32, #tpu.memory_space<vmem_shared>>) target(%dma_start3A_161 : memref<100x128xf32, #tpu.memory_space<vmem>>) offsets(%dma_start3A_164 : memref<100xi32, #tpu.memory_space<vmem>>) semaphore(%arg10 : memref<!tpu.dma_semaphore, #tpu.memory_space<semaphore_mem>>)
    %dma_wait3A_168 = arith.constant 0 : i32
    %dma_wait3A_169 = arith.constant 0 : i32
    %dma_wait3A_170 = tpu.memref_slice %arg4[%dma_wait3A_168, %dma_wait3A_169] : memref<1638400x128xf32, #tpu.memory_space<hbm>> -> memref<200x128xf32, #tpu.memory_space<hbm>>
    %dma_wait3A_171 = arith.constant 0 : i32
    %dma_wait3A_172 = arith.constant 0 : i32
    %dma_wait3A_173 = tpu.memref_slice %arg4[%dma_wait3A_171, %dma_wait3A_172] : memref<1638400x128xf32, #tpu.memory_space<hbm>> -> memref<200x128xf32, #tpu.memory_space<hbm>>
    tpu.wait_dma2 semaphore(%arg11 : memref<!tpu.dma_semaphore, #tpu.memory_space<semaphore_mem>>) src(%dma_wait3A_173 : memref<200x128xf32, #tpu.memory_space<hbm>>) dst(%arg9 : memref<200x128xf32, #tpu.memory_space<vmem>>)
    %add3A_174 = arith.constant 48600 : i32
    %add3A_175 = arith.addi %mul3A_2, %add3A_174 : i32
    %dma_start3A_176 = arith.constant 0 : i32
    %dma_start3A_177 = tpu.memref_slice %arg4[%add3A_175, %dma_start3A_176] : memref<1638400x128xf32, #tpu.memory_space<hbm>> -> memref<200x128xf32, #tpu.memory_space<hbm>>
    %dma_start3A_178 = arith.constant 0 : i32
    %dma_start3A_179 = tpu.memref_slice %arg4[%add3A_175, %dma_start3A_178] : memref<1638400x128xf32, #tpu.memory_space<hbm>> -> memref<200x128xf32, #tpu.memory_space<hbm>>
    tpu.enqueue_dma source(%arg9 : memref<200x128xf32, #tpu.memory_space<vmem>>) target(%dma_start3A_179 : memref<200x128xf32, #tpu.memory_space<hbm>>) target_semaphore(%arg13 : memref<!tpu.dma_semaphore, #tpu.memory_space<semaphore_mem>>)
    %dma_wait3A_180 = arith.constant 0 : i32
    %dma_wait3A_181 = arith.constant 0 : i32
    %dma_wait3A_182 = tpu.memref_slice %arg4[%dma_wait3A_180, %dma_wait3A_181] : memref<1638400x128xf32, #tpu.memory_space<hbm>> -> memref<200x128xf32, #tpu.memory_space<hbm>>
    %dma_wait3A_183 = arith.constant 0 : i32
    %dma_wait3A_184 = arith.constant 0 : i32
    %dma_wait3A_185 = tpu.memref_slice %arg4[%dma_wait3A_183, %dma_wait3A_184] : memref<1638400x128xf32, #tpu.memory_space<hbm>> -> memref<200x128xf32, #tpu.memory_space<hbm>>
    tpu.wait_dma2 semaphore(%arg13 : memref<!tpu.dma_semaphore, #tpu.memory_space<semaphore_mem>>) src(%dma_wait3A_185 : memref<200x128xf32, #tpu.memory_space<hbm>>) dst(%arg9 : memref<200x128xf32, #tpu.memory_space<vmem>>)
    %dma_start3A_186 = arith.constant 10 : i32
    %dma_start3A_187 = arith.constant 0 : i32
    %dma_start3A_188 = arith.constant 0 : i32
    %dma_start3A_189 = tpu.memref_slice %arg9[%dma_start3A_187, %dma_start3A_188] : memref<200x128xf32, #tpu.memory_space<vmem>> -> memref<100x128xf32, #tpu.memory_space<vmem>>
    %dma_start3A_190 = arith.constant 0 : i32
    %dma_start3A_191 = tpu.memref_slice %arg6[%dma_start3A_186, %dma_start3A_190] : memref<16x100xi32, #tpu.memory_space<vmem>> -> memref<1x100xi32, #tpu.memory_space<vmem>>
    %dma_start3A_192 = tpu.memref_squeeze %dma_start3A_191 : memref<1x100xi32, #tpu.memory_space<vmem>> -> memref<100xi32, #tpu.memory_space<vmem>>
    %dma_start3A_193 = arith.constant 0 : i32
    %dma_start3A_194 = arith.constant 0 : i32
    %dma_start3A_195 = tpu.memref_slice %arg5[%dma_start3A_193, %dma_start3A_194] : memref<100x128xf32, #tpu.memory_space<vmem_shared>> -> memref<100x128xf32, #tpu.memory_space<vmem_shared>>
    tpu.enqueue_indirect_dma source(%dma_start3A_195 : memref<100x128xf32, #tpu.memory_space<vmem_shared>>) target(%dma_start3A_189 : memref<100x128xf32, #tpu.memory_space<vmem>>) offsets(%dma_start3A_192 : memref<100xi32, #tpu.memory_space<vmem>>) semaphore(%arg11 : memref<!tpu.dma_semaphore, #tpu.memory_space<semaphore_mem>>)
    %dma_start3A_196 = arith.constant 11 : i32
    %dma_start3A_197 = arith.constant 100 : i32
    %dma_start3A_198 = arith.constant 0 : i32
    %dma_start3A_199 = tpu.memref_slice %arg9[%dma_start3A_197, %dma_start3A_198] : memref<200x128xf32, #tpu.memory_space<vmem>> -> memref<100x128xf32, #tpu.memory_space<vmem>>
    %dma_start3A_200 = arith.constant 0 : i32
    %dma_start3A_201 = tpu.memref_slice %arg6[%dma_start3A_196, %dma_start3A_200] : memref<16x100xi32, #tpu.memory_space<vmem>> -> memref<1x100xi32, #tpu.memory_space<vmem>>
    %dma_start3A_202 = tpu.memref_squeeze %dma_start3A_201 : memref<1x100xi32, #tpu.memory_space<vmem>> -> memref<100xi32, #tpu.memory_space<vmem>>
    %dma_start3A_203 = arith.constant 0 : i32
    %dma_start3A_204 = arith.constant 0 : i32
    %dma_start3A_205 = tpu.memref_slice %arg5[%dma_start3A_203, %dma_start3A_204] : memref<100x128xf32, #tpu.memory_space<vmem_shared>> -> memref<100x128xf32, #tpu.memory_space<vmem_shared>>
    tpu.enqueue_indirect_dma source(%dma_start3A_205 : memref<100x128xf32, #tpu.memory_space<vmem_shared>>) target(%dma_start3A_199 : memref<100x128xf32, #tpu.memory_space<vmem>>) offsets(%dma_start3A_202 : memref<100xi32, #tpu.memory_space<vmem>>) semaphore(%arg11 : memref<!tpu.dma_semaphore, #tpu.memory_space<semaphore_mem>>)
    %dma_wait3A_206 = arith.constant 0 : i32
    %dma_wait3A_207 = arith.constant 0 : i32
    %dma_wait3A_208 = tpu.memref_slice %arg4[%dma_wait3A_206, %dma_wait3A_207] : memref<1638400x128xf32, #tpu.memory_space<hbm>> -> memref<200x128xf32, #tpu.memory_space<hbm>>
    %dma_wait3A_209 = arith.constant 0 : i32
    %dma_wait3A_210 = arith.constant 0 : i32
    %dma_wait3A_211 = tpu.memref_slice %arg4[%dma_wait3A_209, %dma_wait3A_210] : memref<1638400x128xf32, #tpu.memory_space<hbm>> -> memref<200x128xf32, #tpu.memory_space<hbm>>
    tpu.wait_dma2 semaphore(%arg10 : memref<!tpu.dma_semaphore, #tpu.memory_space<semaphore_mem>>) src(%dma_wait3A_211 : memref<200x128xf32, #tpu.memory_space<hbm>>) dst(%arg8 : memref<200x128xf32, #tpu.memory_space<vmem>>)
    %add3A_212 = arith.constant 48800 : i32
    %add3A_213 = arith.addi %mul3A_2, %add3A_212 : i32
    %dma_start3A_214 = arith.constant 0 : i32
    %dma_start3A_215 = tpu.memref_slice %arg4[%add3A_213, %dma_start3A_214] : memref<1638400x128xf32, #tpu.memory_space<hbm>> -> memref<200x128xf32, #tpu.memory_space<hbm>>
    %dma_start3A_216 = arith.constant 0 : i32
    %dma_start3A_217 = tpu.memref_slice %arg4[%add3A_213, %dma_start3A_216] : memref<1638400x128xf32, #tpu.memory_space<hbm>> -> memref<200x128xf32, #tpu.memory_space<hbm>>
    tpu.enqueue_dma source(%arg8 : memref<200x128xf32, #tpu.memory_space<vmem>>) target(%dma_start3A_217 : memref<200x128xf32, #tpu.memory_space<hbm>>) target_semaphore(%arg12 : memref<!tpu.dma_semaphore, #tpu.memory_space<semaphore_mem>>)
    %dma_wait3A_218 = arith.constant 0 : i32
    %dma_wait3A_219 = arith.constant 0 : i32
    %dma_wait3A_220 = tpu.memref_slice %arg4[%dma_wait3A_218, %dma_wait3A_219] : memref<1638400x128xf32, #tpu.memory_space<hbm>> -> memref<200x128xf32, #tpu.memory_space<hbm>>
    %dma_wait3A_221 = arith.constant 0 : i32
    %dma_wait3A_222 = arith.constant 0 : i32
    %dma_wait3A_223 = tpu.memref_slice %arg4[%dma_wait3A_221, %dma_wait3A_222] : memref<1638400x128xf32, #tpu.memory_space<hbm>> -> memref<200x128xf32, #tpu.memory_space<hbm>>
    tpu.wait_dma2 semaphore(%arg12 : memref<!tpu.dma_semaphore, #tpu.memory_space<semaphore_mem>>) src(%dma_wait3A_223 : memref<200x128xf32, #tpu.memory_space<hbm>>) dst(%arg8 : memref<200x128xf32, #tpu.memory_space<vmem>>)
    %dma_start3A_224 = arith.constant 12 : i32
    %dma_start3A_225 = arith.constant 0 : i32
    %dma_start3A_226 = arith.constant 0 : i32
    %dma_start3A_227 = tpu.memref_slice %arg8[%dma_start3A_225, %dma_start3A_226] : memref<200x128xf32, #tpu.memory_space<vmem>> -> memref<100x128xf32, #tpu.memory_space<vmem>>
    %dma_start3A_228 = arith.constant 0 : i32
    %dma_start3A_229 = tpu.memref_slice %arg6[%dma_start3A_224, %dma_start3A_228] : memref<16x100xi32, #tpu.memory_space<vmem>> -> memref<1x100xi32, #tpu.memory_space<vmem>>
    %dma_start3A_230 = tpu.memref_squeeze %dma_start3A_229 : memref<1x100xi32, #tpu.memory_space<vmem>> -> memref<100xi32, #tpu.memory_space<vmem>>
    %dma_start3A_231 = arith.constant 0 : i32
    %dma_start3A_232 = arith.constant 0 : i32
    %dma_start3A_233 = tpu.memref_slice %arg5[%dma_start3A_231, %dma_start3A_232] : memref<100x128xf32, #tpu.memory_space<vmem_shared>> -> memref<100x128xf32, #tpu.memory_space<vmem_shared>>
    tpu.enqueue_indirect_dma source(%dma_start3A_233 : memref<100x128xf32, #tpu.memory_space<vmem_shared>>) target(%dma_start3A_227 : memref<100x128xf32, #tpu.memory_space<vmem>>) offsets(%dma_start3A_230 : memref<100xi32, #tpu.memory_space<vmem>>) semaphore(%arg10 : memref<!tpu.dma_semaphore, #tpu.memory_space<semaphore_mem>>)
    %dma_start3A_234 = arith.constant 13 : i32
    %dma_start3A_235 = arith.constant 100 : i32
    %dma_start3A_236 = arith.constant 0 : i32
    %dma_start3A_237 = tpu.memref_slice %arg8[%dma_start3A_235, %dma_start3A_236] : memref<200x128xf32, #tpu.memory_space<vmem>> -> memref<100x128xf32, #tpu.memory_space<vmem>>
    %dma_start3A_238 = arith.constant 0 : i32
    %dma_start3A_239 = tpu.memref_slice %arg6[%dma_start3A_234, %dma_start3A_238] : memref<16x100xi32, #tpu.memory_space<vmem>> -> memref<1x100xi32, #tpu.memory_space<vmem>>
    %dma_start3A_240 = tpu.memref_squeeze %dma_start3A_239 : memref<1x100xi32, #tpu.memory_space<vmem>> -> memref<100xi32, #tpu.memory_space<vmem>>
    %dma_start3A_241 = arith.constant 0 : i32
    %dma_start3A_242 = arith.constant 0 : i32
    %dma_start3A_243 = tpu.memref_slice %arg5[%dma_start3A_241, %dma_start3A_242] : memref<100x128xf32, #tpu.memory_space<vmem_shared>> -> memref<100x128xf32, #tpu.memory_space<vmem_shared>>
    tpu.enqueue_indirect_dma source(%dma_start3A_243 : memref<100x128xf32, #tpu.memory_space<vmem_shared>>) target(%dma_start3A_237 : memref<100x128xf32, #tpu.memory_space<vmem>>) offsets(%dma_start3A_240 : memref<100xi32, #tpu.memory_space<vmem>>) semaphore(%arg10 : memref<!tpu.dma_semaphore, #tpu.memory_space<semaphore_mem>>)
    %dma_wait3A_244 = arith.constant 0 : i32
    %dma_wait3A_245 = arith.constant 0 : i32
    %dma_wait3A_246 = tpu.memref_slice %arg4[%dma_wait3A_244, %dma_wait3A_245] : memref<1638400x128xf32, #tpu.memory_space<hbm>> -> memref<200x128xf32, #tpu.memory_space<hbm>>
    %dma_wait3A_247 = arith.constant 0 : i32
    %dma_wait3A_248 = arith.constant 0 : i32
    %dma_wait3A_249 = tpu.memref_slice %arg4[%dma_wait3A_247, %dma_wait3A_248] : memref<1638400x128xf32, #tpu.memory_space<hbm>> -> memref<200x128xf32, #tpu.memory_space<hbm>>
    tpu.wait_dma2 semaphore(%arg11 : memref<!tpu.dma_semaphore, #tpu.memory_space<semaphore_mem>>) src(%dma_wait3A_249 : memref<200x128xf32, #tpu.memory_space<hbm>>) dst(%arg9 : memref<200x128xf32, #tpu.memory_space<vmem>>)
    %add3A_250 = arith.constant 49000 : i32
    %add3A_251 = arith.addi %mul3A_2, %add3A_250 : i32
    %dma_start3A_252 = arith.constant 0 : i32
    %dma_start3A_253 = tpu.memref_slice %arg4[%add3A_251, %dma_start3A_252] : memref<1638400x128xf32, #tpu.memory_space<hbm>> -> memref<200x128xf32, #tpu.memory_space<hbm>>
    %dma_start3A_254 = arith.constant 0 : i32
    %dma_start3A_255 = tpu.memref_slice %arg4[%add3A_251, %dma_start3A_254] : memref<1638400x128xf32, #tpu.memory_space<hbm>> -> memref<200x128xf32, #tpu.memory_space<hbm>>
    tpu.enqueue_dma source(%arg9 : memref<200x128xf32, #tpu.memory_space<vmem>>) target(%dma_start3A_255 : memref<200x128xf32, #tpu.memory_space<hbm>>) target_semaphore(%arg13 : memref<!tpu.dma_semaphore, #tpu.memory_space<semaphore_mem>>)
    %dma_wait3A_256 = arith.constant 0 : i32
    %dma_wait3A_257 = arith.constant 0 : i32
    %dma_wait3A_258 = tpu.memref_slice %arg4[%dma_wait3A_256, %dma_wait3A_257] : memref<1638400x128xf32, #tpu.memory_space<hbm>> -> memref<200x128xf32, #tpu.memory_space<hbm>>
    %dma_wait3A_259 = arith.constant 0 : i32
    %dma_wait3A_260 = arith.constant 0 : i32
    %dma_wait3A_261 = tpu.memref_slice %arg4[%dma_wait3A_259, %dma_wait3A_260] : memref<1638400x128xf32, #tpu.memory_space<hbm>> -> memref<200x128xf32, #tpu.memory_space<hbm>>
    tpu.wait_dma2 semaphore(%arg13 : memref<!tpu.dma_semaphore, #tpu.memory_space<semaphore_mem>>) src(%dma_wait3A_261 : memref<200x128xf32, #tpu.memory_space<hbm>>) dst(%arg9 : memref<200x128xf32, #tpu.memory_space<vmem>>)
    %dma_start3A_262 = arith.constant 14 : i32
    %dma_start3A_263 = arith.constant 0 : i32
    %dma_start3A_264 = arith.constant 0 : i32
    %dma_start3A_265 = tpu.memref_slice %arg9[%dma_start3A_263, %dma_start3A_264] : memref<200x128xf32, #tpu.memory_space<vmem>> -> memref<100x128xf32, #tpu.memory_space<vmem>>
    %dma_start3A_266 = arith.constant 0 : i32
    %dma_start3A_267 = tpu.memref_slice %arg6[%dma_start3A_262, %dma_start3A_266] : memref<16x100xi32, #tpu.memory_space<vmem>> -> memref<1x100xi32, #tpu.memory_space<vmem>>
    %dma_start3A_268 = tpu.memref_squeeze %dma_start3A_267 : memref<1x100xi32, #tpu.memory_space<vmem>> -> memref<100xi32, #tpu.memory_space<vmem>>
    %dma_start3A_269 = arith.constant 0 : i32
    %dma_start3A_270 = arith.constant 0 : i32
    %dma_start3A_271 = tpu.memref_slice %arg5[%dma_start3A_269, %dma_start3A_270] : memref<100x128xf32, #tpu.memory_space<vmem_shared>> -> memref<100x128xf32, #tpu.memory_space<vmem_shared>>
    tpu.enqueue_indirect_dma source(%dma_start3A_271 : memref<100x128xf32, #tpu.memory_space<vmem_shared>>) target(%dma_start3A_265 : memref<100x128xf32, #tpu.memory_space<vmem>>) offsets(%dma_start3A_268 : memref<100xi32, #tpu.memory_space<vmem>>) semaphore(%arg11 : memref<!tpu.dma_semaphore, #tpu.memory_space<semaphore_mem>>)
    %dma_start3A_272 = arith.constant 15 : i32
    %dma_start3A_273 = arith.constant 100 : i32
    %dma_start3A_274 = arith.constant 0 : i32
    %dma_start3A_275 = tpu.memref_slice %arg9[%dma_start3A_273, %dma_start3A_274] : memref<200x128xf32, #tpu.memory_space<vmem>> -> memref<100x128xf32, #tpu.memory_space<vmem>>
    %dma_start3A_276 = arith.constant 0 : i32
    %dma_start3A_277 = tpu.memref_slice %arg6[%dma_start3A_272, %dma_start3A_276] : memref<16x100xi32, #tpu.memory_space<vmem>> -> memref<1x100xi32, #tpu.memory_space<vmem>>
    %dma_start3A_278 = tpu.memref_squeeze %dma_start3A_277 : memref<1x100xi32, #tpu.memory_space<vmem>> -> memref<100xi32, #tpu.memory_space<vmem>>
    %dma_start3A_279 = arith.constant 0 : i32
    %dma_start3A_280 = arith.constant 0 : i32
    %dma_start3A_281 = tpu.memref_slice %arg5[%dma_start3A_279, %dma_start3A_280] : memref<100x128xf32, #tpu.memory_space<vmem_shared>> -> memref<100x128xf32, #tpu.memory_space<vmem_shared>>
    tpu.enqueue_indirect_dma source(%dma_start3A_281 : memref<100x128xf32, #tpu.memory_space<vmem_shared>>) target(%dma_start3A_275 : memref<100x128xf32, #tpu.memory_space<vmem>>) offsets(%dma_start3A_278 : memref<100xi32, #tpu.memory_space<vmem>>) semaphore(%arg11 : memref<!tpu.dma_semaphore, #tpu.memory_space<semaphore_mem>>)
    %dma_wait3A_282 = arith.constant 0 : i32
    %dma_wait3A_283 = arith.constant 0 : i32
    %dma_wait3A_284 = tpu.memref_slice %arg4[%dma_wait3A_282, %dma_wait3A_283] : memref<1638400x128xf32, #tpu.memory_space<hbm>> -> memref<200x128xf32, #tpu.memory_space<hbm>>
    %dma_wait3A_285 = arith.constant 0 : i32
    %dma_wait3A_286 = arith.constant 0 : i32
    %dma_wait3A_287 = tpu.memref_slice %arg4[%dma_wait3A_285, %dma_wait3A_286] : memref<1638400x128xf32, #tpu.memory_space<hbm>> -> memref<200x128xf32, #tpu.memory_space<hbm>>
    tpu.wait_dma2 semaphore(%arg10 : memref<!tpu.dma_semaphore, #tpu.memory_space<semaphore_mem>>) src(%dma_wait3A_287 : memref<200x128xf32, #tpu.memory_space<hbm>>) dst(%arg8 : memref<200x128xf32, #tpu.memory_space<vmem>>)
    %add3A_288 = arith.constant 49200 : i32
    %add3A_289 = arith.addi %mul3A_2, %add3A_288 : i32
    %dma_start3A_290 = arith.constant 0 : i32
    %dma_start3A_291 = tpu.memref_slice %arg4[%add3A_289, %dma_start3A_290] : memref<1638400x128xf32, #tpu.memory_space<hbm>> -> memref<200x128xf32, #tpu.memory_space<hbm>>
    %dma_start3A_292 = arith.constant 0 : i32
    %dma_start3A_293 = tpu.memref_slice %arg4[%add3A_289, %dma_start3A_292] : memref<1638400x128xf32, #tpu.memory_space<hbm>> -> memref<200x128xf32, #tpu.memory_space<hbm>>
    tpu.enqueue_dma source(%arg8 : memref<200x128xf32, #tpu.memory_space<vmem>>) target(%dma_start3A_293 : memref<200x128xf32, #tpu.memory_space<hbm>>) target_semaphore(%arg12 : memref<!tpu.dma_semaphore, #tpu.memory_space<semaphore_mem>>)
    %dma_wait3A_294 = arith.constant 0 : i32
    %dma_wait3A_295 = arith.constant 0 : i32
    %dma_wait3A_296 = tpu.memref_slice %arg4[%dma_wait3A_294, %dma_wait3A_295] : memref<1638400x128xf32, #tpu.memory_space<hbm>> -> memref<200x128xf32, #tpu.memory_space<hbm>>
    %dma_wait3A_297 = arith.constant 0 : i32
    %dma_wait3A_298 = arith.constant 0 : i32
    %dma_wait3A_299 = tpu.memref_slice %arg4[%dma_wait3A_297, %dma_wait3A_298] : memref<1638400x128xf32, #tpu.memory_space<hbm>> -> memref<200x128xf32, #tpu.memory_space<hbm>>
    tpu.wait_dma2 semaphore(%arg12 : memref<!tpu.dma_semaphore, #tpu.memory_space<semaphore_mem>>) src(%dma_wait3A_299 : memref<200x128xf32, #tpu.memory_space<hbm>>) dst(%arg8 : memref<200x128xf32, #tpu.memory_space<vmem>>)
    %dma_start3A_300 = arith.constant 0 : i32
    %dma_start3A_301 = arith.constant 0 : i32
    %dma_start3A_302 = arith.constant 0 : i32
    %dma_start3A_303 = tpu.memref_slice %arg8[%dma_start3A_301, %dma_start3A_302] : memref<200x128xf32, #tpu.memory_space<vmem>> -> memref<100x128xf32, #tpu.memory_space<vmem>>
    %dma_start3A_304 = arith.constant 0 : i32
    %dma_start3A_305 = tpu.memref_slice %arg7[%dma_start3A_300, %dma_start3A_304] : memref<16x100xi32, #tpu.memory_space<vmem>> -> memref<1x100xi32, #tpu.memory_space<vmem>>
    %dma_start3A_306 = tpu.memref_squeeze %dma_start3A_305 : memref<1x100xi32, #tpu.memory_space<vmem>> -> memref<100xi32, #tpu.memory_space<vmem>>
    %dma_start3A_307 = arith.constant 0 : i32
    %dma_start3A_308 = arith.constant 0 : i32
    %dma_start3A_309 = tpu.memref_slice %arg5[%dma_start3A_307, %dma_start3A_308] : memref<100x128xf32, #tpu.memory_space<vmem_shared>> -> memref<100x128xf32, #tpu.memory_space<vmem_shared>>
    tpu.enqueue_indirect_dma source(%dma_start3A_309 : memref<100x128xf32, #tpu.memory_space<vmem_shared>>) target(%dma_start3A_303 : memref<100x128xf32, #tpu.memory_space<vmem>>) offsets(%dma_start3A_306 : memref<100xi32, #tpu.memory_space<vmem>>) semaphore(%arg10 : memref<!tpu.dma_semaphore, #tpu.memory_space<semaphore_mem>>)
    %dma_start3A_310 = arith.constant 1 : i32
    %dma_start3A_311 = arith.constant 100 : i32
    %dma_start3A_312 = arith.constant 0 : i32
    %dma_start3A_313 = tpu.memref_slice %arg8[%dma_start3A_311, %dma_start3A_312] : memref<200x128xf32, #tpu.memory_space<vmem>> -> memref<100x128xf32, #tpu.memory_space<vmem>>
    %dma_start3A_314 = arith.constant 0 : i32
    %dma_start3A_315 = tpu.memref_slice %arg7[%dma_start3A_310, %dma_start3A_314] : memref<16x100xi32, #tpu.memory_space<vmem>> -> memref<1x100xi32, #tpu.memory_space<vmem>>
    %dma_start3A_316 = tpu.memref_squeeze %dma_start3A_315 : memref<1x100xi32, #tpu.memory_space<vmem>> -> memref<100xi32, #tpu.memory_space<vmem>>
    %dma_start3A_317 = arith.constant 0 : i32
    %dma_start3A_318 = arith.constant 0 : i32
    %dma_start3A_319 = tpu.memref_slice %arg5[%dma_start3A_317, %dma_start3A_318] : memref<100x128xf32, #tpu.memory_space<vmem_shared>> -> memref<100x128xf32, #tpu.memory_space<vmem_shared>>
    tpu.enqueue_indirect_dma source(%dma_start3A_319 : memref<100x128xf32, #tpu.memory_space<vmem_shared>>) target(%dma_start3A_313 : memref<100x128xf32, #tpu.memory_space<vmem>>) offsets(%dma_start3A_316 : memref<100xi32, #tpu.memory_space<vmem>>) semaphore(%arg10 : memref<!tpu.dma_semaphore, #tpu.memory_space<semaphore_mem>>)
    %dma_wait3A_320 = arith.constant 0 : i32
    %dma_wait3A_321 = arith.constant 0 : i32
    %dma_wait3A_322 = tpu.memref_slice %arg4[%dma_wait3A_320, %dma_wait3A_321] : memref<1638400x128xf32, #tpu.memory_space<hbm>> -> memref<200x128xf32, #tpu.memory_space<hbm>>
    %dma_wait3A_323 = arith.constant 0 : i32
    %dma_wait3A_324 = arith.constant 0 : i32
    %dma_wait3A_325 = tpu.memref_slice %arg4[%dma_wait3A_323, %dma_wait3A_324] : memref<1638400x128xf32, #tpu.memory_space<hbm>> -> memref<200x128xf32, #tpu.memory_space<hbm>>
    tpu.wait_dma2 semaphore(%arg11 : memref<!tpu.dma_semaphore, #tpu.memory_space<semaphore_mem>>) src(%dma_wait3A_325 : memref<200x128xf32, #tpu.memory_space<hbm>>) dst(%arg9 : memref<200x128xf32, #tpu.memory_space<vmem>>)
    %add3A_326 = arith.constant 49400 : i32
    %add3A_327 = arith.addi %mul3A_2, %add3A_326 : i32
    %dma_start3A_328 = arith.constant 0 : i32
    %dma_start3A_329 = tpu.memref_slice %arg4[%add3A_327, %dma_start3A_328] : memref<1638400x128xf32, #tpu.memory_space<hbm>> -> memref<200x128xf32, #tpu.memory_space<hbm>>
    %dma_start3A_330 = arith.constant 0 : i32
    %dma_start3A_331 = tpu.memref_slice %arg4[%add3A_327, %dma_start3A_330] : memref<1638400x128xf32, #tpu.memory_space<hbm>> -> memref<200x128xf32, #tpu.memory_space<hbm>>
    tpu.enqueue_dma source(%arg9 : memref<200x128xf32, #tpu.memory_space<vmem>>) target(%dma_start3A_331 : memref<200x128xf32, #tpu.memory_space<hbm>>) target_semaphore(%arg13 : memref<!tpu.dma_semaphore, #tpu.memory_space<semaphore_mem>>)
    %dma_wait3A_332 = arith.constant 0 : i32
    %dma_wait3A_333 = arith.constant 0 : i32
    %dma_wait3A_334 = tpu.memref_slice %arg4[%dma_wait3A_332, %dma_wait3A_333] : memref<1638400x128xf32, #tpu.memory_space<hbm>> -> memref<200x128xf32, #tpu.memory_space<hbm>>
    %dma_wait3A_335 = arith.constant 0 : i32
    %dma_wait3A_336 = arith.constant 0 : i32
    %dma_wait3A_337 = tpu.memref_slice %arg4[%dma_wait3A_335, %dma_wait3A_336] : memref<1638400x128xf32, #tpu.memory_space<hbm>> -> memref<200x128xf32, #tpu.memory_space<hbm>>
    tpu.wait_dma2 semaphore(%arg13 : memref<!tpu.dma_semaphore, #tpu.memory_space<semaphore_mem>>) src(%dma_wait3A_337 : memref<200x128xf32, #tpu.memory_space<hbm>>) dst(%arg9 : memref<200x128xf32, #tpu.memory_space<vmem>>)
    %dma_start3A_338 = arith.constant 2 : i32
    %dma_start3A_339 = arith.constant 0 : i32
    %dma_start3A_340 = arith.constant 0 : i32
    %dma_start3A_341 = tpu.memref_slice %arg9[%dma_start3A_339, %dma_start3A_340] : memref<200x128xf32, #tpu.memory_space<vmem>> -> memref<100x128xf32, #tpu.memory_space<vmem>>
    %dma_start3A_342 = arith.constant 0 : i32
    %dma_start3A_343 = tpu.memref_slice %arg7[%dma_start3A_338, %dma_start3A_342] : memref<16x100xi32, #tpu.memory_space<vmem>> -> memref<1x100xi32, #tpu.memory_space<vmem>>
    %dma_start3A_344 = tpu.memref_squeeze %dma_start3A_343 : memref<1x100xi32, #tpu.memory_space<vmem>> -> memref<100xi32, #tpu.memory_space<vmem>>
    %dma_start3A_345 = arith.constant 0 : i32
    %dma_start3A_346 = arith.constant 0 : i32
    %dma_start3A_347 = tpu.memref_slice %arg5[%dma_start3A_345, %dma_start3A_346] : memref<100x128xf32, #tpu.memory_space<vmem_shared>> -> memref<100x128xf32, #tpu.memory_space<vmem_shared>>
    tpu.enqueue_indirect_dma source(%dma_start3A_347 : memref<100x128xf32, #tpu.memory_space<vmem_shared>>) target(%dma_start3A_341 : memref<100x128xf32, #tpu.memory_space<vmem>>) offsets(%dma_start3A_344 : memref<100xi32, #tpu.memory_space<vmem>>) semaphore(%arg11 : memref<!tpu.dma_semaphore, #tpu.memory_space<semaphore_mem>>)
    %dma_start3A_348 = arith.constant 3 : i32
    %dma_start3A_349 = arith.constant 100 : i32
    %dma_start3A_350 = arith.constant 0 : i32
    %dma_start3A_351 = tpu.memref_slice %arg9[%dma_start3A_349, %dma_start3A_350] : memref<200x128xf32, #tpu.memory_space<vmem>> -> memref<100x128xf32, #tpu.memory_space<vmem>>
    %dma_start3A_352 = arith.constant 0 : i32
    %dma_start3A_353 = tpu.memref_slice %arg7[%dma_start3A_348, %dma_start3A_352] : memref<16x100xi32, #tpu.memory_space<vmem>> -> memref<1x100xi32, #tpu.memory_space<vmem>>
    %dma_start3A_354 = tpu.memref_squeeze %dma_start3A_353 : memref<1x100xi32, #tpu.memory_space<vmem>> -> memref<100xi32, #tpu.memory_space<vmem>>
    %dma_start3A_355 = arith.constant 0 : i32
    %dma_start3A_356 = arith.constant 0 : i32
    %dma_start3A_357 = tpu.memref_slice %arg5[%dma_start3A_355, %dma_start3A_356] : memref<100x128xf32, #tpu.memory_space<vmem_shared>> -> memref<100x128xf32, #tpu.memory_space<vmem_shared>>
    tpu.enqueue_indirect_dma source(%dma_start3A_357 : memref<100x128xf32, #tpu.memory_space<vmem_shared>>) target(%dma_start3A_351 : memref<100x128xf32, #tpu.memory_space<vmem>>) offsets(%dma_start3A_354 : memref<100xi32, #tpu.memory_space<vmem>>) semaphore(%arg11 : memref<!tpu.dma_semaphore, #tpu.memory_space<semaphore_mem>>)
    %dma_wait3A_358 = arith.constant 0 : i32
    %dma_wait3A_359 = arith.constant 0 : i32
    %dma_wait3A_360 = tpu.memref_slice %arg4[%dma_wait3A_358, %dma_wait3A_359] : memref<1638400x128xf32, #tpu.memory_space<hbm>> -> memref<200x128xf32, #tpu.memory_space<hbm>>
    %dma_wait3A_361 = arith.constant 0 : i32
    %dma_wait3A_362 = arith.constant 0 : i32
    %dma_wait3A_363 = tpu.memref_slice %arg4[%dma_wait3A_361, %dma_wait3A_362] : memref<1638400x128xf32, #tpu.memory_space<hbm>> -> memref<200x128xf32, #tpu.memory_space<hbm>>
    tpu.wait_dma2 semaphore(%arg10 : memref<!tpu.dma_semaphore, #tpu.memory_space<semaphore_mem>>) src(%dma_wait3A_363 : memref<200x128xf32, #tpu.memory_space<hbm>>) dst(%arg8 : memref<200x128xf32, #tpu.memory_space<vmem>>)
    %add3A_364 = arith.constant 49600 : i32
    %add3A_365 = arith.addi %mul3A_2, %add3A_364 : i32
    %dma_start3A_366 = arith.constant 0 : i32
    %dma_start3A_367 = tpu.memref_slice %arg4[%add3A_365, %dma_start3A_366] : memref<1638400x128xf32, #tpu.memory_space<hbm>> -> memref<200x128xf32, #tpu.memory_space<hbm>>
    %dma_start3A_368 = arith.constant 0 : i32
    %dma_start3A_369 = tpu.memref_slice %arg4[%add3A_365, %dma_start3A_368] : memref<1638400x128xf32, #tpu.memory_space<hbm>> -> memref<200x128xf32, #tpu.memory_space<hbm>>
    tpu.enqueue_dma source(%arg8 : memref<200x128xf32, #tpu.memory_space<vmem>>) target(%dma_start3A_369 : memref<200x128xf32, #tpu.memory_space<hbm>>) target_semaphore(%arg12 : memref<!tpu.dma_semaphore, #tpu.memory_space<semaphore_mem>>)
    %dma_wait3A_370 = arith.constant 0 : i32
    %dma_wait3A_371 = arith.constant 0 : i32
    %dma_wait3A_372 = tpu.memref_slice %arg4[%dma_wait3A_370, %dma_wait3A_371] : memref<1638400x128xf32, #tpu.memory_space<hbm>> -> memref<200x128xf32, #tpu.memory_space<hbm>>
    %dma_wait3A_373 = arith.constant 0 : i32
    %dma_wait3A_374 = arith.constant 0 : i32
    %dma_wait3A_375 = tpu.memref_slice %arg4[%dma_wait3A_373, %dma_wait3A_374] : memref<1638400x128xf32, #tpu.memory_space<hbm>> -> memref<200x128xf32, #tpu.memory_space<hbm>>
    tpu.wait_dma2 semaphore(%arg12 : memref<!tpu.dma_semaphore, #tpu.memory_space<semaphore_mem>>) src(%dma_wait3A_375 : memref<200x128xf32, #tpu.memory_space<hbm>>) dst(%arg8 : memref<200x128xf32, #tpu.memory_space<vmem>>)
    %dma_start3A_376 = arith.constant 4 : i32
    %dma_start3A_377 = arith.constant 0 : i32
    %dma_start3A_378 = arith.constant 0 : i32
    %dma_start3A_379 = tpu.memref_slice %arg8[%dma_start3A_377, %dma_start3A_378] : memref<200x128xf32, #tpu.memory_space<vmem>> -> memref<100x128xf32, #tpu.memory_space<vmem>>
    %dma_start3A_380 = arith.constant 0 : i32
    %dma_start3A_381 = tpu.memref_slice %arg7[%dma_start3A_376, %dma_start3A_380] : memref<16x100xi32, #tpu.memory_space<vmem>> -> memref<1x100xi32, #tpu.memory_space<vmem>>
    %dma_start3A_382 = tpu.memref_squeeze %dma_start3A_381 : memref<1x100xi32, #tpu.memory_space<vmem>> -> memref<100xi32, #tpu.memory_space<vmem>>
    %dma_start3A_383 = arith.constant 0 : i32
    %dma_start3A_384 = arith.constant 0 : i32
    %dma_start3A_385 = tpu.memref_slice %arg5[%dma_start3A_383, %dma_start3A_384] : memref<100x128xf32, #tpu.memory_space<vmem_shared>> -> memref<100x128xf32, #tpu.memory_space<vmem_shared>>
    tpu.enqueue_indirect_dma source(%dma_start3A_385 : memref<100x128xf32, #tpu.memory_space<vmem_shared>>) target(%dma_start3A_379 : memref<100x128xf32, #tpu.memory_space<vmem>>) offsets(%dma_start3A_382 : memref<100xi32, #tpu.memory_space<vmem>>) semaphore(%arg10 : memref<!tpu.dma_semaphore, #tpu.memory_space<semaphore_mem>>)
    %dma_start3A_386 = arith.constant 5 : i32
    %dma_start3A_387 = arith.constant 100 : i32
    %dma_start3A_388 = arith.constant 0 : i32
    %dma_start3A_389 = tpu.memref_slice %arg8[%dma_start3A_387, %dma_start3A_388] : memref<200x128xf32, #tpu.memory_space<vmem>> -> memref<100x128xf32, #tpu.memory_space<vmem>>
    %dma_start3A_390 = arith.constant 0 : i32
    %dma_start3A_391 = tpu.memref_slice %arg7[%dma_start3A_386, %dma_start3A_390] : memref<16x100xi32, #tpu.memory_space<vmem>> -> memref<1x100xi32, #tpu.memory_space<vmem>>
    %dma_start3A_392 = tpu.memref_squeeze %dma_start3A_391 : memref<1x100xi32, #tpu.memory_space<vmem>> -> memref<100xi32, #tpu.memory_space<vmem>>
    %dma_start3A_393 = arith.constant 0 : i32
    %dma_start3A_394 = arith.constant 0 : i32
    %dma_start3A_395 = tpu.memref_slice %arg5[%dma_start3A_393, %dma_start3A_394] : memref<100x128xf32, #tpu.memory_space<vmem_shared>> -> memref<100x128xf32, #tpu.memory_space<vmem_shared>>
    tpu.enqueue_indirect_dma source(%dma_start3A_395 : memref<100x128xf32, #tpu.memory_space<vmem_shared>>) target(%dma_start3A_389 : memref<100x128xf32, #tpu.memory_space<vmem>>) offsets(%dma_start3A_392 : memref<100xi32, #tpu.memory_space<vmem>>) semaphore(%arg10 : memref<!tpu.dma_semaphore, #tpu.memory_space<semaphore_mem>>)
    %dma_wait3A_396 = arith.constant 0 : i32
    %dma_wait3A_397 = arith.constant 0 : i32
    %dma_wait3A_398 = tpu.memref_slice %arg4[%dma_wait3A_396, %dma_wait3A_397] : memref<1638400x128xf32, #tpu.memory_space<hbm>> -> memref<200x128xf32, #tpu.memory_space<hbm>>
    %dma_wait3A_399 = arith.constant 0 : i32
    %dma_wait3A_400 = arith.constant 0 : i32
    %dma_wait3A_401 = tpu.memref_slice %arg4[%dma_wait3A_399, %dma_wait3A_400] : memref<1638400x128xf32, #tpu.memory_space<hbm>> -> memref<200x128xf32, #tpu.memory_space<hbm>>
    tpu.wait_dma2 semaphore(%arg11 : memref<!tpu.dma_semaphore, #tpu.memory_space<semaphore_mem>>) src(%dma_wait3A_401 : memref<200x128xf32, #tpu.memory_space<hbm>>) dst(%arg9 : memref<200x128xf32, #tpu.memory_space<vmem>>)
    %add3A_402 = arith.constant 49800 : i32
    %add3A_403 = arith.addi %mul3A_2, %add3A_402 : i32
    %dma_start3A_404 = arith.constant 0 : i32
    %dma_start3A_405 = tpu.memref_slice %arg4[%add3A_403, %dma_start3A_404] : memref<1638400x128xf32, #tpu.memory_space<hbm>> -> memref<200x128xf32, #tpu.memory_space<hbm>>
    %dma_start3A_406 = arith.constant 0 : i32
    %dma_start3A_407 = tpu.memref_slice %arg4[%add3A_403, %dma_start3A_406] : memref<1638400x128xf32, #tpu.memory_space<hbm>> -> memref<200x128xf32, #tpu.memory_space<hbm>>
    tpu.enqueue_dma source(%arg9 : memref<200x128xf32, #tpu.memory_space<vmem>>) target(%dma_start3A_407 : memref<200x128xf32, #tpu.memory_space<hbm>>) target_semaphore(%arg13 : memref<!tpu.dma_semaphore, #tpu.memory_space<semaphore_mem>>)
    %dma_wait3A_408 = arith.constant 0 : i32
    %dma_wait3A_409 = arith.constant 0 : i32
    %dma_wait3A_410 = tpu.memref_slice %arg4[%dma_wait3A_408, %dma_wait3A_409] : memref<1638400x128xf32, #tpu.memory_space<hbm>> -> memref<200x128xf32, #tpu.memory_space<hbm>>
    %dma_wait3A_411 = arith.constant 0 : i32
    %dma_wait3A_412 = arith.constant 0 : i32
    %dma_wait3A_413 = tpu.memref_slice %arg4[%dma_wait3A_411, %dma_wait3A_412] : memref<1638400x128xf32, #tpu.memory_space<hbm>> -> memref<200x128xf32, #tpu.memory_space<hbm>>
    tpu.wait_dma2 semaphore(%arg13 : memref<!tpu.dma_semaphore, #tpu.memory_space<semaphore_mem>>) src(%dma_wait3A_413 : memref<200x128xf32, #tpu.memory_space<hbm>>) dst(%arg9 : memref<200x128xf32, #tpu.memory_space<vmem>>)
    %dma_start3A_414 = arith.constant 6 : i32
    %dma_start3A_415 = arith.constant 0 : i32
    %dma_start3A_416 = arith.constant 0 : i32
    %dma_start3A_417 = tpu.memref_slice %arg9[%dma_start3A_415, %dma_start3A_416] : memref<200x128xf32, #tpu.memory_space<vmem>> -> memref<100x128xf32, #tpu.memory_space<vmem>>
    %dma_start3A_418 = arith.constant 0 : i32
    %dma_start3A_419 = tpu.memref_slice %arg7[%dma_start3A_414, %dma_start3A_418] : memref<16x100xi32, #tpu.memory_space<vmem>> -> memref<1x100xi32, #tpu.memory_space<vmem>>
    %dma_start3A_420 = tpu.memref_squeeze %dma_start3A_419 : memref<1x100xi32, #tpu.memory_space<vmem>> -> memref<100xi32, #tpu.memory_space<vmem>>
    %dma_start3A_421 = arith.constant 0 : i32
    %dma_start3A_422 = arith.constant 0 : i32
    %dma_start3A_423 = tpu.memref_slice %arg5[%dma_start3A_421, %dma_start3A_422] : memref<100x128xf32, #tpu.memory_space<vmem_shared>> -> memref<100x128xf32, #tpu.memory_space<vmem_shared>>
    tpu.enqueue_indirect_dma source(%dma_start3A_423 : memref<100x128xf32, #tpu.memory_space<vmem_shared>>) target(%dma_start3A_417 : memref<100x128xf32, #tpu.memory_space<vmem>>) offsets(%dma_start3A_420 : memref<100xi32, #tpu.memory_space<vmem>>) semaphore(%arg11 : memref<!tpu.dma_semaphore, #tpu.memory_space<semaphore_mem>>)
    %dma_start3A_424 = arith.constant 7 : i32
    %dma_start3A_425 = arith.constant 100 : i32
    %dma_start3A_426 = arith.constant 0 : i32
    %dma_start3A_427 = tpu.memref_slice %arg9[%dma_start3A_425, %dma_start3A_426] : memref<200x128xf32, #tpu.memory_space<vmem>> -> memref<100x128xf32, #tpu.memory_space<vmem>>
    %dma_start3A_428 = arith.constant 0 : i32
    %dma_start3A_429 = tpu.memref_slice %arg7[%dma_start3A_424, %dma_start3A_428] : memref<16x100xi32, #tpu.memory_space<vmem>> -> memref<1x100xi32, #tpu.memory_space<vmem>>
    %dma_start3A_430 = tpu.memref_squeeze %dma_start3A_429 : memref<1x100xi32, #tpu.memory_space<vmem>> -> memref<100xi32, #tpu.memory_space<vmem>>
    %dma_start3A_431 = arith.constant 0 : i32
    %dma_start3A_432 = arith.constant 0 : i32
    %dma_start3A_433 = tpu.memref_slice %arg5[%dma_start3A_431, %dma_start3A_432] : memref<100x128xf32, #tpu.memory_space<vmem_shared>> -> memref<100x128xf32, #tpu.memory_space<vmem_shared>>
    tpu.enqueue_indirect_dma source(%dma_start3A_433 : memref<100x128xf32, #tpu.memory_space<vmem_shared>>) target(%dma_start3A_427 : memref<100x128xf32, #tpu.memory_space<vmem>>) offsets(%dma_start3A_430 : memref<100xi32, #tpu.memory_space<vmem>>) semaphore(%arg11 : memref<!tpu.dma_semaphore, #tpu.memory_space<semaphore_mem>>)
    %dma_wait3A_434 = arith.constant 0 : i32
    %dma_wait3A_435 = arith.constant 0 : i32
    %dma_wait3A_436 = tpu.memref_slice %arg4[%dma_wait3A_434, %dma_wait3A_435] : memref<1638400x128xf32, #tpu.memory_space<hbm>> -> memref<200x128xf32, #tpu.memory_space<hbm>>
    %dma_wait3A_437 = arith.constant 0 : i32
    %dma_wait3A_438 = arith.constant 0 : i32
    %dma_wait3A_439 = tpu.memref_slice %arg4[%dma_wait3A_437, %dma_wait3A_438] : memref<1638400x128xf32, #tpu.memory_space<hbm>> -> memref<200x128xf32, #tpu.memory_space<hbm>>
    tpu.wait_dma2 semaphore(%arg10 : memref<!tpu.dma_semaphore, #tpu.memory_space<semaphore_mem>>) src(%dma_wait3A_439 : memref<200x128xf32, #tpu.memory_space<hbm>>) dst(%arg8 : memref<200x128xf32, #tpu.memory_space<vmem>>)
    %add3A_440 = arith.constant 50000 : i32
    %add3A_441 = arith.addi %mul3A_2, %add3A_440 : i32
    %dma_start3A_442 = arith.constant 0 : i32
    %dma_start3A_443 = tpu.memref_slice %arg4[%add3A_441, %dma_start3A_442] : memref<1638400x128xf32, #tpu.memory_space<hbm>> -> memref<200x128xf32, #tpu.memory_space<hbm>>
    %dma_start3A_444 = arith.constant 0 : i32
    %dma_start3A_445 = tpu.memref_slice %arg4[%add3A_441, %dma_start3A_444] : memref<1638400x128xf32, #tpu.memory_space<hbm>> -> memref<200x128xf32, #tpu.memory_space<hbm>>
    tpu.enqueue_dma source(%arg8 : memref<200x128xf32, #tpu.memory_space<vmem>>) target(%dma_start3A_445 : memref<200x128xf32, #tpu.memory_space<hbm>>) target_semaphore(%arg12 : memref<!tpu.dma_semaphore, #tpu.memory_space<semaphore_mem>>)
    %dma_wait3A_446 = arith.constant 0 : i32
    %dma_wait3A_447 = arith.constant 0 : i32
    %dma_wait3A_448 = tpu.memref_slice %arg4[%dma_wait3A_446, %dma_wait3A_447] : memref<1638400x128xf32, #tpu.memory_space<hbm>> -> memref<200x128xf32, #tpu.memory_space<hbm>>
    %dma_wait3A_449 = arith.constant 0 : i32
    %dma_wait3A_450 = arith.constant 0 : i32
    %dma_wait3A_451 = tpu.memref_slice %arg4[%dma_wait3A_449, %dma_wait3A_450] : memref<1638400x128xf32, #tpu.memory_space<hbm>> -> memref<200x128xf32, #tpu.memory_space<hbm>>
    tpu.wait_dma2 semaphore(%arg12 : memref<!tpu.dma_semaphore, #tpu.memory_space<semaphore_mem>>) src(%dma_wait3A_451 : memref<200x128xf32, #tpu.memory_space<hbm>>) dst(%arg8 : memref<200x128xf32, #tpu.memory_space<vmem>>)
    %dma_start3A_452 = arith.constant 8 : i32
    %dma_start3A_453 = arith.constant 0 : i32
    %dma_start3A_454 = arith.constant 0 : i32
    %dma_start3A_455 = tpu.memref_slice %arg8[%dma_start3A_453, %dma_start3A_454] : memref<200x128xf32, #tpu.memory_space<vmem>> -> memref<100x128xf32, #tpu.memory_space<vmem>>
    %dma_start3A_456 = arith.constant 0 : i32
    %dma_start3A_457 = tpu.memref_slice %arg7[%dma_start3A_452, %dma_start3A_456] : memref<16x100xi32, #tpu.memory_space<vmem>> -> memref<1x100xi32, #tpu.memory_space<vmem>>
    %dma_start3A_458 = tpu.memref_squeeze %dma_start3A_457 : memref<1x100xi32, #tpu.memory_space<vmem>> -> memref<100xi32, #tpu.memory_space<vmem>>
    %dma_start3A_459 = arith.constant 0 : i32
    %dma_start3A_460 = arith.constant 0 : i32
    %dma_start3A_461 = tpu.memref_slice %arg5[%dma_start3A_459, %dma_start3A_460] : memref<100x128xf32, #tpu.memory_space<vmem_shared>> -> memref<100x128xf32, #tpu.memory_space<vmem_shared>>
    tpu.enqueue_indirect_dma source(%dma_start3A_461 : memref<100x128xf32, #tpu.memory_space<vmem_shared>>) target(%dma_start3A_455 : memref<100x128xf32, #tpu.memory_space<vmem>>) offsets(%dma_start3A_458 : memref<100xi32, #tpu.memory_space<vmem>>) semaphore(%arg10 : memref<!tpu.dma_semaphore, #tpu.memory_space<semaphore_mem>>)
    %dma_start3A_462 = arith.constant 9 : i32
    %dma_start3A_463 = arith.constant 100 : i32
    %dma_start3A_464 = arith.constant 0 : i32
    %dma_start3A_465 = tpu.memref_slice %arg8[%dma_start3A_463, %dma_start3A_464] : memref<200x128xf32, #tpu.memory_space<vmem>> -> memref<100x128xf32, #tpu.memory_space<vmem>>
    %dma_start3A_466 = arith.constant 0 : i32
    %dma_start3A_467 = tpu.memref_slice %arg7[%dma_start3A_462, %dma_start3A_466] : memref<16x100xi32, #tpu.memory_space<vmem>> -> memref<1x100xi32, #tpu.memory_space<vmem>>
    %dma_start3A_468 = tpu.memref_squeeze %dma_start3A_467 : memref<1x100xi32, #tpu.memory_space<vmem>> -> memref<100xi32, #tpu.memory_space<vmem>>
    %dma_start3A_469 = arith.constant 0 : i32
    %dma_start3A_470 = arith.constant 0 : i32
    %dma_start3A_471 = tpu.memref_slice %arg5[%dma_start3A_469, %dma_start3A_470] : memref<100x128xf32, #tpu.memory_space<vmem_shared>> -> memref<100x128xf32, #tpu.memory_space<vmem_shared>>
    tpu.enqueue_indirect_dma source(%dma_start3A_471 : memref<100x128xf32, #tpu.memory_space<vmem_shared>>) target(%dma_start3A_465 : memref<100x128xf32, #tpu.memory_space<vmem>>) offsets(%dma_start3A_468 : memref<100xi32, #tpu.memory_space<vmem>>) semaphore(%arg10 : memref<!tpu.dma_semaphore, #tpu.memory_space<semaphore_mem>>)
    %dma_wait3A_472 = arith.constant 0 : i32
    %dma_wait3A_473 = arith.constant 0 : i32
    %dma_wait3A_474 = tpu.memref_slice %arg4[%dma_wait3A_472, %dma_wait3A_473] : memref<1638400x128xf32, #tpu.memory_space<hbm>> -> memref<200x128xf32, #tpu.memory_space<hbm>>
    %dma_wait3A_475 = arith.constant 0 : i32
    %dma_wait3A_476 = arith.constant 0 : i32
    %dma_wait3A_477 = tpu.memref_slice %arg4[%dma_wait3A_475, %dma_wait3A_476] : memref<1638400x128xf32, #tpu.memory_space<hbm>> -> memref<200x128xf32, #tpu.memory_space<hbm>>
    tpu.wait_dma2 semaphore(%arg11 : memref<!tpu.dma_semaphore, #tpu.memory_space<semaphore_mem>>) src(%dma_wait3A_477 : memref<200x128xf32, #tpu.memory_space<hbm>>) dst(%arg9 : memref<200x128xf32, #tpu.memory_space<vmem>>)
    %add3A_478 = arith.constant 50200 : i32
    %add3A_479 = arith.addi %mul3A_2, %add3A_478 : i32
    %dma_start3A_480 = arith.constant 0 : i32
    %dma_start3A_481 = tpu.memref_slice %arg4[%add3A_479, %dma_start3A_480] : memref<1638400x128xf32, #tpu.memory_space<hbm>> -> memref<200x128xf32, #tpu.memory_space<hbm>>
    %dma_start3A_482 = arith.constant 0 : i32
    %dma_start3A_483 = tpu.memref_slice %arg4[%add3A_479, %dma_start3A_482] : memref<1638400x128xf32, #tpu.memory_space<hbm>> -> memref<200x128xf32, #tpu.memory_space<hbm>>
    tpu.enqueue_dma source(%arg9 : memref<200x128xf32, #tpu.memory_space<vmem>>) target(%dma_start3A_483 : memref<200x128xf32, #tpu.memory_space<hbm>>) target_semaphore(%arg13 : memref<!tpu.dma_semaphore, #tpu.memory_space<semaphore_mem>>)
    %dma_wait3A_484 = arith.constant 0 : i32
    %dma_wait3A_485 = arith.constant 0 : i32
    %dma_wait3A_486 = tpu.memref_slice %arg4[%dma_wait3A_484, %dma_wait3A_485] : memref<1638400x128xf32, #tpu.memory_space<hbm>> -> memref<200x128xf32, #tpu.memory_space<hbm>>
    %dma_wait3A_487 = arith.constant 0 : i32
    %dma_wait3A_488 = arith.constant 0 : i32
    %dma_wait3A_489 = tpu.memref_slice %arg4[%dma_wait3A_487, %dma_wait3A_488] : memref<1638400x128xf32, #tpu.memory_space<hbm>> -> memref<200x128xf32, #tpu.memory_space<hbm>>
    tpu.wait_dma2 semaphore(%arg13 : memref<!tpu.dma_semaphore, #tpu.memory_space<semaphore_mem>>) src(%dma_wait3A_489 : memref<200x128xf32, #tpu.memory_space<hbm>>) dst(%arg9 : memref<200x128xf32, #tpu.memory_space<vmem>>)
    %dma_start3A_490 = arith.constant 10 : i32
    %dma_start3A_491 = arith.constant 0 : i32
    %dma_start3A_492 = arith.constant 0 : i32
    %dma_start3A_493 = tpu.memref_slice %arg9[%dma_start3A_491, %dma_start3A_492] : memref<200x128xf32, #tpu.memory_space<vmem>> -> memref<100x128xf32, #tpu.memory_space<vmem>>
    %dma_start3A_494 = arith.constant 0 : i32
    %dma_start3A_495 = tpu.memref_slice %arg7[%dma_start3A_490, %dma_start3A_494] : memref<16x100xi32, #tpu.memory_space<vmem>> -> memref<1x100xi32, #tpu.memory_space<vmem>>
    %dma_start3A_496 = tpu.memref_squeeze %dma_start3A_495 : memref<1x100xi32, #tpu.memory_space<vmem>> -> memref<100xi32, #tpu.memory_space<vmem>>
    %dma_start3A_497 = arith.constant 0 : i32
    %dma_start3A_498 = arith.constant 0 : i32
    %dma_start3A_499 = tpu.memref_slice %arg5[%dma_start3A_497, %dma_start3A_498] : memref<100x128xf32, #tpu.memory_space<vmem_shared>> -> memref<100x128xf32, #tpu.memory_space<vmem_shared>>
    tpu.enqueue_indirect_dma source(%dma_start3A_499 : memref<100x128xf32, #tpu.memory_space<vmem_shared>>) target(%dma_start3A_493 : memref<100x128xf32, #tpu.memory_space<vmem>>) offsets(%dma_start3A_496 : memref<100xi32, #tpu.memory_space<vmem>>) semaphore(%arg11 : memref<!tpu.dma_semaphore, #tpu.memory_space<semaphore_mem>>)
    %dma_start3A_500 = arith.constant 11 : i32
    %dma_start3A_501 = arith.constant 100 : i32
    %dma_start3A_502 = arith.constant 0 : i32
    %dma_start3A_503 = tpu.memref_slice %arg9[%dma_start3A_501, %dma_start3A_502] : memref<200x128xf32, #tpu.memory_space<vmem>> -> memref<100x128xf32, #tpu.memory_space<vmem>>
    %dma_start3A_504 = arith.constant 0 : i32
    %dma_start3A_505 = tpu.memref_slice %arg7[%dma_start3A_500, %dma_start3A_504] : memref<16x100xi32, #tpu.memory_space<vmem>> -> memref<1x100xi32, #tpu.memory_space<vmem>>
    %dma_start3A_506 = tpu.memref_squeeze %dma_start3A_505 : memref<1x100xi32, #tpu.memory_space<vmem>> -> memref<100xi32, #tpu.memory_space<vmem>>
    %dma_start3A_507 = arith.constant 0 : i32
    %dma_start3A_508 = arith.constant 0 : i32
    %dma_start3A_509 = tpu.memref_slice %arg5[%dma_start3A_507, %dma_start3A_508] : memref<100x128xf32, #tpu.memory_space<vmem_shared>> -> memref<100x128xf32, #tpu.memory_space<vmem_shared>>
    tpu.enqueue_indirect_dma source(%dma_start3A_509 : memref<100x128xf32, #tpu.memory_space<vmem_shared>>) target(%dma_start3A_503 : memref<100x128xf32, #tpu.memory_space<vmem>>) offsets(%dma_start3A_506 : memref<100xi32, #tpu.memory_space<vmem>>) semaphore(%arg11 : memref<!tpu.dma_semaphore, #tpu.memory_space<semaphore_mem>>)
    %dma_wait3A_510 = arith.constant 0 : i32
    %dma_wait3A_511 = arith.constant 0 : i32
    %dma_wait3A_512 = tpu.memref_slice %arg4[%dma_wait3A_510, %dma_wait3A_511] : memref<1638400x128xf32, #tpu.memory_space<hbm>> -> memref<200x128xf32, #tpu.memory_space<hbm>>
    %dma_wait3A_513 = arith.constant 0 : i32
    %dma_wait3A_514 = arith.constant 0 : i32
    %dma_wait3A_515 = tpu.memref_slice %arg4[%dma_wait3A_513, %dma_wait3A_514] : memref<1638400x128xf32, #tpu.memory_space<hbm>> -> memref<200x128xf32, #tpu.memory_space<hbm>>
    tpu.wait_dma2 semaphore(%arg10 : memref<!tpu.dma_semaphore, #tpu.memory_space<semaphore_mem>>) src(%dma_wait3A_515 : memref<200x128xf32, #tpu.memory_space<hbm>>) dst(%arg8 : memref<200x128xf32, #tpu.memory_space<vmem>>)
    %add3A_516 = arith.constant 50400 : i32
    %add3A_517 = arith.addi %mul3A_2, %add3A_516 : i32
    %dma_start3A_518 = arith.constant 0 : i32
    %dma_start3A_519 = tpu.memref_slice %arg4[%add3A_517, %dma_start3A_518] : memref<1638400x128xf32, #tpu.memory_space<hbm>> -> memref<200x128xf32, #tpu.memory_space<hbm>>
    %dma_start3A_520 = arith.constant 0 : i32
    %dma_start3A_521 = tpu.memref_slice %arg4[%add3A_517, %dma_start3A_520] : memref<1638400x128xf32, #tpu.memory_space<hbm>> -> memref<200x128xf32, #tpu.memory_space<hbm>>
    tpu.enqueue_dma source(%arg8 : memref<200x128xf32, #tpu.memory_space<vmem>>) target(%dma_start3A_521 : memref<200x128xf32, #tpu.memory_space<hbm>>) target_semaphore(%arg12 : memref<!tpu.dma_semaphore, #tpu.memory_space<semaphore_mem>>)
    %dma_wait3A_522 = arith.constant 0 : i32
    %dma_wait3A_523 = arith.constant 0 : i32
    %dma_wait3A_524 = tpu.memref_slice %arg4[%dma_wait3A_522, %dma_wait3A_523] : memref<1638400x128xf32, #tpu.memory_space<hbm>> -> memref<200x128xf32, #tpu.memory_space<hbm>>
    %dma_wait3A_525 = arith.constant 0 : i32
    %dma_wait3A_526 = arith.constant 0 : i32
    %dma_wait3A_527 = tpu.memref_slice %arg4[%dma_wait3A_525, %dma_wait3A_526] : memref<1638400x128xf32, #tpu.memory_space<hbm>> -> memref<200x128xf32, #tpu.memory_space<hbm>>
    tpu.wait_dma2 semaphore(%arg12 : memref<!tpu.dma_semaphore, #tpu.memory_space<semaphore_mem>>) src(%dma_wait3A_527 : memref<200x128xf32, #tpu.memory_space<hbm>>) dst(%arg8 : memref<200x128xf32, #tpu.memory_space<vmem>>)
    %dma_start3A_528 = arith.constant 12 : i32
    %dma_start3A_529 = arith.constant 0 : i32
    %dma_start3A_530 = arith.constant 0 : i32
    %dma_start3A_531 = tpu.memref_slice %arg8[%dma_start3A_529, %dma_start3A_530] : memref<200x128xf32, #tpu.memory_space<vmem>> -> memref<100x128xf32, #tpu.memory_space<vmem>>
    %dma_start3A_532 = arith.constant 0 : i32
    %dma_start3A_533 = tpu.memref_slice %arg7[%dma_start3A_528, %dma_start3A_532] : memref<16x100xi32, #tpu.memory_space<vmem>> -> memref<1x100xi32, #tpu.memory_space<vmem>>
    %dma_start3A_534 = tpu.memref_squeeze %dma_start3A_533 : memref<1x100xi32, #tpu.memory_space<vmem>> -> memref<100xi32, #tpu.memory_space<vmem>>
    %dma_start3A_535 = arith.constant 0 : i32
    %dma_start3A_536 = arith.constant 0 : i32
    %dma_start3A_537 = tpu.memref_slice %arg5[%dma_start3A_535, %dma_start3A_536] : memref<100x128xf32, #tpu.memory_space<vmem_shared>> -> memref<100x128xf32, #tpu.memory_space<vmem_shared>>
    tpu.enqueue_indirect_dma source(%dma_start3A_537 : memref<100x128xf32, #tpu.memory_space<vmem_shared>>) target(%dma_start3A_531 : memref<100x128xf32, #tpu.memory_space<vmem>>) offsets(%dma_start3A_534 : memref<100xi32, #tpu.memory_space<vmem>>) semaphore(%arg10 : memref<!tpu.dma_semaphore, #tpu.memory_space<semaphore_mem>>)
    %dma_start3A_538 = arith.constant 13 : i32
    %dma_start3A_539 = arith.constant 100 : i32
    %dma_start3A_540 = arith.constant 0 : i32
    %dma_start3A_541 = tpu.memref_slice %arg8[%dma_start3A_539, %dma_start3A_540] : memref<200x128xf32, #tpu.memory_space<vmem>> -> memref<100x128xf32, #tpu.memory_space<vmem>>
    %dma_start3A_542 = arith.constant 0 : i32
    %dma_start3A_543 = tpu.memref_slice %arg7[%dma_start3A_538, %dma_start3A_542] : memref<16x100xi32, #tpu.memory_space<vmem>> -> memref<1x100xi32, #tpu.memory_space<vmem>>
    %dma_start3A_544 = tpu.memref_squeeze %dma_start3A_543 : memref<1x100xi32, #tpu.memory_space<vmem>> -> memref<100xi32, #tpu.memory_space<vmem>>
    %dma_start3A_545 = arith.constant 0 : i32
    %dma_start3A_546 = arith.constant 0 : i32
    %dma_start3A_547 = tpu.memref_slice %arg5[%dma_start3A_545, %dma_start3A_546] : memref<100x128xf32, #tpu.memory_space<vmem_shared>> -> memref<100x128xf32, #tpu.memory_space<vmem_shared>>
    tpu.enqueue_indirect_dma source(%dma_start3A_547 : memref<100x128xf32, #tpu.memory_space<vmem_shared>>) target(%dma_start3A_541 : memref<100x128xf32, #tpu.memory_space<vmem>>) offsets(%dma_start3A_544 : memref<100xi32, #tpu.memory_space<vmem>>) semaphore(%arg10 : memref<!tpu.dma_semaphore, #tpu.memory_space<semaphore_mem>>)
    %dma_wait3A_548 = arith.constant 0 : i32
    %dma_wait3A_549 = arith.constant 0 : i32
    %dma_wait3A_550 = tpu.memref_slice %arg4[%dma_wait3A_548, %dma_wait3A_549] : memref<1638400x128xf32, #tpu.memory_space<hbm>> -> memref<200x128xf32, #tpu.memory_space<hbm>>
    %dma_wait3A_551 = arith.constant 0 : i32
    %dma_wait3A_552 = arith.constant 0 : i32
    %dma_wait3A_553 = tpu.memref_slice %arg4[%dma_wait3A_551, %dma_wait3A_552] : memref<1638400x128xf32, #tpu.memory_space<hbm>> -> memref<200x128xf32, #tpu.memory_space<hbm>>
    tpu.wait_dma2 semaphore(%arg11 : memref<!tpu.dma_semaphore, #tpu.memory_space<semaphore_mem>>) src(%dma_wait3A_553 : memref<200x128xf32, #tpu.memory_space<hbm>>) dst(%arg9 : memref<200x128xf32, #tpu.memory_space<vmem>>)
    %add3A_554 = arith.constant 50600 : i32
    %add3A_555 = arith.addi %mul3A_2, %add3A_554 : i32
    %dma_start3A_556 = arith.constant 0 : i32
    %dma_start3A_557 = tpu.memref_slice %arg4[%add3A_555, %dma_start3A_556] : memref<1638400x128xf32, #tpu.memory_space<hbm>> -> memref<200x128xf32, #tpu.memory_space<hbm>>
    %dma_start3A_558 = arith.constant 0 : i32
    %dma_start3A_559 = tpu.memref_slice %arg4[%add3A_555, %dma_start3A_558] : memref<1638400x128xf32, #tpu.memory_space<hbm>> -> memref<200x128xf32, #tpu.memory_space<hbm>>
    tpu.enqueue_dma source(%arg9 : memref<200x128xf32, #tpu.memory_space<vmem>>) target(%dma_start3A_559 : memref<200x128xf32, #tpu.memory_space<hbm>>) target_semaphore(%arg13 : memref<!tpu.dma_semaphore, #tpu.memory_space<semaphore_mem>>)
    %dma_wait3A_560 = arith.constant 0 : i32
    %dma_wait3A_561 = arith.constant 0 : i32
    %dma_wait3A_562 = tpu.memref_slice %arg4[%dma_wait3A_560, %dma_wait3A_561] : memref<1638400x128xf32, #tpu.memory_space<hbm>> -> memref<200x128xf32, #tpu.memory_space<hbm>>
    %dma_wait3A_563 = arith.constant 0 : i32
    %dma_wait3A_564 = arith.constant 0 : i32
    %dma_wait3A_565 = tpu.memref_slice %arg4[%dma_wait3A_563, %dma_wait3A_564] : memref<1638400x128xf32, #tpu.memory_space<hbm>> -> memref<200x128xf32, #tpu.memory_space<hbm>>
    tpu.wait_dma2 semaphore(%arg13 : memref<!tpu.dma_semaphore, #tpu.memory_space<semaphore_mem>>) src(%dma_wait3A_565 : memref<200x128xf32, #tpu.memory_space<hbm>>) dst(%arg9 : memref<200x128xf32, #tpu.memory_space<vmem>>)
    %dma_start3A_566 = arith.constant 14 : i32
    %dma_start3A_567 = arith.constant 0 : i32
    %dma_start3A_568 = arith.constant 0 : i32
    %dma_start3A_569 = tpu.memref_slice %arg9[%dma_start3A_567, %dma_start3A_568] : memref<200x128xf32, #tpu.memory_space<vmem>> -> memref<100x128xf32, #tpu.memory_space<vmem>>
    %dma_start3A_570 = arith.constant 0 : i32
    %dma_start3A_571 = tpu.memref_slice %arg7[%dma_start3A_566, %dma_start3A_570] : memref<16x100xi32, #tpu.memory_space<vmem>> -> memref<1x100xi32, #tpu.memory_space<vmem>>
    %dma_start3A_572 = tpu.memref_squeeze %dma_start3A_571 : memref<1x100xi32, #tpu.memory_space<vmem>> -> memref<100xi32, #tpu.memory_space<vmem>>
    %dma_start3A_573 = arith.constant 0 : i32
    %dma_start3A_574 = arith.constant 0 : i32
    %dma_start3A_575 = tpu.memref_slice %arg5[%dma_start3A_573, %dma_start3A_574] : memref<100x128xf32, #tpu.memory_space<vmem_shared>> -> memref<100x128xf32, #tpu.memory_space<vmem_shared>>
    tpu.enqueue_indirect_dma source(%dma_start3A_575 : memref<100x128xf32, #tpu.memory_space<vmem_shared>>) target(%dma_start3A_569 : memref<100x128xf32, #tpu.memory_space<vmem>>) offsets(%dma_start3A_572 : memref<100xi32, #tpu.memory_space<vmem>>) semaphore(%arg11 : memref<!tpu.dma_semaphore, #tpu.memory_space<semaphore_mem>>)
    %dma_start3A_576 = arith.constant 15 : i32
    %dma_start3A_577 = arith.constant 100 : i32
    %dma_start3A_578 = arith.constant 0 : i32
    %dma_start3A_579 = tpu.memref_slice %arg9[%dma_start3A_577, %dma_start3A_578] : memref<200x128xf32, #tpu.memory_space<vmem>> -> memref<100x128xf32, #tpu.memory_space<vmem>>
    %dma_start3A_580 = arith.constant 0 : i32
    %dma_start3A_581 = tpu.memref_slice %arg7[%dma_start3A_576, %dma_start3A_580] : memref<16x100xi32, #tpu.memory_space<vmem>> -> memref<1x100xi32, #tpu.memory_space<vmem>>
    %dma_start3A_582 = tpu.memref_squeeze %dma_start3A_581 : memref<1x100xi32, #tpu.memory_space<vmem>> -> memref<100xi32, #tpu.memory_space<vmem>>
    %dma_start3A_583 = arith.constant 0 : i32
    %dma_start3A_584 = arith.constant 0 : i32
    %dma_start3A_585 = tpu.memref_slice %arg5[%dma_start3A_583, %dma_start3A_584] : memref<100x128xf32, #tpu.memory_space<vmem_shared>> -> memref<100x128xf32, #tpu.memory_space<vmem_shared>>
    tpu.enqueue_indirect_dma source(%dma_start3A_585 : memref<100x128xf32, #tpu.memory_space<vmem_shared>>) target(%dma_start3A_579 : memref<100x128xf32, #tpu.memory_space<vmem>>) offsets(%dma_start3A_582 : memref<100xi32, #tpu.memory_space<vmem>>) semaphore(%arg11 : memref<!tpu.dma_semaphore, #tpu.memory_space<semaphore_mem>>)
    %dma_wait3A_586 = arith.constant 0 : i32
    %dma_wait3A_587 = arith.constant 0 : i32
    %dma_wait3A_588 = tpu.memref_slice %arg4[%dma_wait3A_586, %dma_wait3A_587] : memref<1638400x128xf32, #tpu.memory_space<hbm>> -> memref<200x128xf32, #tpu.memory_space<hbm>>
    %dma_wait3A_589 = arith.constant 0 : i32
    %dma_wait3A_590 = arith.constant 0 : i32
    %dma_wait3A_591 = tpu.memref_slice %arg4[%dma_wait3A_589, %dma_wait3A_590] : memref<1638400x128xf32, #tpu.memory_space<hbm>> -> memref<200x128xf32, #tpu.memory_space<hbm>>
    tpu.wait_dma2 semaphore(%arg10 : memref<!tpu.dma_semaphore, #tpu.memory_space<semaphore_mem>>) src(%dma_wait3A_591 : memref<200x128xf32, #tpu.memory_space<hbm>>) dst(%arg8 : memref<200x128xf32, #tpu.memory_space<vmem>>)
    %add3A_592 = arith.constant 50800 : i32
    %add3A_593 = arith.addi %mul3A_2, %add3A_592 : i32
    %dma_start3A_594 = arith.constant 0 : i32
    %dma_start3A_595 = tpu.memref_slice %arg4[%add3A_593, %dma_start3A_594] : memref<1638400x128xf32, #tpu.memory_space<hbm>> -> memref<200x128xf32, #tpu.memory_space<hbm>>
    %dma_start3A_596 = arith.constant 0 : i32
    %dma_start3A_597 = tpu.memref_slice %arg4[%add3A_593, %dma_start3A_596] : memref<1638400x128xf32, #tpu.memory_space<hbm>> -> memref<200x128xf32, #tpu.memory_space<hbm>>
    tpu.enqueue_dma source(%arg8 : memref<200x128xf32, #tpu.memory_space<vmem>>) target(%dma_start3A_597 : memref<200x128xf32, #tpu.memory_space<hbm>>) target_semaphore(%arg12 : memref<!tpu.dma_semaphore, #tpu.memory_space<semaphore_mem>>)
    %dma_wait3A_598 = arith.constant 0 : i32
    %dma_wait3A_599 = arith.constant 0 : i32
    %dma_wait3A_600 = tpu.memref_slice %arg4[%dma_wait3A_598, %dma_wait3A_599] : memref<1638400x128xf32, #tpu.memory_space<hbm>> -> memref<200x128xf32, #tpu.memory_space<hbm>>
    %dma_wait3A_601 = arith.constant 0 : i32
    %dma_wait3A_602 = arith.constant 0 : i32
    %dma_wait3A_603 = tpu.memref_slice %arg4[%dma_wait3A_601, %dma_wait3A_602] : memref<1638400x128xf32, #tpu.memory_space<hbm>> -> memref<200x128xf32, #tpu.memory_space<hbm>>
    tpu.wait_dma2 semaphore(%arg11 : memref<!tpu.dma_semaphore, #tpu.memory_space<semaphore_mem>>) src(%dma_wait3A_603 : memref<200x128xf32, #tpu.memory_space<hbm>>) dst(%arg9 : memref<200x128xf32, #tpu.memory_space<vmem>>)
    %add3A_604 = arith.constant 51000 : i32
    %add3A_605 = arith.addi %mul3A_2, %add3A_604 : i32
    %dma_start3A_606 = arith.constant 0 : i32
    %dma_start3A_607 = tpu.memref_slice %arg4[%add3A_605, %dma_start3A_606] : memref<1638400x128xf32, #tpu.memory_space<hbm>> -> memref<200x128xf32, #tpu.memory_space<hbm>>
    %dma_start3A_608 = arith.constant 0 : i32
    %dma_start3A_609 = tpu.memref_slice %arg4[%add3A_605, %dma_start3A_608] : memref<1638400x128xf32, #tpu.memory_space<hbm>> -> memref<200x128xf32, #tpu.memory_space<hbm>>
    tpu.enqueue_dma source(%arg9 : memref<200x128xf32, #tpu.memory_space<vmem>>) target(%dma_start3A_609 : memref<200x128xf32, #tpu.memory_space<hbm>>) target_semaphore(%arg13 : memref<!tpu.dma_semaphore, #tpu.memory_space<semaphore_mem>>)
    %dma_wait3A_610 = arith.constant 0 : i32
    %dma_wait3A_611 = arith.constant 0 : i32
    %dma_wait3A_612 = tpu.memref_slice %arg4[%dma_wait3A_610, %dma_wait3A_611] : memref<1638400x128xf32, #tpu.memory_space<hbm>> -> memref<200x128xf32, #tpu.memory_space<hbm>>
    %dma_wait3A_613 = arith.constant 0 : i32
    %dma_wait3A_614 = arith.constant 0 : i32
    %dma_wait3A_615 = tpu.memref_slice %arg4[%dma_wait3A_613, %dma_wait3A_614] : memref<1638400x128xf32, #tpu.memory_space<hbm>> -> memref<200x128xf32, #tpu.memory_space<hbm>>
    tpu.wait_dma2 semaphore(%arg12 : memref<!tpu.dma_semaphore, #tpu.memory_space<semaphore_mem>>) src(%dma_wait3A_615 : memref<200x128xf32, #tpu.memory_space<hbm>>) dst(%arg8 : memref<200x128xf32, #tpu.memory_space<vmem>>)
    %dma_wait3A_616 = arith.constant 0 : i32
    %dma_wait3A_617 = arith.constant 0 : i32
    %dma_wait3A_618 = tpu.memref_slice %arg4[%dma_wait3A_616, %dma_wait3A_617] : memref<1638400x128xf32, #tpu.memory_space<hbm>> -> memref<200x128xf32, #tpu.memory_space<hbm>>
    %dma_wait3A_619 = arith.constant 0 : i32
    %dma_wait3A_620 = arith.constant 0 : i32
    %dma_wait3A_621 = tpu.memref_slice %arg4[%dma_wait3A_619, %dma_wait3A_620] : memref<1638400x128xf32, #tpu.memory_space<hbm>> -> memref<200x128xf32, #tpu.memory_space<hbm>>
    tpu.wait_dma2 semaphore(%arg13 : memref<!tpu.dma_semaphore, #tpu.memory_space<semaphore_mem>>) src(%dma_wait3A_621 : memref<200x128xf32, #tpu.memory_space<hbm>>) dst(%arg9 : memref<200x128xf32, #tpu.memory_space<vmem>>)
    return
  }
}

module attributes {stable_mosaic.version = 14 : i64} {
  func.func @_tc_body(%arg0: i32, %arg1: memref<2048x200xi32, #tpu.memory_space<vmem>>, %arg2: memref<200x100xf32, #tpu.memory_space<vmem>>, %arg3: memref<2048x100xi32, #tpu.memory_space<vmem>>) attributes {dimension_semantics = [#tpu.dimension_semantics<arbitrary>], iteration_bounds = array<i64: 8>, scalar_prefetch = 0 : i64, scratch_operands = 0 : i64, tpu.core_type = #tpu.core_type<tc>, window_params = [{transform_indices = @transform_0, window_bounds = array<i64: 2048, 200>}, {pipeline_mode = #tpu.pipeline_mode<synchronous>, transform_indices = @transform_1, window_bounds = array<i64: 200, 100>}, {transform_indices = @transform_2, window_bounds = array<i64: 2048, 100>}]} {
    %get3A = arith.constant 0 : index
    %get3A_0 = arith.constant 0 : index
    %get3A_1 = vector.load %arg1[%get3A, %get3A_0] : memref<2048x200xi32, #tpu.memory_space<vmem>>, vector<2048x200xi32>
    %convert_element_type3A = arith.sitofp %get3A_1 : vector<2048x200xi32> to vector<2048x200xf32>
    %get3A_2 = arith.constant 0 : index
    %get3A_3 = arith.constant 0 : index
    %get3A_4 = vector.load %arg2[%get3A_2, %get3A_3] : memref<200x100xf32, #tpu.memory_space<vmem>>, vector<200x100xf32>
    %dot_general3A = arith.constant dense<0.000000e+00> : vector<2048x100xf32>
    %dot_general3A_5 = tpu.matmul %convert_element_type3A, %get3A_4, %dot_general3A {dimension_numbers = #tpu.dot_dimension_numbers<[1], [0], [0], [1], [0, 0, 1, 1], [], []>, transpose_lhs_hint = false} : vector<2048x200xf32>, vector<200x100xf32>, vector<2048x100xf32> -> vector<2048x100xf32>
    %convert_element_type3A_6 = arith.fptosi %dot_general3A_5 : vector<2048x100xf32> to vector<2048x100xi32>
    %swap3A = arith.constant 0 : index
    %swap3A_7 = arith.constant 0 : index
    %swap3A_8 = vector.load %arg3[%swap3A, %swap3A_7] : memref<2048x100xi32, #tpu.memory_space<vmem>>, vector<2048x100xi32>
    tpu.vector_store %arg3[%swap3A, %swap3A_7], %convert_element_type3A_6 {strides = array<i32>} : memref<2048x100xi32, #tpu.memory_space<vmem>>, vector<2048x100xi32>,
    return
  }
  func.func @transform_0(%arg0: i32) -> (i32, i32) {
    %c0_i32 = arith.constant 0 : i32
    %c0_i32_0 = arith.constant 0 : i32
    return %arg0, %c0_i32 : i32, i32
  }
  func.func @transform_1(%arg0: i32) -> (i32, i32) {
    %c0_i32 = arith.constant 0 : i32
    %c0_i32_0 = arith.constant 0 : i32
    %c0_i32_1 = arith.constant 0 : i32
    return %c0_i32, %c0_i32_0 : i32, i32
  }
  func.func @transform_2(%arg0: i32) -> (i32, i32) {
    %c0_i32 = arith.constant 0 : i32
    %c0_i32_0 = arith.constant 0 : i32
    return %arg0, %c0_i32 : i32, i32
  }
}

</mosaic_0001>

<sc_bundles>
// kernel: kernel.4.cloned.1.call-start
scs
__scs_entry_jumppad:
0x0: {  	(pc) =	sbr.rel $0x88, $3  }
0x1: {  	(tag) =	ssettag $0x0;
	lr =	simm.s32 $0x1  }
0x2: {  	[smem:$0x3F9F] =	sst lr;
	_ =	strace $0xD0000000  }
0x3: {  	_ = 	snop  }
0x4: {  	_ = 	snop  }
0x5: {  	_ = 	snop  }
0x6: {  	_ = 	snop  }
0x7: {  	_ = 	snop  }
__scs_overlays_trampoline_lowered:
0x8: {  	[smem:$0x3FAE] =	sst s0  }
0x9: {  	[smem:$0x3FAF] =	sst s1  }
0xa: {  	[smem:$0x3FB0] =	sst s2  }
0xb: {  	[smem:$0x3FB1] =	sst s3  }
0xc: {  	[smem:$0x3FB2] =	sst s4  }
0xd: {  	[smem:$0x3FB3] =	sst s5  }
0xe: {  	[smem:$0x3FB4] =	sst s6  }
0xf: {  	[smem:$0x3FB5] =	sst s7  }
0x10: {  	[smem:$0x3FB6] =	sst s8  }
0x11: {  	[smem:$0x3FB7] =	sst s9;
	s0 =	simm.s32 @!p0 $0x0  }
0x12: {  	s1 =	sld [smem:$0x3F9D];
	s0 =	simm.s32 @p0 $0x1  }
0x13: {  	[smem:$0x3FB8] =	sst s0;
	s0 =	simm.s32 @!p1 $0x0  }
0x14: {  	s2 =	sld [smem:$0x3F9C];
	s0 =	simm.s32 @p1 $0x1  }
0x15: {  	[smem:$0x3FB9] =	sst s0;
	s0 =	simm.s32 @!p2 $0x0  }
0x16: {  	s3 =	sld [smem:$0x3FDB];
	s0 =	simm.s32 @p2 $0x1  }
0x17: {  	s4 =	simm.s32 $0x1BF5;
	[smem:$0x3FBB] =	sst s0  }
0x18: {  	s0 =	sld [smem:$0x3F9E];
	_ =	swait.ge [sflag:s4], $0x0  }
0x19: {  	s7 =	sld [smem:$0x3F9F]  }
0x1a: {  	s8 =	sadd.s32 $0xFFFFE003, lr  }
0x1b: {  	s9 =	sadd.s32 $0xFFFFFEF7, lr;
	s5 =	simm.s32 $0xFFFFFFFF;
	p2 =	slt.u32 s8, $0xFFFFF086  }
0x1c: {  	p1 =	slt.u32 s9, $0xF7A;
	s5 =	simm.s32 @!p2 $0x0  }
0x1d: {  	s5 =	simm.s32 @p1 $0x1;
	p0 =	seq.s32 s7, s2  }
0x1e: {  	s7 =	smul.u32 @!p0 $0xF7A, s2;
	p2 =	seq.s32 @!p0 s5, $0x0  }
0x1f: {  	s9 =	smul.u32 $0xF7A, s1;
	s8 =	simm.s32 @!p0 $0x1BF5;
	p2 =	por !p2, p0  }
0x20: {  	[sflag:s8] =	ssyncset.s32 @!p0 $0xFFFFF086;
	s6 =	sadd.s32 @!p0 s3, s7;
	s7 =	simm.s32 @!p0 $0x108  }
0x21: {  	s3 =	sadd.s32 s3, s9;
	s6 =	sadd.s32 @!p0 $0x88, s6;
	s7 =	simm.s32 @p2 $0x1082  }
0x22: {  	[simem:s7], [sflag:s8] =	dma.local @!p0 [hbm:s6], $0xF7A  }
0x23: {  	s9 =	sor.u32 $0xD0000000, s2;
	s6 =	simm.s32 $0x108;
	_ =	swait.ge @!p0 [sflag:s8], $0x0  }
0x24: {  	s3 =	sadd.s32 $0x88, s3;
	s6 =	simm.s32 @!p1 $0x1082;
	[sflag:s4] =	ssyncset.s32 $0xFFFFF086  }
0x25: {  	[simem:s6], [sflag:s4] =	dma.local [hbm:s3], $0xF7A  }
0x26: {  	[smem:$0x3F9F] =	sst s1;
	(tag) =	ssettag s2;
	_ =	strace s9  }
0x27: {  	s1 =	sld [smem:$0x3FAF]  }
0x28: {  	s2 =	sld [smem:$0x3FB0]  }
0x29: {  	s4 =	sld [smem:$0x3FB2]  }
0x2a: {  	p0 =	seq.s32 s5, $0x0;
	s5 =	sld [smem:$0x3FB3]  }
0x2b: {  	s6 =	sld [smem:$0x3FB4]  }
0x2c: {  	s7 =	sld [smem:$0x3FB5]  }
0x2d: {  	s3 =	simm.s32 $0x108;
	s8 =	sld [smem:$0x3FB6]  }
0x2e: {  	s3 =	simm.s32 @!p0 $0x1082;
	s9 =	sld [smem:$0x3FB7]  }
0x2f: {  	lr =	sadd.s32 s0, s3;
	s0 =	sld [smem:$0x3FAE]  }
0x30: {  	s3 =	sld [smem:$0x3FB1]  }
0x31: {  	[smem:$0x3FBA] =	sst s10  }
0x32: {  	s10 =	sld [smem:$0x3FB8];
	_ =	sdelay $0x3  }
0x33: {  	p0 =	seq.s32 s10, $0x1;
	s10 =	sld [smem:$0x3FBA];
	_ =	sdelay $0x3  }
0x34: {  	[smem:$0x3FBA] =	sst s10  }
0x35: {  	s10 =	sld [smem:$0x3FB9];
	_ =	sdelay $0x3  }
0x36: {  	p1 =	seq.s32 s10, $0x1;
	s10 =	sld [smem:$0x3FBA];
	_ =	sdelay $0x3  }
0x37: {  	[smem:$0x3FBA] =	sst s10  }
0x38: {  	s10 =	sld [smem:$0x3FBB]  }
0x39: {  	_ = 	snop;
	(pc) =	sbr.ind lr, $3  }
0x3a: {  	_ = 	snop  }
0x3b: {  	_ = 	snop  }
0x3c: {  	p2 =	seq.s32 s10, $0x1;
	s10 =	sld [smem:$0x3FBA]  }
0x3d: {  	_ =	shalt  }
0x3e: {  	_ =	shalt  }
0x3f: {  	_ =	shalt  }
0x40: {  	_ =	shalt  }
0x41: {  	_ =	shalt  }
0x42: {  	_ =	shalt  }
0x43: {  	_ =	shalt  }
0x44: {  	_ =	shalt  }
0x45: {  	_ =	shalt  }
0x46: {  	_ =	shalt  }
0x47: {  	_ =	shalt  }
0x48: {  	_ =	shalt  }
0x49: {  	_ =	shalt  }
0x4a: {  	_ =	shalt  }
0x4b: {  	_ =	shalt  }
0x4c: {  	_ =	shalt  }
0x4d: {  	_ =	shalt  }
0x4e: {  	_ =	shalt  }
0x4f: {  	_ =	shalt  }
0x50: {  	_ =	shalt  }
0x51: {  	_ =	shalt  }
0x52: {  	_ =	shalt  }
0x53: {  	_ =	shalt  }
0x54: {  	_ =	shalt  }
0x55: {  	_ =	shalt  }
0x56: {  	_ =	shalt  }
0x57: {  	_ =	shalt  }
0x58: {  	_ =	shalt  }
0x59: {  	_ =	shalt  }
0x5a: {  	_ =	shalt  }
0x5b: {  	_ =	shalt  }
0x5c: {  	_ =	shalt  }
0x5d: {  	_ =	shalt  }
0x5e: {  	_ =	shalt  }
0x5f: {  	_ =	shalt  }
0x60: {  	_ =	shalt  }
0x61: {  	_ =	shalt  }
0x62: {  	_ =	shalt  }
0x63: {  	_ =	shalt  }
0x64: {  	_ =	shalt  }
0x65: {  	_ =	shalt  }
0x66: {  	_ =	shalt  }
0x67: {  	_ =	shalt  }
0x68: {  	_ =	shalt  }
0x69: {  	_ =	shalt  }
0x6a: {  	_ =	shalt  }
0x6b: {  	_ =	shalt  }
0x6c: {  	_ =	shalt  }
0x6d: {  	_ =	shalt  }
0x6e: {  	_ =	shalt  }
0x6f: {  	_ =	shalt  }
0x70: {  	_ =	shalt  }
0x71: {  	_ =	shalt  }
0x72: {  	_ =	shalt  }
0x73: {  	_ =	shalt  }
0x74: {  	_ =	shalt  }
0x75: {  	_ =	shalt  }
0x76: {  	_ =	shalt  }
0x77: {  	_ =	shalt  }
0x78: {  	_ =	shalt  }
0x79: {  	_ =	shalt  }
0x7a: {  	_ =	shalt  }
0x7b: {  	_ =	shalt  }
0x7c: {  	_ =	shalt  }
0x7d: {  	_ =	shalt  }
0x7e: {  	_ =	shalt  }
0x7f: {  	_ =	shalt  }
0x80: {  	_ =	shalt  }
0x81: {  	_ =	shalt  }
0x82: {  	_ =	shalt  }
0x83: {  	_ =	shalt  }
0x84: {  	_ =	shalt  }
0x85: {  	_ =	shalt  }
0x86: {  	_ =	shalt  }
0x87: {  	_ =	shalt  }
.Lfunc_end0:
.L_simem_size_0:
called_computation.1_lowered:
.L_overlay_start_0:
0x88: {  	s2 =	sld [smem:$0x3FD9]  }
0x89: {  	s3 =	sld [smem:$0x3FFE];
	_ =	sdelay $0x1  }
0x8a: {  	s1 =	srdreg.scid  }
0x8b: {  	s0 =	sand.u32 $0x1, s1  }
0x8c: {  	s17 =	sshll.u32 s0, $0xA;
	s2 =	sadd.s32 s3, s2  }
0x8d: {  	s2 =	sadd.s32 s2, s17  }
0x8e: {  	[smem:$0x3FC6] =	sst s2  }
0x8f: {  	_ = 	snop  }
0x90: {  	s2 =	sld [smem:$0x3FD0];
	(tm) =	ssettm $0x1  }
0x91: {  	s18 =	sld [smem:$0x3FFB];
	_ =	sdelay $0x3  }
0x92: {  	_ =	strace s18  }
0x93: {  	s3 =	sld [smem:$0x3FFC];
	_ =	sdelay $0x3  }
0x94: {  	_ =	strace s3  }
0x95: {  	s3 =	sld [smem:$0x3FFD];
	_ =	sdelay $0x3  }
0x96: {  	_ =	strace s3  }
0x97: {  	_ =	strace $0x8FFFFFFF  }
0x98: {  	s19 =	sld [smem:$0x3FDB];
	_ =	sdelay $0x1  }
0x99: {  	s4 =	simm.s32 $_scs_section_size  }
0x9a: {  	s5 =	simm.s32 $_size__tile_overlayer_lowered;
	s6 =	simm.s32 $_tile_overlayer_lowered  }
0x9b: {  	s22 =	simm.s32 $0x1BFF;
	s21 =	sshll.u32 s6, $0x1;
	s3 =	sadd.s32 s4, s19  }
0x9c: {  	s7 =	simm.s32 $0x0;
	s20 =	sshll.u32 s5, $0x1;
	s5 =	sadd.s32 s21, s3  }
0x9d: {  	[timem:s7], [sflag:s22] =	dma.local [hbm:s5], s20  }
0x9e: {  	_ =	swait.ge [sflag:s22], s20  }
0x9f: {  	s4 =	ssub.s32 $0x0, s20;
	[sflag:s22] =	ssyncset.done $0x0  }
0xa0: {  	[sflag:s22] =	ssyncadd.s32 s4;
	_ =	sdelay $0x1  }
0xa1: {  	s23 =	simm.s32 $0x1B8B  }
0xa2: {  	_ =	swait.ge [sflag:s23], $0x1  }
0xa3: {  	[sflag:s23] =	ssyncset.done $0x0  }
0xa4: {  	s25 =	simm.s32 $0x1B8E;
	s24 =	sld [smem:$0x3FFE];
	[sflag:s23] =	ssyncadd.s32 $0xFFFFFFFF  }
0xa5: {  	s26 =	simm.s32 $execute0_lowered;
	[smem:$0x3FD2] =	sst s25  }
0xa6: {  	s5 =	sshll.u32 s26, $0x1;
	_ =	strace $0x80000046;
	[dreg:$0x1] =	wrdreg $0xFFFFFFFF  }
0xa7: {  	s28 =	simm.s32 $_size_execute0_lowered;
	s3 =	sadd.s32 s3, s5;
	[dreg:$0x0] =	wrdreg $0x0  }
0xa8: {  	s5 =	sshll.u32 s28, $0x1;
	[dreg:$0x2] =	wrdreg s3  }
0xa9: {  	[dreg:$0x3] =	wrdreg s5  }
0xaa: {  	[dreg:$0x4] =	wrdreg $0xC0  }
0xab: {  	_ =	task [dreg:s7], $0x5FFFF  }
0xac: {  	[dreg:$0x1] =	wrdreg $0xFFFFFFFF  }
0xad: {  	[dreg:$0x0] =	wrdreg $0x60  }
0xae: {  	[dreg:$0x2] =	wrdreg s24  }
0xaf: {  	[dreg:$0x3] =	wrdreg s2  }
0xb0: {  	[dreg:$0x4] =	wrdreg $0x0  }
0xb1: {  	[dreg:$0x5] =	wrdreg $0x9  }
0xb2: {  	_ =	task.clear_ibuf [dreg:s7], $0x6FFFF;
	_ =	strace $0x90000046  }
0xb3: {  	s29 =	simm.s32 $0x9;
	_ =	strace $0x80000048  }
0xb4: {  	_ =	swait.ge [sflag:s29], $0x1  }
0xb5: {  	[sflag:s29] =	ssyncadd.s32 $0xFFFFFFFF  }
0xb6: {  	_ =	strace $0x90000048  }
0xb7: {  	_ =	sfence  }
0xb8: {  	s30 =	sld [smem:$0x0];
	_ =	sdelay $0x2  }
0xb9: {  	s31 =	sshll.u32 s1, $0xD;
	s1 =	sshrl.u32 s1, $0x2  }
0xba: {  	s3 =	sand.u32 $0x4000, s31;
	s1 =	sadd.s32 s1, s30  }
0xbb: {  	s0 =	sor.u32 s3, s0;
	s1 =	sshll.u32 s1, $0x11  }
0xbc: {  	s0 =	sor.u32 s1, s0  }
0xbd: {  	s0 =	sadd.s32 $0x8F2B, s0  }
0xbe: {  	[sflag:s0] =	ssyncadd.remote.s32 $0x1  }
0xbf: {  	_ =	sfence.sel $0xFFFF  }
0xc0: {  	[dreg:$0x0] =	wrdreg $0xFFFFFFFF;
	(pc) =	sbr.abs _section_cstart, $3  }
0xc1: {  	[dreg:$0x1] =	wrdreg $0xFFFFFFFF  }
0xc2: {  	_ =	task.clear_ibuf [dreg:s7], $0x2FFFF;
	_ =	strace $0x9FFFFFFF  }
0xc3: {  	(tm) =	ssettm $0x7FFFFFFF  }
tec
execute0_lowered:
.L_overlay_start_1:
0x0: {  	(tag) =	ssettag $0x1  }
0x1: {  	s0 =	rddreg [dreg:$0x0]  }
0x2: {  	s3 =	rddreg [dreg:$0x1]  }
0x3: {  	s1 =	rddreg [dreg:$0x2]  }
0x4: {  	s4 =	srdreg.scid;
	s5 =	stileid.u32  }
0x5: {  	s2 =	simm.s32 $0x0;
	s28 =	simm.s32 $0x1320;
	s30 =	simm.s32 $0x4520  }
0x6: {  	s4 =	sand.u32 $0x1, s4;
	s6 =	sshll.u32 s5, $0x1;
	[smem:$0x7FF] =	sst s2  }
0x7: {  	s8 =	sadd.s32 $0xC00, s0;
	s0 =	sadd.s32 $0x1400, s0;
	s6 =	sor.u32 s4, s6  }
0x8: {  	s19 =	sshll.u32 s5, $0xE;
	_ =	strace $0x80000047;
	s7 =	smul.u32 $0x640000, s6  }
0x9: {  	[dreg:$0x5] =	wrdreg s8;
	s21 =	sshll.u32 s4, $0xD;
	s6 =	sshll.u32 s6, $0xD  }
0xa: {  	s23 =	sadd.s32 s0, s6;
	s0 =	sadd.s32 s19, s0;
	s7 =	sshrl.u32 s7, $0x3  }
0xb: {  	[dreg:$0x6] =	wrdreg s23;
	s24 =	sadd.s32 $0x1F00, s23;
	s0 =	sadd.s32 s21, s0  }
0xc: {  	s6 =	sadd.s32 s3, s7;
	[dreg:$0x7] =	wrdreg s24;
	s0 =	sadd.s32 $0x200, s0  }
0xd: {  	s22 =	ssub.s32 $0x2, s4;
	s25 =	sadd.s32 $0xBB800, s6;
	[dreg:$0x19] =	wrdreg s0  }
0xe: {  	s9 =	sshrl.u32 s22, $0x1;
	s26 =	sadd.s32 $0xBC480, s6;
	[dreg:$0x8] =	wrdreg s25  }
0xf: {  	s8 =	ssub.s32 s22, s9;
	s9 =	sadd.s32 $0xBD100, s6;
	[dreg:$0x9] =	wrdreg s26  }
0x10: {  	s31 =	simm.s32 $0xD20;
	s10 =	sadd.s32 $0xBDD80, s6;
	[dreg:$0xa] =	wrdreg s9  }
0x11: {  	s29 =	simm.s32 $0x420;
	s11 =	sadd.s32 $0xBEA00, s6;
	[dreg:$0xb] =	wrdreg s10  }
0x12: {  	s20 =	smul.u32 $0x190000, s5;
	s12 =	sadd.s32 $0xBF680, s6;
	[dreg:$0xc] =	wrdreg s11  }
0x13: {  	p0 =	sne.s32 s5, $0x0;
	s13 =	sadd.s32 $0xC0300, s6;
	[dreg:$0xd] =	wrdreg s12  }
0x14: {  	s5 =	simm.s32 $0xA920;
	s14 =	sadd.s32 $0xC0F80, s6;
	[dreg:$0xe] =	wrdreg s13  }
0x15: {  	s4 =	smul.u32 $0xC8000, s4;
	s15 =	sadd.s32 $0xC1C00, s6;
	[dreg:$0xf] =	wrdreg s14  }
0x16: {  	s19 =	simm.s32 $0x1220;
	s16 =	sadd.s32 $0xC2880, s6;
	[dreg:$0x10] =	wrdreg s15  }
0x17: {  	s21 =	simm.s32 $0x0;
	s17 =	sadd.s32 $0xC3500, s6;
	[dreg:$0x11] =	wrdreg s16  }
0x18: {  	s3 =	sadd.s32 s20, s3;
	s18 =	sadd.s32 $0xC4180, s6;
	[dreg:$0x12] =	wrdreg s17  }
0x19: {  	s7 =	simm.s32 $0x1;
	s22 =	sadd.s32 $0xC4E00, s6;
	[dreg:$0x13] =	wrdreg s18  }
0x1a: {  	s23 =	sadd.s32 $0xC5A80, s6;
	s3 =	sadd.s32 s4, s3;
	[dreg:$0x14] =	wrdreg s22  }
0x1b: {  	s24 =	sadd.s32 $0xC6700, s6;
	s0 =	simm.s32 $0x7720;
	[dreg:$0x15] =	wrdreg s23  }
0x1c: {  	s4 =	simm.s32 $0x12A0;
	[dreg:$0x16] =	wrdreg s24;
	s25 =	sadd.s32 $0xC7380, s6  }
0x1d: {  	s26 =	smax.u32 s8, $0x1;
	[dreg:$0x4] =	wrdreg s3;
	s24 =	simm.s32 $0x320  }
0x1e: {  	s23 =	simm.s32 $0x3A0;
	s6 =	simm.s32 $0xB20;
	s8 =	simm.s32 $0x3  }
0x1f: {  	s11 =	simm.s32 $0x2;
	s12 =	simm.s32 $0x4;
	s3 =	simm.s32 $0xDA0  }
0x20: {  	s9 =	simm.s32 $0xE20;
	s10 =	simm.s32 $0xEA0;
	s13 =	simm.s32 $0xF20  }
0x21: {  	s14 =	simm.s32 $0xFA0;
	s15 =	simm.s32 $0x1020;
	s16 =	simm.s32 $0x10A0  }
0x22: {  	s17 =	simm.s32 $0x1120;
	s18 =	simm.s32 $0x11A0;
	[dreg:$0x17] =	wrdreg s25  }
0x23: {  	[dreg:$0x18] =	wrdreg s26;
	s25 =	simm.s32 $0x5;
	s26 =	simm.s32 $0x64  }
.LBB2_1:
0x24: {  	[dreg:$0x1a] =	wrdreg s21  }
0x25: {  	s20 =	sshrl.u32 @!p0 s1, $0x3;
	s21 =	simm.s32 @!p0 $0x1C05;
	s22 =	rddreg [dreg:$0x5]  }
0x26: {  	[spmem:s20], [sflag:s21] =	dma.local @!p0 [hbm:s22], $0x640  }
0x27: {  	s20 =	simm.s32 @!p0 $0x5  }
0x28: {  	_ =	swait.ge @!p0 [sflag:s20], $0x640  }
0x29: {  	[sflag:s20] =	ssyncset.done @!p0 $0x0  }
0x2a: {  	[sflag:s20] =	ssyncadd.s32 @!p0 $0xFFFFF9C0  }
0x2b: {  	[bflag:$0x0] =	sbarrier.arrive $0xFFFF  }
0x2c: {  	s21 =	rddreg [dreg:$0x6]  }
0x2d: {  	[tilespmem:s24], [sflag:$0x5] =	stream.linear.gather [hbm4b:s21+s2], $0x800, $0x38;
	[tilespmem:$0xDB20] =	vst v63  }
0x2e: {  	_ =	swait.ge [sflag:s25], $0x800  }
0x2f: {  	[sflag:s25] =	ssyncset.done $0x0  }
0x30: {  	[sflag:s25] =	ssyncadd.s32 $0xFFFFF800  }
0x31: {  	[tilespmem:s28], [sflag:$0x1] =	stream.indirect.gather [spmem:s1], $0x80, s24, s26, $0xb8;
	[tilespmem:$0xDB20] =	vst v63  }
0x32: {  	_ = 	snop  }
0x33: {  	[tilespmem:s30], [sflag:$0x1] =	stream.indirect.gather [spmem:s1], $0x80, s23, s26, $0xb8;
	[tilespmem:$0xDB20] =	vst v63  }
0x34: {  	_ = 	snop  }
0x35: {  	[tilespmem:s0], [sflag:$0x2] =	stream.indirect.gather [spmem:s1], $0x80, s29, s26, $0xb8;
	[tilespmem:$0xDB20] =	vst v63  }
0x36: {  	s22 =	simm.s32 $0x4A0  }
0x37: {  	[tilespmem:s5], [sflag:$0x2] =	stream.indirect.gather [spmem:s1], $0x80, s22, s26, $0xb8;
	[tilespmem:$0xDB20] =	vst v63  }
0x38: {  	s22 =	rddreg [dreg:$0x19]  }
0x39: {  	s21 =	sadd.s32 $0xFFFFFF00, s22  }
0x3a: {  	[tilespmem:s6], [sflag:$0x5] =	stream.linear.gather [hbm4b:s21+s2], $0x800, $0x38;
	[tilespmem:$0xDB20] =	vst v63  }
0x3b: {  	_ =	swait.ge [sflag:s25], $0x800  }
0x3c: {  	[sflag:s25] =	ssyncset.done $0x0  }
0x3d: {  	[sflag:s25] =	ssyncadd.s32 $0xFFFFF800  }
0x3e: {  	_ =	swait.ge [sflag:s7], $0x6400  }
0x3f: {  	s21 =	rddreg [dreg:$0x4];
	[sflag:s7] =	ssyncset.done $0x0  }
0x40: {  	[sflag:s7] =	ssyncadd.s32 $0xFFFF9C00;
	s20 =	sadd.s32 $0x0, s21  }
0x41: {  	[hbm4b:s20+s2] =	stream.linear.scatter [tilespmem:s28], [sflag:$0x3], $0x6400, $0x38;
	[tilespmem:$0xDB20] =	vst v63  }
0x42: {  	_ =	swait.ge [sflag:s8], $0x6400  }
0x43: {  	[sflag:s8] =	ssyncset.done $0x0  }
0x44: {  	s21 =	simm.s32 $0x520;
	[sflag:s8] =	ssyncadd.s32 $0xFFFF9C00  }
0x45: {  	[tilespmem:s28], [sflag:$0x1] =	stream.indirect.gather [spmem:s1], $0x80, s21, s26, $0xb8;
	[tilespmem:$0xDB20] =	vst v63  }
0x46: {  	s21 =	simm.s32 $0x5A0  }
0x47: {  	[tilespmem:s30], [sflag:$0x1] =	stream.indirect.gather [spmem:s1], $0x80, s21, s26, $0xb8;
	[tilespmem:$0xDB20] =	vst v63  }
0x48: {  	_ =	swait.ge [sflag:s11], $0x6400  }
0x49: {  	[sflag:s11] =	ssyncset.done $0x0  }
0x4a: {  	s21 =	sadd.s32 $0xC80, s20;
	[sflag:s11] =	ssyncadd.s32 $0xFFFF9C00  }
0x4b: {  	[hbm4b:s21+s2] =	stream.linear.scatter [tilespmem:s0], [sflag:$0x4], $0x6400, $0x38;
	[tilespmem:$0xDB20] =	vst v63  }
0x4c: {  	_ =	swait.ge [sflag:s12], $0x6400  }
0x4d: {  	[sflag:s12] =	ssyncset.done $0x0  }
0x4e: {  	s21 =	simm.s32 $0x620;
	[sflag:s12] =	ssyncadd.s32 $0xFFFF9C00  }
0x4f: {  	[tilespmem:s0], [sflag:$0x2] =	stream.indirect.gather [spmem:s1], $0x80, s21, s26, $0xb8;
	[tilespmem:$0xDB20] =	vst v63  }
0x50: {  	s21 =	simm.s32 $0x6A0  }
0x51: {  	[tilespmem:s5], [sflag:$0x2] =	stream.indirect.gather [spmem:s1], $0x80, s21, s26, $0xb8;
	[tilespmem:$0xDB20] =	vst v63  }
0x52: {  	_ =	swait.ge [sflag:s7], $0x6400  }
0x53: {  	[sflag:s7] =	ssyncset.done $0x0  }
0x54: {  	s21 =	sadd.s32 $0x1900, s20;
	[sflag:s7] =	ssyncadd.s32 $0xFFFF9C00  }
0x55: {  	[hbm4b:s21+s2] =	stream.linear.scatter [tilespmem:s28], [sflag:$0x3], $0x6400, $0x38;
	[tilespmem:$0xDB20] =	vst v63  }
0x56: {  	_ =	swait.ge [sflag:s8], $0x6400  }
0x57: {  	[sflag:s8] =	ssyncset.done $0x0  }
0x58: {  	s21 =	simm.s32 $0x720;
	[sflag:s8] =	ssyncadd.s32 $0xFFFF9C00  }
0x59: {  	[tilespmem:s28], [sflag:$0x1] =	stream.indirect.gather [spmem:s1], $0x80, s21, s26, $0xb8;
	[tilespmem:$0xDB20] =	vst v63  }
0x5a: {  	s21 =	simm.s32 $0x7A0  }
0x5b: {  	[tilespmem:s30], [sflag:$0x1] =	stream.indirect.gather [spmem:s1], $0x80, s21, s26, $0xb8;
	[tilespmem:$0xDB20] =	vst v63  }
0x5c: {  	_ =	swait.ge [sflag:s11], $0x6400  }
0x5d: {  	[sflag:s11] =	ssyncset.done $0x0  }
0x5e: {  	s21 =	sadd.s32 $0x2580, s20;
	[sflag:s11] =	ssyncadd.s32 $0xFFFF9C00  }
0x5f: {  	[hbm4b:s21+s2] =	stream.linear.scatter [tilespmem:s0], [sflag:$0x4], $0x6400, $0x38;
	[tilespmem:$0xDB20] =	vst v63  }
0x60: {  	_ =	swait.ge [sflag:s12], $0x6400  }
0x61: {  	[sflag:s12] =	ssyncset.done $0x0  }
0x62: {  	s21 =	simm.s32 $0x820;
	[sflag:s12] =	ssyncadd.s32 $0xFFFF9C00  }
0x63: {  	[tilespmem:s0], [sflag:$0x2] =	stream.indirect.gather [spmem:s1], $0x80, s21, s26, $0xb8;
	[tilespmem:$0xDB20] =	vst v63  }
0x64: {  	s21 =	simm.s32 $0x8A0  }
0x65: {  	[tilespmem:s5], [sflag:$0x2] =	stream.indirect.gather [spmem:s1], $0x80, s21, s26, $0xb8;
	[tilespmem:$0xDB20] =	vst v63  }
0x66: {  	_ =	swait.ge [sflag:s7], $0x6400  }
0x67: {  	[sflag:s7] =	ssyncset.done $0x0  }
0x68: {  	s21 =	sadd.s32 $0x3200, s20;
	[sflag:s7] =	ssyncadd.s32 $0xFFFF9C00  }
0x69: {  	[hbm4b:s21+s2] =	stream.linear.scatter [tilespmem:s28], [sflag:$0x3], $0x6400, $0x38;
	[tilespmem:$0xDB20] =	vst v63  }
0x6a: {  	_ =	swait.ge [sflag:s8], $0x6400  }
0x6b: {  	[sflag:s8] =	ssyncset.done $0x0  }
0x6c: {  	s21 =	simm.s32 $0x920;
	[sflag:s8] =	ssyncadd.s32 $0xFFFF9C00  }
0x6d: {  	[tilespmem:s28], [sflag:$0x1] =	stream.indirect.gather [spmem:s1], $0x80, s21, s26, $0xb8;
	[tilespmem:$0xDB20] =	vst v63  }
0x6e: {  	s21 =	simm.s32 $0x9A0  }
0x6f: {  	[tilespmem:s30], [sflag:$0x1] =	stream.indirect.gather [spmem:s1], $0x80, s21, s26, $0xb8;
	[tilespmem:$0xDB20] =	vst v63  }
0x70: {  	_ =	swait.ge [sflag:s11], $0x6400  }
0x71: {  	[sflag:s11] =	ssyncset.done $0x0  }
0x72: {  	s21 =	sadd.s32 $0x3E80, s20;
	[sflag:s11] =	ssyncadd.s32 $0xFFFF9C00  }
0x73: {  	[hbm4b:s21+s2] =	stream.linear.scatter [tilespmem:s0], [sflag:$0x4], $0x6400, $0x38;
	[tilespmem:$0xDB20] =	vst v63  }
0x74: {  	_ =	swait.ge [sflag:s12], $0x6400  }
0x75: {  	[sflag:s12] =	ssyncset.done $0x0  }
0x76: {  	s21 =	simm.s32 $0xA20;
	[sflag:s12] =	ssyncadd.s32 $0xFFFF9C00  }
0x77: {  	[tilespmem:s0], [sflag:$0x2] =	stream.indirect.gather [spmem:s1], $0x80, s21, s26, $0xb8;
	[tilespmem:$0xDB20] =	vst v63  }
0x78: {  	s21 =	simm.s32 $0xAA0  }
0x79: {  	[tilespmem:s5], [sflag:$0x2] =	stream.indirect.gather [spmem:s1], $0x80, s21, s26, $0xb8;
	[tilespmem:$0xDB20] =	vst v63  }
0x7a: {  	_ =	swait.ge [sflag:s7], $0x6400  }
0x7b: {  	[sflag:s7] =	ssyncset.done $0x0  }
0x7c: {  	s21 =	sadd.s32 $0x4B00, s20;
	[sflag:s7] =	ssyncadd.s32 $0xFFFF9C00  }
0x7d: {  	[hbm4b:s21+s2] =	stream.linear.scatter [tilespmem:s28], [sflag:$0x3], $0x6400, $0x38;
	[tilespmem:$0xDB20] =	vst v63  }
0x7e: {  	_ =	swait.ge [sflag:s8], $0x6400  }
0x7f: {  	[sflag:s8] =	ssyncset.done $0x0  }
0x80: {  	[sflag:s8] =	ssyncadd.s32 $0xFFFF9C00  }
0x81: {  	[tilespmem:s28], [sflag:$0x1] =	stream.indirect.gather [spmem:s1], $0x80, s6, s26, $0xb8;
	[tilespmem:$0xDB20] =	vst v63  }
0x82: {  	s21 =	simm.s32 $0xBA0  }
0x83: {  	[tilespmem:s30], [sflag:$0x1] =	stream.indirect.gather [spmem:s1], $0x80, s21, s26, $0xb8;
	[tilespmem:$0xDB20] =	vst v63  }
0x84: {  	_ =	swait.ge [sflag:s11], $0x6400  }
0x85: {  	[sflag:s11] =	ssyncset.done $0x0  }
0x86: {  	s21 =	sadd.s32 $0x5780, s20;
	[sflag:s11] =	ssyncadd.s32 $0xFFFF9C00  }
0x87: {  	[hbm4b:s21+s2] =	stream.linear.scatter [tilespmem:s0], [sflag:$0x4], $0x6400, $0x38;
	[tilespmem:$0xDB20] =	vst v63  }
0x88: {  	_ =	swait.ge [sflag:s12], $0x6400  }
0x89: {  	[sflag:s12] =	ssyncset.done $0x0  }
0x8a: {  	s21 =	simm.s32 $0xC20;
	[sflag:s12] =	ssyncadd.s32 $0xFFFF9C00  }
0x8b: {  	[tilespmem:s0], [sflag:$0x2] =	stream.indirect.gather [spmem:s1], $0x80, s21, s26, $0xb8;
	[tilespmem:$0xDB20] =	vst v63  }
0x8c: {  	s21 =	simm.s32 $0xCA0  }
0x8d: {  	[tilespmem:s5], [sflag:$0x2] =	stream.indirect.gather [spmem:s1], $0x80, s21, s26, $0xb8;
	[tilespmem:$0xDB20] =	vst v63  }
0x8e: {  	_ = 	snop  }
0x8f: {  	[tilespmem:s24], [sflag:$0x5] =	stream.linear.gather [hbm4b:s22+s2], $0x800, $0x38;
	[tilespmem:$0xDB20] =	vst v63  }
0x90: {  	_ =	swait.ge [sflag:s25], $0x800  }
0x91: {  	[sflag:s25] =	ssyncset.done $0x0  }
0x92: {  	[sflag:s25] =	ssyncadd.s32 $0xFFFFF800  }
0x93: {  	_ =	swait.ge [sflag:s7], $0x6400  }
0x94: {  	[sflag:s7] =	ssyncset.done $0x0  }
0x95: {  	s21 =	sadd.s32 $0x6400, s20;
	[sflag:s7] =	ssyncadd.s32 $0xFFFF9C00  }
0x96: {  	[hbm4b:s21+s2] =	stream.linear.scatter [tilespmem:s28], [sflag:$0x3], $0x6400, $0x38;
	[tilespmem:$0xDB20] =	vst v63  }
0x97: {  	_ =	swait.ge [sflag:s8], $0x6400  }
0x98: {  	[sflag:s8] =	ssyncset.done $0x0  }
0x99: {  	[sflag:s8] =	ssyncadd.s32 $0xFFFF9C00  }
0x9a: {  	[tilespmem:s28], [sflag:$0x1] =	stream.indirect.gather [spmem:s1], $0x80, s31, s26, $0xb8;
	[tilespmem:$0xDB20] =	vst v63  }
0x9b: {  	_ = 	snop  }
0x9c: {  	[tilespmem:s30], [sflag:$0x1] =	stream.indirect.gather [spmem:s1], $0x80, s3, s26, $0xb8;
	[tilespmem:$0xDB20] =	vst v63  }
0x9d: {  	_ =	swait.ge [sflag:s11], $0x6400  }
0x9e: {  	[sflag:s11] =	ssyncset.done $0x0  }
0x9f: {  	s21 =	sadd.s32 $0x7080, s20;
	[sflag:s11] =	ssyncadd.s32 $0xFFFF9C00  }
0xa0: {  	[hbm4b:s21+s2] =	stream.linear.scatter [tilespmem:s0], [sflag:$0x4], $0x6400, $0x38;
	[tilespmem:$0xDB20] =	vst v63  }
0xa1: {  	_ =	swait.ge [sflag:s12], $0x6400  }
0xa2: {  	[sflag:s12] =	ssyncset.done $0x0  }
0xa3: {  	[sflag:s12] =	ssyncadd.s32 $0xFFFF9C00  }
0xa4: {  	[tilespmem:s0], [sflag:$0x2] =	stream.indirect.gather [spmem:s1], $0x80, s9, s26, $0xb8;
	[tilespmem:$0xDB20] =	vst v63  }
0xa5: {  	_ = 	snop  }
0xa6: {  	[tilespmem:s5], [sflag:$0x2] =	stream.indirect.gather [spmem:s1], $0x80, s10, s26, $0xb8;
	[tilespmem:$0xDB20] =	vst v63  }
0xa7: {  	_ =	swait.ge [sflag:s7], $0x6400  }
0xa8: {  	[sflag:s7] =	ssyncset.done $0x0  }
0xa9: {  	s21 =	sadd.s32 $0x7D00, s20;
	[sflag:s7] =	ssyncadd.s32 $0xFFFF9C00  }
0xaa: {  	[hbm4b:s21+s2] =	stream.linear.scatter [tilespmem:s28], [sflag:$0x3], $0x6400, $0x38;
	[tilespmem:$0xDB20] =	vst v63  }
0xab: {  	_ =	swait.ge [sflag:s8], $0x6400  }
0xac: {  	[sflag:s8] =	ssyncset.done $0x0  }
0xad: {  	[sflag:s8] =	ssyncadd.s32 $0xFFFF9C00  }
0xae: {  	[tilespmem:s28], [sflag:$0x1] =	stream.indirect.gather [spmem:s1], $0x80, s13, s26, $0xb8;
	[tilespmem:$0xDB20] =	vst v63  }
0xaf: {  	_ = 	snop  }
0xb0: {  	[tilespmem:s30], [sflag:$0x1] =	stream.indirect.gather [spmem:s1], $0x80, s14, s26, $0xb8;
	[tilespmem:$0xDB20] =	vst v63  }
0xb1: {  	_ =	swait.ge [sflag:s11], $0x6400  }
0xb2: {  	[sflag:s11] =	ssyncset.done $0x0  }
0xb3: {  	s21 =	sadd.s32 $0x8980, s20;
	[sflag:s11] =	ssyncadd.s32 $0xFFFF9C00  }
0xb4: {  	[hbm4b:s21+s2] =	stream.linear.scatter [tilespmem:s0], [sflag:$0x4], $0x6400, $0x38;
	[tilespmem:$0xDB20] =	vst v63  }
0xb5: {  	_ =	swait.ge [sflag:s12], $0x6400  }
0xb6: {  	[sflag:s12] =	ssyncset.done $0x0  }
0xb7: {  	[sflag:s12] =	ssyncadd.s32 $0xFFFF9C00  }
0xb8: {  	[tilespmem:s0], [sflag:$0x2] =	stream.indirect.gather [spmem:s1], $0x80, s15, s26, $0xb8;
	[tilespmem:$0xDB20] =	vst v63  }
0xb9: {  	_ = 	snop  }
0xba: {  	[tilespmem:s5], [sflag:$0x2] =	stream.indirect.gather [spmem:s1], $0x80, s16, s26, $0xb8;
	[tilespmem:$0xDB20] =	vst v63  }
0xbb: {  	_ =	swait.ge [sflag:s7], $0x6400  }
0xbc: {  	[sflag:s7] =	ssyncset.done $0x0  }
0xbd: {  	s21 =	sadd.s32 $0x9600, s20;
	[sflag:s7] =	ssyncadd.s32 $0xFFFF9C00  }
0xbe: {  	[hbm4b:s21+s2] =	stream.linear.scatter [tilespmem:s28], [sflag:$0x3], $0x6400, $0x38;
	[tilespmem:$0xDB20] =	vst v63  }
0xbf: {  	_ =	swait.ge [sflag:s8], $0x6400  }
0xc0: {  	[sflag:s8] =	ssyncset.done $0x0  }
0xc1: {  	[sflag:s8] =	ssyncadd.s32 $0xFFFF9C00  }
0xc2: {  	[tilespmem:s28], [sflag:$0x1] =	stream.indirect.gather [spmem:s1], $0x80, s17, s26, $0xb8;
	[tilespmem:$0xDB20] =	vst v63  }
0xc3: {  	_ = 	snop  }
0xc4: {  	[tilespmem:s30], [sflag:$0x1] =	stream.indirect.gather [spmem:s1], $0x80, s18, s26, $0xb8;
	[tilespmem:$0xDB20] =	vst v63  }
0xc5: {  	_ =	swait.ge [sflag:s11], $0x6400  }
0xc6: {  	[sflag:s11] =	ssyncset.done $0x0  }
0xc7: {  	s21 =	sadd.s32 $0xA280, s20;
	[sflag:s11] =	ssyncadd.s32 $0xFFFF9C00  }
0xc8: {  	[hbm4b:s21+s2] =	stream.linear.scatter [tilespmem:s0], [sflag:$0x4], $0x6400, $0x38;
	[tilespmem:$0xDB20] =	vst v63  }
0xc9: {  	_ =	swait.ge [sflag:s12], $0x6400  }
0xca: {  	[sflag:s12] =	ssyncset.done $0x0  }
0xcb: {  	[sflag:s12] =	ssyncadd.s32 $0xFFFF9C00  }
0xcc: {  	[tilespmem:s0], [sflag:$0x2] =	stream.indirect.gather [spmem:s1], $0x80, s19, s26, $0xb8;
	[tilespmem:$0xDB20] =	vst v63  }
0xcd: {  	_ = 	snop  }
0xce: {  	[tilespmem:s5], [sflag:$0x2] =	stream.indirect.gather [spmem:s1], $0x80, s4, s26, $0xb8;
	[tilespmem:$0xDB20] =	vst v63  }
0xcf: {  	_ =	swait.ge [sflag:s7], $0x6400  }
0xd0: {  	[sflag:s7] =	ssyncset.done $0x0  }
0xd1: {  	s21 =	sadd.s32 $0xAF00, s20;
	[sflag:s7] =	ssyncadd.s32 $0xFFFF9C00  }
0xd2: {  	[hbm4b:s21+s2] =	stream.linear.scatter [tilespmem:s28], [sflag:$0x3], $0x6400, $0x38;
	[tilespmem:$0xDB20] =	vst v63  }
0xd3: {  	_ =	swait.ge [sflag:s8], $0x6400  }
0xd4: {  	[sflag:s8] =	ssyncset.done $0x0  }
0xd5: {  	[sflag:s8] =	ssyncadd.s32 $0xFFFF9C00  }
0xd6: {  	[tilespmem:s28], [sflag:$0x1] =	stream.indirect.gather [spmem:s1], $0x80, s24, s26, $0xb8;
	[tilespmem:$0xDB20] =	vst v63  }
0xd7: {  	_ = 	snop  }
0xd8: {  	[tilespmem:s30], [sflag:$0x1] =	stream.indirect.gather [spmem:s1], $0x80, s23, s26, $0xb8;
	[tilespmem:$0xDB20] =	vst v63  }
0xd9: {  	_ =	swait.ge [sflag:s11], $0x6400  }
0xda: {  	[sflag:s11] =	ssyncset.done $0x0  }
0xdb: {  	s20 =	sadd.s32 $0xBB80, s20;
	[sflag:s11] =	ssyncadd.s32 $0xFFFF9C00  }
0xdc: {  	[hbm4b:s20+s2] =	stream.linear.scatter [tilespmem:s0], [sflag:$0x4], $0x6400, $0x38;
	[tilespmem:$0xDB20] =	vst v63  }
0xdd: {  	_ =	swait.ge [sflag:s12], $0x6400  }
0xde: {  	[sflag:s12] =	ssyncset.done $0x0  }
0xdf: {  	s21 =	sadd.s32 $0x200, s22;
	s20 =	simm.s32 $0xC800;
	[sflag:s12] =	ssyncadd.s32 $0xFFFF9C00  }
0xe0: {  	[tilespmem:s0], [sflag:$0x2] =	stream.indirect.gather [spmem:s1], $0x80, s29, s26, $0xb8;
	[tilespmem:$0xDB20] =	vst v63  }
.LBB2_2:
0xe1: {  	s22 =	simm.s32 $0x4A0  }
0xe2: {  	[tilespmem:s5], [sflag:$0x2] =	stream.indirect.gather [spmem:s1], $0x80, s22, s26, $0xb8;
	[tilespmem:$0xDB20] =	vst v63  }
0xe3: {  	s23 =	sadd.s32 $0xFFFFFF00, s21  }
0xe4: {  	[tilespmem:s6], [sflag:$0x5] =	stream.linear.gather [hbm4b:s23+s2], $0x800, $0x38;
	[tilespmem:$0xDB20] =	vst v63  }
0xe5: {  	_ =	swait.ge [sflag:s25], $0x800  }
0xe6: {  	[sflag:s25] =	ssyncset.done $0x0  }
0xe7: {  	[sflag:s25] =	ssyncadd.s32 $0xFFFFF800  }
0xe8: {  	_ =	swait.ge [sflag:s7], $0x6400  }
0xe9: {  	s22 =	smov.u32 s20;
	s23 =	rddreg [dreg:$0x4];
	[sflag:s7] =	ssyncset.done $0x0  }
0xea: {  	[sflag:s7] =	ssyncadd.s32 $0xFFFF9C00;
	s22 =	sadd.s32 s22, s23  }
0xeb: {  	[hbm4b:s22+s2] =	stream.linear.scatter [tilespmem:s28], [sflag:$0x3], $0x6400, $0x38;
	[tilespmem:$0xDB20] =	vst v63  }
0xec: {  	_ =	swait.ge [sflag:s8], $0x6400  }
0xed: {  	[sflag:s8] =	ssyncset.done $0x0  }
0xee: {  	s23 =	simm.s32 $0x520;
	[sflag:s8] =	ssyncadd.s32 $0xFFFF9C00  }
0xef: {  	[tilespmem:s28], [sflag:$0x1] =	stream.indirect.gather [spmem:s1], $0x80, s23, s26, $0xb8;
	[tilespmem:$0xDB20] =	vst v63  }
0xf0: {  	s23 =	simm.s32 $0x5A0  }
0xf1: {  	[tilespmem:s30], [sflag:$0x1] =	stream.indirect.gather [spmem:s1], $0x80, s23, s26, $0xb8;
	[tilespmem:$0xDB20] =	vst v63  }
0xf2: {  	_ =	swait.ge [sflag:s11], $0x6400  }
0xf3: {  	[sflag:s11] =	ssyncset.done $0x0  }
0xf4: {  	s23 =	sadd.s32 $0xC80, s22;
	[sflag:s11] =	ssyncadd.s32 $0xFFFF9C00  }
0xf5: {  	[hbm4b:s23+s2] =	stream.linear.scatter [tilespmem:s0], [sflag:$0x4], $0x6400, $0x38;
	[tilespmem:$0xDB20] =	vst v63  }
0xf6: {  	_ =	swait.ge [sflag:s12], $0x6400  }
0xf7: {  	[sflag:s12] =	ssyncset.done $0x0  }
0xf8: {  	s23 =	simm.s32 $0x620;
	[sflag:s12] =	ssyncadd.s32 $0xFFFF9C00  }
0xf9: {  	[tilespmem:s0], [sflag:$0x2] =	stream.indirect.gather [spmem:s1], $0x80, s23, s26, $0xb8;
	[tilespmem:$0xDB20] =	vst v63  }
0xfa: {  	s23 =	simm.s32 $0x6A0  }
0xfb: {  	[tilespmem:s5], [sflag:$0x2] =	stream.indirect.gather [spmem:s1], $0x80, s23, s26, $0xb8;
	[tilespmem:$0xDB20] =	vst v63  }
0xfc: {  	_ =	swait.ge [sflag:s7], $0x6400  }
0xfd: {  	[sflag:s7] =	ssyncset.done $0x0  }
0xfe: {  	s23 =	sadd.s32 $0x1900, s22;
	[sflag:s7] =	ssyncadd.s32 $0xFFFF9C00  }
0xff: {  	[hbm4b:s23+s2] =	stream.linear.scatter [tilespmem:s28], [sflag:$0x3], $0x6400, $0x38;
	[tilespmem:$0xDB20] =	vst v63  }
0x100: {  	_ =	swait.ge [sflag:s8], $0x6400  }
0x101: {  	[sflag:s8] =	ssyncset.done $0x0  }
0x102: {  	s23 =	simm.s32 $0x720;
	[sflag:s8] =	ssyncadd.s32 $0xFFFF9C00  }
0x103: {  	[tilespmem:s28], [sflag:$0x1] =	stream.indirect.gather [spmem:s1], $0x80, s23, s26, $0xb8;
	[tilespmem:$0xDB20] =	vst v63  }
0x104: {  	s23 =	simm.s32 $0x7A0  }
0x105: {  	[tilespmem:s30], [sflag:$0x1] =	stream.indirect.gather [spmem:s1], $0x80, s23, s26, $0xb8;
	[tilespmem:$0xDB20] =	vst v63  }
0x106: {  	_ =	swait.ge [sflag:s11], $0x6400  }
0x107: {  	[sflag:s11] =	ssyncset.done $0x0  }
0x108: {  	s23 =	sadd.s32 $0x2580, s22;
	[sflag:s11] =	ssyncadd.s32 $0xFFFF9C00  }
0x109: {  	[hbm4b:s23+s2] =	stream.linear.scatter [tilespmem:s0], [sflag:$0x4], $0x6400, $0x38;
	[tilespmem:$0xDB20] =	vst v63  }
0x10a: {  	_ =	swait.ge [sflag:s12], $0x6400  }
0x10b: {  	[sflag:s12] =	ssyncset.done $0x0  }
0x10c: {  	s23 =	simm.s32 $0x820;
	[sflag:s12] =	ssyncadd.s32 $0xFFFF9C00  }
0x10d: {  	[tilespmem:s0], [sflag:$0x2] =	stream.indirect.gather [spmem:s1], $0x80, s23, s26, $0xb8;
	[tilespmem:$0xDB20] =	vst v63  }
0x10e: {  	s23 =	simm.s32 $0x8A0  }
0x10f: {  	[tilespmem:s5], [sflag:$0x2] =	stream.indirect.gather [spmem:s1], $0x80, s23, s26, $0xb8;
	[tilespmem:$0xDB20] =	vst v63  }
0x110: {  	_ =	swait.ge [sflag:s7], $0x6400  }
0x111: {  	[sflag:s7] =	ssyncset.done $0x0  }
0x112: {  	s23 =	sadd.s32 $0x3200, s22;
	[sflag:s7] =	ssyncadd.s32 $0xFFFF9C00  }
0x113: {  	[hbm4b:s23+s2] =	stream.linear.scatter [tilespmem:s28], [sflag:$0x3], $0x6400, $0x38;
	[tilespmem:$0xDB20] =	vst v63  }
0x114: {  	_ =	swait.ge [sflag:s8], $0x6400  }
0x115: {  	[sflag:s8] =	ssyncset.done $0x0  }
0x116: {  	s23 =	simm.s32 $0x920;
	[sflag:s8] =	ssyncadd.s32 $0xFFFF9C00  }
0x117: {  	[tilespmem:s28], [sflag:$0x1] =	stream.indirect.gather [spmem:s1], $0x80, s23, s26, $0xb8;
	[tilespmem:$0xDB20] =	vst v63  }
0x118: {  	s23 =	simm.s32 $0x9A0  }
0x119: {  	[tilespmem:s30], [sflag:$0x1] =	stream.indirect.gather [spmem:s1], $0x80, s23, s26, $0xb8;
	[tilespmem:$0xDB20] =	vst v63  }
0x11a: {  	_ =	swait.ge [sflag:s11], $0x6400  }
0x11b: {  	[sflag:s11] =	ssyncset.done $0x0  }
0x11c: {  	s23 =	sadd.s32 $0x3E80, s22;
	[sflag:s11] =	ssyncadd.s32 $0xFFFF9C00  }
0x11d: {  	[hbm4b:s23+s2] =	stream.linear.scatter [tilespmem:s0], [sflag:$0x4], $0x6400, $0x38;
	[tilespmem:$0xDB20] =	vst v63  }
0x11e: {  	_ =	swait.ge [sflag:s12], $0x6400  }
0x11f: {  	[sflag:s12] =	ssyncset.done $0x0  }
0x120: {  	s23 =	simm.s32 $0xA20;
	[sflag:s12] =	ssyncadd.s32 $0xFFFF9C00  }
0x121: {  	[tilespmem:s0], [sflag:$0x2] =	stream.indirect.gather [spmem:s1], $0x80, s23, s26, $0xb8;
	[tilespmem:$0xDB20] =	vst v63  }
0x122: {  	s23 =	simm.s32 $0xAA0  }
0x123: {  	[tilespmem:s5], [sflag:$0x2] =	stream.indirect.gather [spmem:s1], $0x80, s23, s26, $0xb8;
	[tilespmem:$0xDB20] =	vst v63  }
0x124: {  	_ =	swait.ge [sflag:s7], $0x6400  }
0x125: {  	[sflag:s7] =	ssyncset.done $0x0  }
0x126: {  	s23 =	sadd.s32 $0x4B00, s22;
	[sflag:s7] =	ssyncadd.s32 $0xFFFF9C00  }
0x127: {  	[hbm4b:s23+s2] =	stream.linear.scatter [tilespmem:s28], [sflag:$0x3], $0x6400, $0x38;
	[tilespmem:$0xDB20] =	vst v63  }
0x128: {  	_ =	swait.ge [sflag:s8], $0x6400  }
0x129: {  	[sflag:s8] =	ssyncset.done $0x0  }
0x12a: {  	[sflag:s8] =	ssyncadd.s32 $0xFFFF9C00  }
0x12b: {  	[tilespmem:s28], [sflag:$0x1] =	stream.indirect.gather [spmem:s1], $0x80, s6, s26, $0xb8;
	[tilespmem:$0xDB20] =	vst v63  }
0x12c: {  	s23 =	simm.s32 $0xBA0  }
0x12d: {  	[tilespmem:s30], [sflag:$0x1] =	stream.indirect.gather [spmem:s1], $0x80, s23, s26, $0xb8;
	[tilespmem:$0xDB20] =	vst v63  }
0x12e: {  	_ =	swait.ge [sflag:s11], $0x6400  }
0x12f: {  	[sflag:s11] =	ssyncset.done $0x0  }
0x130: {  	s23 =	sadd.s32 $0x5780, s22;
	[sflag:s11] =	ssyncadd.s32 $0xFFFF9C00  }
0x131: {  	[hbm4b:s23+s2] =	stream.linear.scatter [tilespmem:s0], [sflag:$0x4], $0x6400, $0x38;
	[tilespmem:$0xDB20] =	vst v63  }
0x132: {  	_ =	swait.ge [sflag:s12], $0x6400  }
0x133: {  	[sflag:s12] =	ssyncset.done $0x0  }
0x134: {  	s23 =	simm.s32 $0xC20;
	[sflag:s12] =	ssyncadd.s32 $0xFFFF9C00  }
0x135: {  	[tilespmem:s0], [sflag:$0x2] =	stream.indirect.gather [spmem:s1], $0x80, s23, s26, $0xb8;
	[tilespmem:$0xDB20] =	vst v63  }
0x136: {  	s23 =	simm.s32 $0xCA0  }
0x137: {  	[tilespmem:s5], [sflag:$0x2] =	stream.indirect.gather [spmem:s1], $0x80, s23, s26, $0xb8;
	[tilespmem:$0xDB20] =	vst v63  }
0x138: {  	_ = 	snop  }
0x139: {  	[tilespmem:s24], [sflag:$0x5] =	stream.linear.gather [hbm4b:s21+s2], $0x800, $0x38;
	[tilespmem:$0xDB20] =	vst v63  }
0x13a: {  	_ =	swait.ge [sflag:s25], $0x800  }
0x13b: {  	[sflag:s25] =	ssyncset.done $0x0  }
0x13c: {  	[sflag:s25] =	ssyncadd.s32 $0xFFFFF800  }
0x13d: {  	_ =	swait.ge [sflag:s7], $0x6400  }
0x13e: {  	[sflag:s7] =	ssyncset.done $0x0  }
0x13f: {  	s23 =	sadd.s32 $0x6400, s22;
	[sflag:s7] =	ssyncadd.s32 $0xFFFF9C00  }
0x140: {  	[hbm4b:s23+s2] =	stream.linear.scatter [tilespmem:s28], [sflag:$0x3], $0x6400, $0x38;
	[tilespmem:$0xDB20] =	vst v63  }
0x141: {  	_ =	swait.ge [sflag:s8], $0x6400  }
0x142: {  	[sflag:s8] =	ssyncset.done $0x0  }
0x143: {  	[sflag:s8] =	ssyncadd.s32 $0xFFFF9C00  }
0x144: {  	[tilespmem:s28], [sflag:$0x1] =	stream.indirect.gather [spmem:s1], $0x80, s31, s26, $0xb8;
	[tilespmem:$0xDB20] =	vst v63  }
0x145: {  	_ = 	snop  }
0x146: {  	[tilespmem:s30], [sflag:$0x1] =	stream.indirect.gather [spmem:s1], $0x80, s3, s26, $0xb8;
	[tilespmem:$0xDB20] =	vst v63  }
0x147: {  	_ =	swait.ge [sflag:s11], $0x6400  }
0x148: {  	[sflag:s11] =	ssyncset.done $0x0  }
0x149: {  	s23 =	sadd.s32 $0x7080, s22;
	[sflag:s11] =	ssyncadd.s32 $0xFFFF9C00  }
0x14a: {  	[hbm4b:s23+s2] =	stream.linear.scatter [tilespmem:s0], [sflag:$0x4], $0x6400, $0x38;
	[tilespmem:$0xDB20] =	vst v63  }
0x14b: {  	_ =	swait.ge [sflag:s12], $0x6400  }
0x14c: {  	[sflag:s12] =	ssyncset.done $0x0  }
0x14d: {  	[sflag:s12] =	ssyncadd.s32 $0xFFFF9C00  }
0x14e: {  	[tilespmem:s0], [sflag:$0x2] =	stream.indirect.gather [spmem:s1], $0x80, s9, s26, $0xb8;
	[tilespmem:$0xDB20] =	vst v63  }
0x14f: {  	_ = 	snop  }
0x150: {  	[tilespmem:s5], [sflag:$0x2] =	stream.indirect.gather [spmem:s1], $0x80, s10, s26, $0xb8;
	[tilespmem:$0xDB20] =	vst v63  }
0x151: {  	_ =	swait.ge [sflag:s7], $0x6400  }
0x152: {  	[sflag:s7] =	ssyncset.done $0x0  }
0x153: {  	s23 =	sadd.s32 $0x7D00, s22;
	[sflag:s7] =	ssyncadd.s32 $0xFFFF9C00  }
0x154: {  	[hbm4b:s23+s2] =	stream.linear.scatter [tilespmem:s28], [sflag:$0x3], $0x6400, $0x38;
	[tilespmem:$0xDB20] =	vst v63  }
0x155: {  	_ =	swait.ge [sflag:s8], $0x6400  }
0x156: {  	[sflag:s8] =	ssyncset.done $0x0  }
0x157: {  	[sflag:s8] =	ssyncadd.s32 $0xFFFF9C00  }
0x158: {  	[tilespmem:s28], [sflag:$0x1] =	stream.indirect.gather [spmem:s1], $0x80, s13, s26, $0xb8;
	[tilespmem:$0xDB20] =	vst v63  }
0x159: {  	_ = 	snop  }
0x15a: {  	[tilespmem:s30], [sflag:$0x1] =	stream.indirect.gather [spmem:s1], $0x80, s14, s26, $0xb8;
	[tilespmem:$0xDB20] =	vst v63  }
0x15b: {  	_ =	swait.ge [sflag:s11], $0x6400  }
0x15c: {  	[sflag:s11] =	ssyncset.done $0x0  }
0x15d: {  	s23 =	sadd.s32 $0x8980, s22;
	[sflag:s11] =	ssyncadd.s32 $0xFFFF9C00  }
0x15e: {  	[hbm4b:s23+s2] =	stream.linear.scatter [tilespmem:s0], [sflag:$0x4], $0x6400, $0x38;
	[tilespmem:$0xDB20] =	vst v63  }
0x15f: {  	_ =	swait.ge [sflag:s12], $0x6400  }
0x160: {  	[sflag:s12] =	ssyncset.done $0x0  }
0x161: {  	[sflag:s12] =	ssyncadd.s32 $0xFFFF9C00  }
0x162: {  	[tilespmem:s0], [sflag:$0x2] =	stream.indirect.gather [spmem:s1], $0x80, s15, s26, $0xb8;
	[tilespmem:$0xDB20] =	vst v63  }
0x163: {  	_ = 	snop  }
0x164: {  	[tilespmem:s5], [sflag:$0x2] =	stream.indirect.gather [spmem:s1], $0x80, s16, s26, $0xb8;
	[tilespmem:$0xDB20] =	vst v63  }
0x165: {  	_ =	swait.ge [sflag:s7], $0x6400  }
0x166: {  	[sflag:s7] =	ssyncset.done $0x0  }
0x167: {  	s23 =	sadd.s32 $0x9600, s22;
	[sflag:s7] =	ssyncadd.s32 $0xFFFF9C00  }
0x168: {  	[hbm4b:s23+s2] =	stream.linear.scatter [tilespmem:s28], [sflag:$0x3], $0x6400, $0x38;
	[tilespmem:$0xDB20] =	vst v63  }
0x169: {  	_ =	swait.ge [sflag:s8], $0x6400  }
0x16a: {  	[sflag:s8] =	ssyncset.done $0x0  }
0x16b: {  	[sflag:s8] =	ssyncadd.s32 $0xFFFF9C00  }
0x16c: {  	[tilespmem:s28], [sflag:$0x1] =	stream.indirect.gather [spmem:s1], $0x80, s17, s26, $0xb8;
	[tilespmem:$0xDB20] =	vst v63  }
0x16d: {  	_ = 	snop  }
0x16e: {  	[tilespmem:s30], [sflag:$0x1] =	stream.indirect.gather [spmem:s1], $0x80, s18, s26, $0xb8;
	[tilespmem:$0xDB20] =	vst v63  }
0x16f: {  	_ =	swait.ge [sflag:s11], $0x6400  }
0x170: {  	[sflag:s11] =	ssyncset.done $0x0  }
0x171: {  	s23 =	sadd.s32 $0xA280, s22;
	[sflag:s11] =	ssyncadd.s32 $0xFFFF9C00  }
0x172: {  	[hbm4b:s23+s2] =	stream.linear.scatter [tilespmem:s0], [sflag:$0x4], $0x6400, $0x38;
	[tilespmem:$0xDB20] =	vst v63  }
0x173: {  	_ =	swait.ge [sflag:s12], $0x6400  }
0x174: {  	[sflag:s12] =	ssyncset.done $0x0  }
0x175: {  	[sflag:s12] =	ssyncadd.s32 $0xFFFF9C00  }
0x176: {  	[tilespmem:s0], [sflag:$0x2] =	stream.indirect.gather [spmem:s1], $0x80, s19, s26, $0xb8;
	[tilespmem:$0xDB20] =	vst v63  }
0x177: {  	_ = 	snop  }
0x178: {  	[tilespmem:s5], [sflag:$0x2] =	stream.indirect.gather [spmem:s1], $0x80, s4, s26, $0xb8;
	[tilespmem:$0xDB20] =	vst v63  }
0x179: {  	_ =	swait.ge [sflag:s7], $0x6400  }
0x17a: {  	[sflag:s7] =	ssyncset.done $0x0  }
0x17b: {  	s23 =	sadd.s32 $0xAF00, s22;
	[sflag:s7] =	ssyncadd.s32 $0xFFFF9C00  }
0x17c: {  	[hbm4b:s23+s2] =	stream.linear.scatter [tilespmem:s28], [sflag:$0x3], $0x6400, $0x38;
	[tilespmem:$0xDB20] =	vst v63  }
0x17d: {  	_ =	swait.ge [sflag:s8], $0x6400  }
0x17e: {  	[sflag:s8] =	ssyncset.done $0x0  }
0x17f: {  	[sflag:s8] =	ssyncadd.s32 $0xFFFF9C00  }
0x180: {  	[tilespmem:s28], [sflag:$0x1] =	stream.indirect.gather [spmem:s1], $0x80, s24, s26, $0xb8;
	[tilespmem:$0xDB20] =	vst v63  }
0x181: {  	s23 =	simm.s32 $0x3A0  }
0x182: {  	[tilespmem:s30], [sflag:$0x1] =	stream.indirect.gather [spmem:s1], $0x80, s23, s26, $0xb8;
	[tilespmem:$0xDB20] =	vst v63  }
0x183: {  	_ =	swait.ge [sflag:s11], $0x6400  }
0x184: {  	[sflag:s11] =	ssyncset.done $0x0  }
0x185: {  	p1 =	sne.s32 s20, $0xAF000;
	s22 =	sadd.s32 $0xBB80, s22;
	[sflag:s11] =	ssyncadd.s32 $0xFFFF9C00  }
0x186: {  	[hbm4b:s22+s2] =	stream.linear.scatter [tilespmem:s0], [sflag:$0x4], $0x6400, $0x38;
	[tilespmem:$0xDB20] =	vst v63  }
.Ltmp0:
0x187: {  	_ = 	snop;
	(pc) =	sbr.rel @p1 .LBB2_2-.Ltmp0, $4  }
0x188: {  	_ =	swait.ge [sflag:s12], $0x6400  }
0x189: {  	[sflag:s12] =	ssyncset.done $0x0  }
0x18a: {  	s20 =	sadd.s32 $0xC800, s20;
	s21 =	sadd.s32 $0x200, s21;
	[sflag:s12] =	ssyncadd.s32 $0xFFFF9C00  }
0x18b: {  	[tilespmem:s0], [sflag:$0x2] =	stream.indirect.gather [spmem:s1], $0x80, s29, s26, $0xb8;
	[tilespmem:$0xDB20] =	vst v63  }
0x18c: {  	s20 =	simm.s32 $0x4A0  }
0x18d: {  	[tilespmem:s5], [sflag:$0x2] =	stream.indirect.gather [spmem:s1], $0x80, s20, s26, $0xb8;
	[tilespmem:$0xDB20] =	vst v63  }
0x18e: {  	s22 =	rddreg [dreg:$0x7]  }
0x18f: {  	[tilespmem:s6], [sflag:$0x5] =	stream.linear.gather [hbm4b:s22+s2], $0x800, $0x38;
	[tilespmem:$0xDB20] =	vst v63  }
0x190: {  	_ =	swait.ge [sflag:s25], $0x800  }
0x191: {  	[sflag:s25] =	ssyncset.done $0x0  }
0x192: {  	[sflag:s25] =	ssyncadd.s32 $0xFFFFF800  }
0x193: {  	_ =	swait.ge [sflag:s7], $0x6400  }
0x194: {  	[sflag:s7] =	ssyncset.done $0x0  }
0x195: {  	s21 =	rddreg [dreg:$0x8];
	[sflag:s7] =	ssyncadd.s32 $0xFFFF9C00  }
0x196: {  	[hbm4b:s21+s2] =	stream.linear.scatter [tilespmem:s28], [sflag:$0x3], $0x6400, $0x38;
	[tilespmem:$0xDB20] =	vst v63  }
0x197: {  	_ =	swait.ge [sflag:s8], $0x6400  }
0x198: {  	[sflag:s8] =	ssyncset.done $0x0  }
0x199: {  	s22 =	simm.s32 $0x520;
	[sflag:s8] =	ssyncadd.s32 $0xFFFF9C00  }
0x19a: {  	[tilespmem:s28], [sflag:$0x1] =	stream.indirect.gather [spmem:s1], $0x80, s22, s26, $0xb8;
	[tilespmem:$0xDB20] =	vst v63  }
0x19b: {  	s21 =	simm.s32 $0x5A0  }
0x19c: {  	[tilespmem:s30], [sflag:$0x1] =	stream.indirect.gather [spmem:s1], $0x80, s21, s26, $0xb8;
	[tilespmem:$0xDB20] =	vst v63  }
0x19d: {  	_ =	swait.ge [sflag:s11], $0x6400  }
0x19e: {  	[sflag:s11] =	ssyncset.done $0x0  }
0x19f: {  	s22 =	rddreg [dreg:$0x9];
	[sflag:s11] =	ssyncadd.s32 $0xFFFF9C00  }
0x1a0: {  	[hbm4b:s22+s2] =	stream.linear.scatter [tilespmem:s0], [sflag:$0x4], $0x6400, $0x38;
	[tilespmem:$0xDB20] =	vst v63  }
0x1a1: {  	_ =	swait.ge [sflag:s12], $0x6400  }
0x1a2: {  	[sflag:s12] =	ssyncset.done $0x0  }
0x1a3: {  	s21 =	simm.s32 $0x620;
	[sflag:s12] =	ssyncadd.s32 $0xFFFF9C00  }
0x1a4: {  	[tilespmem:s0], [sflag:$0x2] =	stream.indirect.gather [spmem:s1], $0x80, s21, s26, $0xb8;
	[tilespmem:$0xDB20] =	vst v63  }
0x1a5: {  	s22 =	simm.s32 $0x6A0  }
0x1a6: {  	[tilespmem:s5], [sflag:$0x2] =	stream.indirect.gather [spmem:s1], $0x80, s22, s26, $0xb8;
	[tilespmem:$0xDB20] =	vst v63  }
0x1a7: {  	_ =	swait.ge [sflag:s7], $0x6400  }
0x1a8: {  	[sflag:s7] =	ssyncset.done $0x0  }
0x1a9: {  	s21 =	rddreg [dreg:$0xa];
	[sflag:s7] =	ssyncadd.s32 $0xFFFF9C00  }
0x1aa: {  	[hbm4b:s21+s2] =	stream.linear.scatter [tilespmem:s28], [sflag:$0x3], $0x6400, $0x38;
	[tilespmem:$0xDB20] =	vst v63  }
0x1ab: {  	_ =	swait.ge [sflag:s8], $0x6400  }
0x1ac: {  	[sflag:s8] =	ssyncset.done $0x0  }
0x1ad: {  	s22 =	simm.s32 $0x720;
	[sflag:s8] =	ssyncadd.s32 $0xFFFF9C00  }
0x1ae: {  	[tilespmem:s28], [sflag:$0x1] =	stream.indirect.gather [spmem:s1], $0x80, s22, s26, $0xb8;
	[tilespmem:$0xDB20] =	vst v63  }
0x1af: {  	s21 =	simm.s32 $0x7A0  }
0x1b0: {  	[tilespmem:s30], [sflag:$0x1] =	stream.indirect.gather [spmem:s1], $0x80, s21, s26, $0xb8;
	[tilespmem:$0xDB20] =	vst v63  }
0x1b1: {  	_ =	swait.ge [sflag:s11], $0x6400  }
0x1b2: {  	[sflag:s11] =	ssyncset.done $0x0  }
0x1b3: {  	s22 =	rddreg [dreg:$0xb];
	[sflag:s11] =	ssyncadd.s32 $0xFFFF9C00  }
0x1b4: {  	[hbm4b:s22+s2] =	stream.linear.scatter [tilespmem:s0], [sflag:$0x4], $0x6400, $0x38;
	[tilespmem:$0xDB20] =	vst v63  }
0x1b5: {  	_ =	swait.ge [sflag:s12], $0x6400  }
0x1b6: {  	[sflag:s12] =	ssyncset.done $0x0  }
0x1b7: {  	s21 =	simm.s32 $0x820;
	[sflag:s12] =	ssyncadd.s32 $0xFFFF9C00  }
0x1b8: {  	[tilespmem:s0], [sflag:$0x2] =	stream.indirect.gather [spmem:s1], $0x80, s21, s26, $0xb8;
	[tilespmem:$0xDB20] =	vst v63  }
0x1b9: {  	s22 =	simm.s32 $0x8A0  }
0x1ba: {  	[tilespmem:s5], [sflag:$0x2] =	stream.indirect.gather [spmem:s1], $0x80, s22, s26, $0xb8;
	[tilespmem:$0xDB20] =	vst v63  }
0x1bb: {  	_ =	swait.ge [sflag:s7], $0x6400  }
0x1bc: {  	[sflag:s7] =	ssyncset.done $0x0  }
0x1bd: {  	s21 =	rddreg [dreg:$0xc];
	[sflag:s7] =	ssyncadd.s32 $0xFFFF9C00  }
0x1be: {  	[hbm4b:s21+s2] =	stream.linear.scatter [tilespmem:s28], [sflag:$0x3], $0x6400, $0x38;
	[tilespmem:$0xDB20] =	vst v63  }
0x1bf: {  	_ =	swait.ge [sflag:s8], $0x6400  }
0x1c0: {  	[sflag:s8] =	ssyncset.done $0x0  }
0x1c1: {  	s22 =	simm.s32 $0x920;
	[sflag:s8] =	ssyncadd.s32 $0xFFFF9C00  }
0x1c2: {  	[tilespmem:s28], [sflag:$0x1] =	stream.indirect.gather [spmem:s1], $0x80, s22, s26, $0xb8;
	[tilespmem:$0xDB20] =	vst v63  }
0x1c3: {  	s21 =	simm.s32 $0x9A0  }
0x1c4: {  	[tilespmem:s30], [sflag:$0x1] =	stream.indirect.gather [spmem:s1], $0x80, s21, s26, $0xb8;
	[tilespmem:$0xDB20] =	vst v63  }
0x1c5: {  	_ =	swait.ge [sflag:s11], $0x6400  }
0x1c6: {  	[sflag:s11] =	ssyncset.done $0x0  }
0x1c7: {  	s22 =	rddreg [dreg:$0xd];
	[sflag:s11] =	ssyncadd.s32 $0xFFFF9C00  }
0x1c8: {  	[hbm4b:s22+s2] =	stream.linear.scatter [tilespmem:s0], [sflag:$0x4], $0x6400, $0x38;
	[tilespmem:$0xDB20] =	vst v63  }
0x1c9: {  	_ =	swait.ge [sflag:s12], $0x6400  }
0x1ca: {  	[sflag:s12] =	ssyncset.done $0x0  }
0x1cb: {  	s21 =	simm.s32 $0xA20;
	[sflag:s12] =	ssyncadd.s32 $0xFFFF9C00  }
0x1cc: {  	[tilespmem:s0], [sflag:$0x2] =	stream.indirect.gather [spmem:s1], $0x80, s21, s26, $0xb8;
	[tilespmem:$0xDB20] =	vst v63  }
0x1cd: {  	s22 =	simm.s32 $0xAA0  }
0x1ce: {  	[tilespmem:s5], [sflag:$0x2] =	stream.indirect.gather [spmem:s1], $0x80, s22, s26, $0xb8;
	[tilespmem:$0xDB20] =	vst v63  }
0x1cf: {  	_ =	swait.ge [sflag:s7], $0x6400  }
0x1d0: {  	[sflag:s7] =	ssyncset.done $0x0  }
0x1d1: {  	s21 =	rddreg [dreg:$0xe];
	[sflag:s7] =	ssyncadd.s32 $0xFFFF9C00  }
0x1d2: {  	[hbm4b:s21+s2] =	stream.linear.scatter [tilespmem:s28], [sflag:$0x3], $0x6400, $0x38;
	[tilespmem:$0xDB20] =	vst v63  }
0x1d3: {  	_ =	swait.ge [sflag:s8], $0x6400  }
0x1d4: {  	[sflag:s8] =	ssyncset.done $0x0  }
0x1d5: {  	[sflag:s8] =	ssyncadd.s32 $0xFFFF9C00  }
0x1d6: {  	[tilespmem:s28], [sflag:$0x1] =	stream.indirect.gather [spmem:s1], $0x80, s6, s26, $0xb8;
	[tilespmem:$0xDB20] =	vst v63  }
0x1d7: {  	s22 =	simm.s32 $0xBA0  }
0x1d8: {  	[tilespmem:s30], [sflag:$0x1] =	stream.indirect.gather [spmem:s1], $0x80, s22, s26, $0xb8;
	[tilespmem:$0xDB20] =	vst v63  }
0x1d9: {  	_ =	swait.ge [sflag:s11], $0x6400  }
0x1da: {  	[sflag:s11] =	ssyncset.done $0x0  }
0x1db: {  	s21 =	rddreg [dreg:$0xf];
	[sflag:s11] =	ssyncadd.s32 $0xFFFF9C00  }
0x1dc: {  	[hbm4b:s21+s2] =	stream.linear.scatter [tilespmem:s0], [sflag:$0x4], $0x6400, $0x38;
	[tilespmem:$0xDB20] =	vst v63  }
0x1dd: {  	_ =	swait.ge [sflag:s12], $0x6400  }
0x1de: {  	[sflag:s12] =	ssyncset.done $0x0  }
0x1df: {  	s22 =	simm.s32 $0xC20;
	[sflag:s12] =	ssyncadd.s32 $0xFFFF9C00  }
0x1e0: {  	[tilespmem:s0], [sflag:$0x2] =	stream.indirect.gather [spmem:s1], $0x80, s22, s26, $0xb8;
	[tilespmem:$0xDB20] =	vst v63  }
0x1e1: {  	s21 =	simm.s32 $0xCA0  }
0x1e2: {  	[tilespmem:s5], [sflag:$0x2] =	stream.indirect.gather [spmem:s1], $0x80, s21, s26, $0xb8;
	[tilespmem:$0xDB20] =	vst v63  }
0x1e3: {  	_ =	swait.ge [sflag:s7], $0x6400  }
0x1e4: {  	[sflag:s7] =	ssyncset.done $0x0  }
0x1e5: {  	s22 =	rddreg [dreg:$0x10];
	[sflag:s7] =	ssyncadd.s32 $0xFFFF9C00  }
0x1e6: {  	[hbm4b:s22+s2] =	stream.linear.scatter [tilespmem:s28], [sflag:$0x3], $0x6400, $0x38;
	[tilespmem:$0xDB20] =	vst v63  }
0x1e7: {  	_ =	swait.ge [sflag:s8], $0x6400  }
0x1e8: {  	[sflag:s8] =	ssyncset.done $0x0  }
0x1e9: {  	[sflag:s8] =	ssyncadd.s32 $0xFFFF9C00  }
0x1ea: {  	[tilespmem:s28], [sflag:$0x1] =	stream.indirect.gather [spmem:s1], $0x80, s31, s26, $0xb8;
	[tilespmem:$0xDB20] =	vst v63  }
0x1eb: {  	_ = 	snop  }
0x1ec: {  	[tilespmem:s30], [sflag:$0x1] =	stream.indirect.gather [spmem:s1], $0x80, s3, s26, $0xb8;
	[tilespmem:$0xDB20] =	vst v63  }
0x1ed: {  	_ =	swait.ge [sflag:s11], $0x6400  }
0x1ee: {  	[sflag:s11] =	ssyncset.done $0x0  }
0x1ef: {  	s21 =	rddreg [dreg:$0x11];
	[sflag:s11] =	ssyncadd.s32 $0xFFFF9C00  }
0x1f0: {  	[hbm4b:s21+s2] =	stream.linear.scatter [tilespmem:s0], [sflag:$0x4], $0x6400, $0x38;
	[tilespmem:$0xDB20] =	vst v63  }
0x1f1: {  	_ =	swait.ge [sflag:s12], $0x6400  }
0x1f2: {  	[sflag:s12] =	ssyncset.done $0x0  }
0x1f3: {  	[sflag:s12] =	ssyncadd.s32 $0xFFFF9C00  }
0x1f4: {  	[tilespmem:s0], [sflag:$0x2] =	stream.indirect.gather [spmem:s1], $0x80, s9, s26, $0xb8;
	[tilespmem:$0xDB20] =	vst v63  }
0x1f5: {  	_ = 	snop  }
0x1f6: {  	[tilespmem:s5], [sflag:$0x2] =	stream.indirect.gather [spmem:s1], $0x80, s10, s26, $0xb8;
	[tilespmem:$0xDB20] =	vst v63  }
0x1f7: {  	_ =	swait.ge [sflag:s7], $0x6400  }
0x1f8: {  	[sflag:s7] =	ssyncset.done $0x0  }
0x1f9: {  	s22 =	rddreg [dreg:$0x12];
	[sflag:s7] =	ssyncadd.s32 $0xFFFF9C00  }
0x1fa: {  	[hbm4b:s22+s2] =	stream.linear.scatter [tilespmem:s28], [sflag:$0x3], $0x6400, $0x38;
	[tilespmem:$0xDB20] =	vst v63  }
0x1fb: {  	_ =	swait.ge [sflag:s8], $0x6400  }
0x1fc: {  	[sflag:s8] =	ssyncset.done $0x0  }
0x1fd: {  	[sflag:s8] =	ssyncadd.s32 $0xFFFF9C00  }
0x1fe: {  	[tilespmem:s28], [sflag:$0x1] =	stream.indirect.gather [spmem:s1], $0x80, s13, s26, $0xb8;
	[tilespmem:$0xDB20] =	vst v63  }
0x1ff: {  	_ = 	snop  }
0x200: {  	[tilespmem:s30], [sflag:$0x1] =	stream.indirect.gather [spmem:s1], $0x80, s14, s26, $0xb8;
	[tilespmem:$0xDB20] =	vst v63  }
0x201: {  	_ =	swait.ge [sflag:s11], $0x6400  }
0x202: {  	[sflag:s11] =	ssyncset.done $0x0  }
0x203: {  	s21 =	rddreg [dreg:$0x13];
	[sflag:s11] =	ssyncadd.s32 $0xFFFF9C00  }
0x204: {  	[hbm4b:s21+s2] =	stream.linear.scatter [tilespmem:s0], [sflag:$0x4], $0x6400, $0x38;
	[tilespmem:$0xDB20] =	vst v63  }
0x205: {  	_ =	swait.ge [sflag:s12], $0x6400  }
0x206: {  	[sflag:s12] =	ssyncset.done $0x0  }
0x207: {  	[sflag:s12] =	ssyncadd.s32 $0xFFFF9C00  }
0x208: {  	[tilespmem:s0], [sflag:$0x2] =	stream.indirect.gather [spmem:s1], $0x80, s15, s26, $0xb8;
	[tilespmem:$0xDB20] =	vst v63  }
0x209: {  	_ = 	snop  }
0x20a: {  	[tilespmem:s5], [sflag:$0x2] =	stream.indirect.gather [spmem:s1], $0x80, s16, s26, $0xb8;
	[tilespmem:$0xDB20] =	vst v63  }
0x20b: {  	_ =	swait.ge [sflag:s7], $0x6400  }
0x20c: {  	[sflag:s7] =	ssyncset.done $0x0  }
0x20d: {  	s22 =	rddreg [dreg:$0x14];
	[sflag:s7] =	ssyncadd.s32 $0xFFFF9C00  }
0x20e: {  	[hbm4b:s22+s2] =	stream.linear.scatter [tilespmem:s28], [sflag:$0x3], $0x6400, $0x38;
	[tilespmem:$0xDB20] =	vst v63  }
0x20f: {  	_ =	swait.ge [sflag:s8], $0x6400  }
0x210: {  	[sflag:s8] =	ssyncset.done $0x0  }
0x211: {  	[sflag:s8] =	ssyncadd.s32 $0xFFFF9C00  }
0x212: {  	[tilespmem:s28], [sflag:$0x1] =	stream.indirect.gather [spmem:s1], $0x80, s17, s26, $0xb8;
	[tilespmem:$0xDB20] =	vst v63  }
0x213: {  	_ = 	snop  }
0x214: {  	[tilespmem:s30], [sflag:$0x1] =	stream.indirect.gather [spmem:s1], $0x80, s18, s26, $0xb8;
	[tilespmem:$0xDB20] =	vst v63  }
0x215: {  	_ =	swait.ge [sflag:s11], $0x6400  }
0x216: {  	[sflag:s11] =	ssyncset.done $0x0  }
0x217: {  	s21 =	rddreg [dreg:$0x15];
	[sflag:s11] =	ssyncadd.s32 $0xFFFF9C00  }
0x218: {  	[hbm4b:s21+s2] =	stream.linear.scatter [tilespmem:s0], [sflag:$0x4], $0x6400, $0x38;
	[tilespmem:$0xDB20] =	vst v63  }
0x219: {  	_ =	swait.ge [sflag:s12], $0x6400  }
0x21a: {  	[sflag:s12] =	ssyncset.done $0x0  }
0x21b: {  	[sflag:s12] =	ssyncadd.s32 $0xFFFF9C00  }
0x21c: {  	[tilespmem:s0], [sflag:$0x2] =	stream.indirect.gather [spmem:s1], $0x80, s19, s26, $0xb8;
	[tilespmem:$0xDB20] =	vst v63  }
0x21d: {  	_ = 	snop  }
0x21e: {  	[tilespmem:s5], [sflag:$0x2] =	stream.indirect.gather [spmem:s1], $0x80, s4, s26, $0xb8;
	[tilespmem:$0xDB20] =	vst v63  }
0x21f: {  	_ =	swait.ge [sflag:s7], $0x6400  }
0x220: {  	[sflag:s7] =	ssyncset.done $0x0  }
0x221: {  	s22 =	rddreg [dreg:$0x16];
	[sflag:s7] =	ssyncadd.s32 $0xFFFF9C00  }
0x222: {  	[hbm4b:s22+s2] =	stream.linear.scatter [tilespmem:s28], [sflag:$0x3], $0x6400, $0x38;
	[tilespmem:$0xDB20] =	vst v63  }
0x223: {  	_ =	swait.ge [sflag:s11], $0x6400  }
0x224: {  	[sflag:s11] =	ssyncset.done $0x0  }
0x225: {  	s21 =	rddreg [dreg:$0x17];
	[sflag:s11] =	ssyncadd.s32 $0xFFFF9C00  }
0x226: {  	[hbm4b:s21+s2] =	stream.linear.scatter [tilespmem:s0], [sflag:$0x4], $0x6400, $0x38;
	[tilespmem:$0xDB20] =	vst v63  }
0x227: {  	_ =	swait.ge [sflag:s8], $0x6400  }
0x228: {  	[sflag:s8] =	ssyncset.done $0x0  }
0x229: {  	[sflag:s8] =	ssyncadd.s32 $0xFFFF9C00  }
0x22a: {  	_ =	swait.ge [sflag:s12], $0x6400  }
0x22b: {  	s21 =	rddreg [dreg:$0x1a]  }
0x22c: {  	s22 =	rddreg [dreg:$0x18];
	s21 =	sadd.s32 $0x1, s21  }
0x22d: {  	p1 =	sne.s32 s21, s22  }
.Ltmp1:
0x22e: {  	_ = 	snop;
	(pc) =	sbr.rel @p1 .LBB2_1-.Ltmp1, $3  }
0x22f: {  	_ =	sdelay $0x1  }
0x230: {  	[sflag:s12] =	ssyncset.done $0x0  }
0x231: {  	[sflag:s12] =	ssyncadd.s32 $0xFFFF9C00  }
0x232: {  	_ =	sfence.sel $0x180000  }
0x233: {  	[bflag:$0x0] =	sbarrier.arrive $0xFFFF  }
0x234: {  	_ =	strace $0x90000047  }
0x235: {  	[bflag:$0x2] =	sbarrier.arrive $0xFFFF  }
0x236: {  	s0 =	rddreg [dreg:$0x3]  }
0x237: {  	s0 =	sadd.s32 @!p0 $0x100000, s0  }
0x238: {  	[sflag:s0] =	ssyncadd.tile.s32 @!p0 $0x1;
	_ =	shalt  }
.Lfunc_end2:
_tile_overlayer_lowered:
.L_overlay_start_2:
0x239: {  	(tag) =	ssettag $0x2  }
0x23a: {  	s0 =	rddreg [dreg:$0x0];
	s2 =	stileid.u32  }
0x23b: {  	s1 =	rddreg [dreg:$0x1];
	p0 =	sne.s32 s2, $0x0  }
0x23c: {  	s3 =	rddreg [dreg:$0x2];
	[bflag:$0x3] =	sbarrier.arrive $0xFFFF;
	s2 =	simm.s32 @!p0 $0x1C05  }
0x23d: {  	[timem:s3], [sflag:s2] =	dma.local @!p0 [hbm:s0], s1  }
0x23e: {  	s0 =	simm.s32 @!p0 $0x5  }
0x23f: {  	_ =	swait.ge @!p0 [sflag:s0], s1  }
0x240: {  	s1 =	ssub.s32 @!p0 $0x0, s1;
	[sflag:s0] =	ssyncset.done @!p0 $0x0  }
0x241: {  	[sflag:s0] =	ssyncadd.s32 @!p0 s1  }
0x242: {  	[bflag:$0x3] =	sbarrier.arrive $0xFFFF  }
0x243: {  	_ =	shalt  }

// kernel: sparse-core-data-format-call.cloned.1.call-start
scs
called_computation_lowered:
.L_overlay_start_0:
0x0: {  	s2 =	sld [smem:$0x3FD9]  }
0x1: {  	s3 =	sld [smem:$0x3FFE];
	_ =	sdelay $0x1  }
0x2: {  	s1 =	srdreg.scid  }
0x3: {  	s0 =	sand.u32 $0x1, s1  }
0x4: {  	s18 =	sshll.u32 s0, $0xA;
	s2 =	sadd.s32 s3, s2  }
0x5: {  	s2 =	sadd.s32 s2, s18  }
0x6: {  	[smem:$0x3FC6] =	sst s2  }
0x7: {  	_ = 	snop  }
0x8: {  	s2 =	sld [smem:$0x3FD0];
	(tm) =	ssettm $0x1  }
0x9: {  	s19 =	sld [smem:$0x3FFB];
	_ =	sdelay $0x3  }
0xa: {  	_ =	strace s19  }
0xb: {  	s3 =	sld [smem:$0x3FFC];
	_ =	sdelay $0x3  }
0xc: {  	_ =	strace s3  }
0xd: {  	s3 =	sld [smem:$0x3FFD];
	_ =	sdelay $0x3  }
0xe: {  	_ =	strace s3  }
0xf: {  	_ =	strace $0x8FFFFFFF  }
0x10: {  	s20 =	sld [smem:$0x3FDB];
	_ =	sdelay $0x1  }
0x11: {  	s4 =	simm.s32 $_scs_section_size  }
0x12: {  	s5 =	simm.s32 $_size__tile_overlayer_lowered;
	s6 =	simm.s32 $_tile_overlayer_lowered  }
0x13: {  	s23 =	simm.s32 $0x1BFF;
	s22 =	sshll.u32 s6, $0x1;
	s3 =	sadd.s32 s4, s20  }
0x14: {  	s7 =	simm.s32 $0x0;
	s21 =	sshll.u32 s5, $0x1;
	s5 =	sadd.s32 s22, s3  }
0x15: {  	[timem:s7], [sflag:s23] =	dma.local [hbm:s5], s21  }
0x16: {  	_ =	swait.ge [sflag:s23], s21  }
0x17: {  	s4 =	ssub.s32 $0x0, s21;
	[sflag:s23] =	ssyncset.done $0x0  }
0x18: {  	[sflag:s23] =	ssyncadd.s32 s4;
	_ =	sdelay $0x1  }
0x19: {  	s24 =	simm.s32 $0x1B8B  }
0x1a: {  	_ =	swait.ge [sflag:s24], $0x1  }
0x1b: {  	[sflag:s24] =	ssyncset.done $0x0  }
0x1c: {  	s26 =	simm.s32 $0x1B8E;
	s25 =	sld [smem:$0x3FFE];
	[sflag:s24] =	ssyncadd.s32 $0xFFFFFFFF  }
0x1d: {  	s27 =	simm.s32 $execute0_lowered;
	[smem:$0x3FD2] =	sst s26  }
0x1e: {  	s5 =	sshll.u32 s27, $0x1;
	_ =	strace $0x80000049;
	[dreg:$0x1] =	wrdreg $0xFFFFFFFF  }
0x1f: {  	s28 =	simm.s32 $_size_execute0_lowered;
	s3 =	sadd.s32 s3, s5;
	[dreg:$0x0] =	wrdreg $0x0  }
0x20: {  	s5 =	sshll.u32 s28, $0x1;
	[dreg:$0x2] =	wrdreg s3  }
0x21: {  	[dreg:$0x3] =	wrdreg s5  }
0x22: {  	[dreg:$0x4] =	wrdreg $0xC0  }
0x23: {  	_ =	task [dreg:s7], $0x5FFFF  }
0x24: {  	[dreg:$0x1] =	wrdreg $0xFFFFFFFF  }
0x25: {  	[dreg:$0x0] =	wrdreg $0x60  }
0x26: {  	[dreg:$0x2] =	wrdreg s25  }
0x27: {  	[dreg:$0x3] =	wrdreg s2  }
0x28: {  	[dreg:$0x4] =	wrdreg $0x9  }
0x29: {  	_ =	task.clear_ibuf [dreg:s7], $0x5FFFF;
	_ =	strace $0x90000049  }
0x2a: {  	s29 =	simm.s32 $0x9;
	_ =	strace $0x8000004B  }
0x2b: {  	_ =	swait.ge [sflag:s29], $0x1  }
0x2c: {  	[sflag:s29] =	ssyncadd.s32 $0xFFFFFFFF  }
0x2d: {  	_ =	strace $0x9000004B  }
0x2e: {  	_ =	sfence  }
0x2f: {  	s30 =	sld [smem:$0x0];
	_ =	sdelay $0x2  }
0x30: {  	s31 =	sshll.u32 s1, $0xD;
	s1 =	sshrl.u32 s1, $0x2  }
0x31: {  	s3 =	sand.u32 $0x4000, s31;
	s1 =	sadd.s32 s1, s30  }
0x32: {  	s0 =	sor.u32 s3, s0;
	s1 =	sshll.u32 s1, $0x11  }
0x33: {  	s0 =	sor.u32 s1, s0  }
0x34: {  	s0 =	sadd.s32 $0x8F2B, s0  }
0x35: {  	[sflag:s0] =	ssyncadd.remote.s32 $0x1  }
0x36: {  	_ =	sfence.sel $0xFFFF  }
0x37: {  	[dreg:$0x0] =	wrdreg $0xFFFFFFFF;
	(pc) =	sbr.abs _section_cstart, $3  }
0x38: {  	[dreg:$0x1] =	wrdreg $0xFFFFFFFF  }
0x39: {  	_ =	task.clear_ibuf [dreg:s7], $0x2FFFF;
	_ =	strace $0x9FFFFFFF  }
0x3a: {  	(tm) =	ssettm $0x7FFFFFFF  }
0x3b: {  	_ =	shalt  }
tec
execute0_lowered:
.L_overlay_start_1:
0x0: {  	(tag) =	ssettag $0x1  }
0x1: {  	s0 =	srdreg.scid  }
0x2: {  	s1 =	sshll.u32 s0, $0x4  }
0x3: {  	s0 =	stileid.u32;
	s1 =	sand.u32 $0x10, s1  }
0x4: {  	s1 =	sor.u32 s0, s1  }
0x5: {  	s6 =	rddreg [dreg:$0x0];
	s4 =	simm.s32 $0x1;
	s2 =	sshll.u32 s1, $0x7  }
0x6: {  	s7 =	simm.s32 $0x2;
	s12 =	simm.s32 $0x0;
	s1 =	ssub.s32 $0x4000, s2  }
0x7: {  	s8 =	simm.s32 $0x20000;
	s13 =	simm.s32 $0x0;
	s3 =	sand.u32 $0xF80, s1  }
0x8: {  	s9 =	simm.s32 $0x0;
	s5 =	sshrl.u32 s1, $0xC;
	p0 =	sne.s32 s3, $0x0  }
.Ltmp0:
0x9: {  	s1 =	rddreg [dreg:$0x2];
	s4 =	simm.s32 @!p0 $0x0;
	(pc) =	sbr.rel .LBB1_1-.Ltmp0, $4  }
0xa: {  	s11 =	simm.s32 $0x0;
	s3 =	rddreg [dreg:$0x1];
	s5 =	sadd.s32 s4, s5  }
0xb: {  	_ =	strace $0x8000004A;
	s4 =	simm.s32 $0x1;
	s5 =	smul.u32 $0xC8, s5  }
0xc: {  	s6 =	sadd.s32 $0xC00, s6;
	s10 =	smov.u32 s2;
	[sflag:s4] =	ssyncpa.u1 $0x0  }
0xd: {  	p0 =	por $0x0, $0x0;
	[sflag:s7] =	ssyncpa.u1 $0x0;
	s7 =	sor.u32 $0x1, s5  }
.LBB1_4:
0xe: {  	s16 =	sshll.u32 s13, $0x3;
	s17 =	sand.u32 $0x78, s13  }
0xf: {  	s30 =	sand.u32 $0x1F800, s13;
	s12 =	sshll.u32 s12, $0x11;
	s16 =	sand.u32 $0x3C00, s16  }
0x10: {  	[tilespmem:s15+$0x810 ss:$0x81] =	vst.msk $0xffff, v2;
	s31 =	sand.u32 $0x7, s13;
	s16 =	sor.u32 s17, s16;
	s17 =	sadd.s32 s3, s30  }
0x11: {  	[tilespmem:s15+$0x1020 ss:$0x81] =	vst.msk $0xffff, v0;
	s13 =	sshll.u32 s31, $0x12;
	s12 =	sadd.s32 s12, s17;
	s16 =	sshrl.u32 s16, $0x3  }
0x12: {  	[tilespmem:s15+$0x0 ss:$0x81] =	vst.msk $0xffff, v1;
	s13 =	sor.u32 $0x400, s13;
	s12 =	sadd.s32 s16, s12  }
0x13: {  	[hbm4b:s12+s13] =	stream.strided.scatter [tilespmem:s14], [sflag:$0x2], $0x2000, s8, s13, $0x20;
	[tilespmem:$0x8080] =	vst v63  }
.LBB1_5:
0x14: {  	s14 =	sadd.s32 $0x1, s9  }
0x15: {  	s12 =	sadd.s32 $0x1000, s10;
	s16 =	smov.u32 s10;
	p2 =	sgt.s32 s14, $0xC7  }
0x16: {  	s16 =	smov.u32 @p2 s12  }
0x17: {  	s14 =	simm.s32 @p2 $0x0;
	p2 =	sgt.s32 s16, $0x3FFF  }
0x18: {  	s16 =	smov.u32 @p2 s2;
	p2 =	sne.s32 s11, s7  }
.Ltmp1:
0x19: {  	p1 =	slt.u32 s11, $0x2;
	(pc) =	sbr.rel @!p2 .LBB1_6-.Ltmp1, $4  }
0x1a: {  	s15 =	simm.s32 @!p1 $0x2  }
0x1b: {  	s13 =	smov.u32 s10;
	p0 =	por !p0, !p0;
	_ =	swait.ge @!p1 [sflag:s15], $0x2000  }
0x1c: {  	s12 =	smov.u32 s9;
	[sflag:s15] =	ssyncset.done @!p1 $0x0;
	s9 =	smov.u32 s14  }
0x1d: {  	s11 =	sadd.s32 $0x1, s11;
	[sflag:s15] =	ssyncadd.s32 @!p1 $0xFFFFE000;
	s10 =	smov.u32 s16  }
.LBB1_1:
0x1e: {  	p1 =	sge.u32 s11, s5  }
0x1f: {  	s14 =	sand.u32 @!p1 $0x1FFFFFF, s9  }
0x20: {  	s15 =	smulhi.u32 @!p1 $0x147AE15, s14;
	_ =	sdelay $0x1  }
0x21: {  	s15 =	smul.u32 @!p1 $0xC8, s15  }
0x22: {  	s16 =	sxor.u32 @!p1 $0xFFFFFFFF, s11;
	s17 =	smul.u32 @!p1 $0xC80, s10  }
0x23: {  	s31 =	sadd.s32 $0xFFFFFFFF, s11;
	s16 =	sshll.u32 @!p1 s16, $0xD;
	s14 =	ssub.s32 @!p1 s14, s15  }
0x24: {  	s15 =	sand.u32 @!p1 $0x2000, s16;
	s16 =	sadd.s32 @!p1 s6, s17;
	s14 =	sshll.u32 @!p1 s14, $0x4  }
0x25: {  	s17 =	simm.s32 @!p1 $0x6400;
	s14 =	sadd.s32 @!p1 s14, s16;
	s16 =	simm.s32 @!p1 $0x40  }
0x26: {  	[tilespmem:s15], [sflag:$0x1] =	stream.strided.gather @!p1 [hbm4b:s14+s16], $0x2000, s17, s16, $0x38;
	[tilespmem:$0x8080] =	vst v63  }
0x27: {  	p1 =	sge.u32 s31, s5  }
.Ltmp2:
0x28: {  	_ = 	snop;
	(pc) =	sbr.rel @p1 .LBB1_5-.Ltmp2, $1  }
0x29: {  	_ =	sdelay $0x3  }
0x2a: {  	s14 =	simm.s32 $0x1  }
0x2b: {  	_ =	swait.ge [sflag:s4], $0x2000;
	s14 =	simm.s32 @!p0 $0x0  }
0x2c: {  	[sflag:s4] =	ssyncset.done $0x0;
	s15 =	sshll.u32 s14, $0xD  }
0x2d: {  	[sflag:s4] =	ssyncadd.s32 $0xFFFFE000;
	s18 =	sor.u32 $0x20, s15  }
0x2e: {  	s14 =	smul.u32 $0x8100, s14;
	v3 =	vld [tilespmem:s18+$0x10]  }
0x2f: {  	s30 =	sand.u32 $0x1, s11;
	v2 =	vld [tilespmem:s18+$0xFFFFFFF0]  }
0x30: {  	s15 =	smul.u32 $0x8100, s30;
	s14 =	sshrl.u32 s14, $0x2;
	v0 =	vld [tilespmem:s18+$0x0]  }
0x31: {  	v1 =	vld [tilespmem:s18+$0xFFFFFFE0];
	s16 =	sor.u32 $0x4000, s14  }
0x32: {  	s31 =	sshrl.u32 s15, $0x2;
	s15 =	sadd.s32 $0x0, s16  }
0x33: {  	s17 =	simm.s32 $0x4;
	s18 =	sadd.s32 $0x40, s18;
	s14 =	sor.u32 $0x4000, s31;
	[tilespmem:s15+$0x1830 ss:$0x81] =	vst.msk $0xffff, v3  }
.LBB1_3:
0x34: {  	v3 =	vld [tilespmem:s18+$0x10];
	p1 =	sne.s32 s17, $0x1FC;
	[tilespmem:s15+$0x810 ss:$0x81] =	vst.msk $0xffff, v2;
	s19 =	smov.u32 s17;
	s17 =	sadd.s32 $0x4, s17  }
.Ltmp3:
0x35: {  	v2 =	vld [tilespmem:s18+$0xFFFFFFF0];
	[tilespmem:s15+$0x1020 ss:$0x81] =	vst.msk $0xffff, v0;
	(pc) =	sbr.rel @p1 .LBB1_3-.Ltmp3, $4  }
0x36: {  	v0 =	vld [tilespmem:s18+$0x0];
	[tilespmem:s15+$0x0 ss:$0x81] =	vst.msk $0xffff, v1  }
0x37: {  	s15 =	sshra.s32 s19, $0x2;
	v1 =	vld [tilespmem:s18+$0xFFFFFFE0]  }
0x38: {  	s15 =	sadd.s32 s15, s16  }
0x39: {  	s18 =	sadd.s32 $0x40, s18;
	[tilespmem:s15+$0x1830 ss:$0x81] =	vst.msk $0xffff, v3  }
.Ltmp4:
0x3a: {  	_ = 	snop;
	(pc) =	sbr.rel .LBB1_4-.Ltmp4, $1  }
0x3b: {  	_ =	sdelay $0x3  }
.LBB1_6:
0x3c: {  	_ =	sfence.sel $0x180000  }
0x3d: {  	s2 =	simm.s32 $0x1;
	[bflag:$0x0] =	sbarrier.arrive $0xFFFF  }
0x3e: {  	s31 =	simm.s32 $0x2;
	[sflag:s2] =	ssyncpa.u1 $0x1  }
0x3f: {  	[sflag:s31] =	ssyncpa.u1 $0x1  }
0x40: {  	p0 =	sne.s32 s0, $0x0;
	_ =	strace $0x9000004A  }
0x41: {  	s0 =	sadd.s32 @!p0 $0x100000, s1;
	[bflag:$0x2] =	sbarrier.arrive $0xFFFF  }
0x42: {  	[sflag:s0] =	ssyncadd.tile.s32 @!p0 $0x1;
	_ =	shalt  }
.Lfunc_end1:
_tile_overlayer_lowered:
.L_overlay_start_2:
0x43: {  	(tag) =	ssettag $0x2  }
0x44: {  	s0 =	rddreg [dreg:$0x0];
	s2 =	stileid.u32  }
0x45: {  	s1 =	rddreg [dreg:$0x1];
	p0 =	sne.s32 s2, $0x0  }
0x46: {  	s3 =	rddreg [dreg:$0x2];
	[bflag:$0x3] =	sbarrier.arrive $0xFFFF;
	s2 =	simm.s32 @!p0 $0x1C01  }
0x47: {  	[timem:s3], [sflag:s2] =	dma.local @!p0 [hbm:s0], s1  }
0x48: {  	s0 =	simm.s32 @!p0 $0x1  }
0x49: {  	_ =	swait.ge @!p0 [sflag:s0], s1  }
0x4a: {  	s1 =	ssub.s32 @!p0 $0x0, s1;
	[sflag:s0] =	ssyncset.done @!p0 $0x0  }
0x4b: {  	[sflag:s0] =	ssyncadd.s32 @!p0 s1  }
0x4c: {  	[bflag:$0x3] =	sbarrier.arrive $0xFFFF  }
0x4d: {  	_ =	shalt  }

</sc_bundles>
